<compile_context>
chip_gen: v7x
topology: tpu7x:2x2x1
jax: 0.10.2.dev20260603
libtpu: 0.0.44.dev20260713+nightly
codegen_flags: <defaults>
</compile_context>

<pallas_src>
import functools

import jax
import jax.numpy as jnp
from jax import lax
from jax.experimental import pallas as pl
from jax.experimental.pallas import tpu as pltpu
from jax.experimental.pallas import tpu_sc as plsc

BATCH = 16384
INPUT_WIDTH = 1024
OUTPUT_WIDTH = 2048

NUM_CORES = 2
NUM_SUBCORES = 16
NUM_WORKERS = NUM_CORES * NUM_SUBCORES
ROWS_PER_WORKER = BATCH // NUM_WORKERS
CHUNK_ROWS = 16
NUM_CHUNKS = ROWS_PER_WORKER // CHUNK_ROWS
LANES = 16
COL_GROUPS = OUTPUT_WIDTH // LANES


def _sc_body(
    x_hbm, idx_hbm, out_hbm,
    idx_v, x_v0, x_v1, o_v0, o_v1,
    in_s0, in_s1, out_s0, out_s1,
):
    x_bufs = (x_v0, x_v1)
    o_bufs = (o_v0, o_v1)
    in_sems = (in_s0, in_s1)
    out_sems = (out_s0, out_s1)

    wid = lax.axis_index("s") * NUM_CORES + lax.axis_index("c")
    base_row = wid * ROWS_PER_WORKER

    def in_slice(chunk):
        return x_hbm.at[pl.ds((base_row + chunk * CHUNK_ROWS), CHUNK_ROWS)]

    def out_slice(chunk):
        return out_hbm.at[pl.ds((base_row + chunk * CHUNK_ROWS), CHUNK_ROWS)]

    HALF = CHUNK_ROWS // 2

    def compute_half(xb, ob, half):
        @plsc.parallel_loop(0, COL_GROUPS)
        def col_body(jb):
            col = idx_v[pl.ds(jb * LANES, LANES)]
            for r in range(half * HALF, (half + 1) * HALF):
                row_sel = jnp.full((LANES,), r, jnp.int32)
                vals = plsc.load_gather(xb, [row_sel, col])
                ob[r, pl.ds(jb * LANES, LANES)] = vals

    pltpu.sync_copy(idx_hbm, idx_v)

    pltpu.async_copy(in_slice(0), x_bufs[0], in_sems[0])
    pltpu.async_copy(in_slice(1), x_bufs[1], in_sems[1])

    def out_half_slice(chunk, half):
        row0 = base_row + chunk * CHUNK_ROWS + half * HALF
        return out_hbm.at[pl.ds(row0, HALF)]

    def compute_and_store(chunk, b):
        for half in (0, 1):
            compute_half(x_bufs[b], o_bufs[b], half)
            pltpu.async_copy(
                o_bufs[b].at[pl.ds(half * HALF, HALF)],
                out_half_slice(chunk, half),
                out_sems[b],
            )

    for b in (0, 1):
        pltpu.make_async_copy(in_slice(b), x_bufs[b], in_sems[b]).wait()
        compute_and_store(b, b)
        pltpu.async_copy(in_slice(b + 2), x_bufs[b], in_sems[b])

    def loop_body(k, carry):
        for b in (0, 1):
            chunk = 2 * k + b
            pltpu.make_async_copy(in_slice(chunk), x_bufs[b], in_sems[b]).wait()
            pltpu.make_async_copy(
                o_bufs[b], out_slice(chunk - 2), out_sems[b]
            ).wait()
            compute_and_store(chunk, b)

            @pl.when(chunk + 2 < NUM_CHUNKS)
            def _prefetch():
                pltpu.async_copy(in_slice(chunk + 2), x_bufs[b], in_sems[b])

        return carry

    lax.fori_loop(1, NUM_CHUNKS // 2, loop_body, 0)

    for b in (0, 1):
        pltpu.make_async_copy(
            o_bufs[b], out_slice(NUM_CHUNKS - 2 + b), out_sems[b]
        ).wait()


def kernel(X, indices):
    mesh = plsc.VectorSubcoreMesh(core_axis_name="c", subcore_axis_name="s")
    f = functools.partial(
        pl.kernel,
        mesh=mesh,
        out_type=jax.ShapeDtypeStruct((BATCH, OUTPUT_WIDTH), jnp.float32),
        compiler_params=pltpu.CompilerParams(
            needs_layout_passes=False,
            use_tc_tiling_on_sc=True,
        ),
        scratch_types=[
            pltpu.VMEM((OUTPUT_WIDTH,), jnp.int32),
            pltpu.VMEM((CHUNK_ROWS, INPUT_WIDTH), jnp.float32),
            pltpu.VMEM((CHUNK_ROWS, INPUT_WIDTH), jnp.float32),
            pltpu.VMEM((CHUNK_ROWS, OUTPUT_WIDTH), jnp.float32),
            pltpu.VMEM((CHUNK_ROWS, OUTPUT_WIDTH), jnp.float32),
            pltpu.SemaphoreType.DMA,
            pltpu.SemaphoreType.DMA,
            pltpu.SemaphoreType.DMA,
            pltpu.SemaphoreType.DMA,
        ],
    )(_sc_body)
    return f(X, indices.astype(jnp.int32))

# --- scband reference (transcript-rebuilt; emitter-appended) ---
"""Pipeline reference for scband-shuffle-85220741087980 (READ-ONLY COPY).

The authoritative reference and input builder live on the scoring server;
editing this copy changes nothing except your own understanding.
"""

import jax, jax.numpy as jnp
import numpy as np

BATCH = 16384
INPUT_WIDTH = 1024
OUTPUT_WIDTH = 2048


def setup_inputs(seed: int = 0) -> dict:
    key = jax.random.key(seed)
    kx, kp = jax.random.split(key)
    X = jax.random.normal(kx, (BATCH, INPUT_WIDTH), dtype=jnp.float32)
    # Replicate the torch buffer construction:
    # rep_indices = arange(input_width).repeat(ceil(output_width/input_width))
    # indices = rep_indices[randperm(output_width)][:output_width]
    reps = (OUTPUT_WIDTH + INPUT_WIDTH - 1) // INPUT_WIDTH
    rep_indices = jnp.tile(jnp.arange(INPUT_WIDTH, dtype=jnp.int32), reps)
    perm = jax.random.permutation(kp, OUTPUT_WIDTH)
    indices = rep_indices[perm][:OUTPUT_WIDTH]
    return {"X": X, "indices": indices}


def reference(X, indices):
    # forward: X[:, self.indices] -> column gather
    assert X.shape[1] == INPUT_WIDTH
    return jnp.take(X, indices, axis=1)

if __name__ == "__main__":
    import jax
    _d = setup_inputs()
    print(jax.jit(kernel)(*tuple(_d.values())))

</pallas_src>

<mosaic_0001>
#map = affine_map<(d0, d1) -> (0, 0)>
#map1 = affine_map<(d0, d1) -> (0)>
module attributes {stable_mosaic.version = 14 : i64} {
  func.func @_sc_body(%arg0: i32, %arg1: i32, %arg2: memref<16384x1024xf32, #tpu.memory_space<hbm>>, %arg3: memref<2048xi32, #tpu.memory_space<hbm>>, %arg4: memref<16384x2048xf32, #tpu.memory_space<hbm>>, %arg5: memref<2048xi32, #tpu.memory_space<vmem>>, %arg6: memref<16x1024xf32, #tpu.memory_space<vmem>>, %arg7: memref<16x1024xf32, #tpu.memory_space<vmem>>, %arg8: memref<16x2048xf32, #tpu.memory_space<vmem>>, %arg9: memref<16x2048xf32, #tpu.memory_space<vmem>>, %arg10: memref<!tpu.dma_semaphore, #tpu.memory_space<semaphore_mem>>, %arg11: memref<!tpu.dma_semaphore, #tpu.memory_space<semaphore_mem>>, %arg12: memref<!tpu.dma_semaphore, #tpu.memory_space<semaphore_mem>>, %arg13: memref<!tpu.dma_semaphore, #tpu.memory_space<semaphore_mem>>) attributes {dimension_semantics = [#tpu.dimension_semantics<core_parallel>, #tpu.dimension_semantics<subcore_parallel>], iteration_bounds = array<i64: 2, 16>, scalar_prefetch = 0 : i64, scratch_operands = 9 : i64, tpu.core_type = #tpu.core_type<sc_vector_subcore>, window_params = [{transform_indices = #map}, {transform_indices = #map1}, {transform_indices = #map}]} {
    %mul3A = arith.constant 2 : i32
    %mul3A_0 = arith.muli %arg1, %mul3A : i32
    %add3A = arith.addi %mul3A_0, %arg0 : i32
    %mul3A_1 = arith.constant 512 : i32
    %mul3A_2 = arith.muli %add3A, %mul3A_1 : i32
    "tpu.region"() ({
      %run_scoped3A = tpu.sem_alloc : memref<!tpu.dma_semaphore, #tpu.memory_space<semaphore_mem>>
      tpu.enqueue_dma source(%arg3 : memref<2048xi32, #tpu.memory_space<hbm>>) target(%arg5 : memref<2048xi32, #tpu.memory_space<vmem>>) target_semaphore(%run_scoped3A : memref<!tpu.dma_semaphore, #tpu.memory_space<semaphore_mem>>)
      tpu.wait_dma2 semaphore(%run_scoped3A : memref<!tpu.dma_semaphore, #tpu.memory_space<semaphore_mem>>) src(%arg3 : memref<2048xi32, #tpu.memory_space<hbm>>) dst(%arg5 : memref<2048xi32, #tpu.memory_space<vmem>>)
      tpu.yield
    }) : () -> ()
    %add3A_3 = arith.constant 0 : i32
    %add3A_4 = arith.addi %mul3A_2, %add3A_3 : i32
    %dma_start3A = arith.constant 0 : i32
    %dma_start3A_5 = tpu.memref_slice %arg2[%add3A_4, %dma_start3A] : memref<16384x1024xf32, #tpu.memory_space<hbm>> -> memref<16x1024xf32, #tpu.memory_space<hbm>>
    %dma_start3A_6 = arith.constant 0 : i32
    %dma_start3A_7 = tpu.memref_slice %arg2[%add3A_4, %dma_start3A_6] : memref<16384x1024xf32, #tpu.memory_space<hbm>> -> memref<16x1024xf32, #tpu.memory_space<hbm>>
    tpu.enqueue_dma source(%dma_start3A_7 : memref<16x1024xf32, #tpu.memory_space<hbm>>) target(%arg6 : memref<16x1024xf32, #tpu.memory_space<vmem>>) target_semaphore(%arg10 : memref<!tpu.dma_semaphore, #tpu.memory_space<semaphore_mem>>)
    %add3A_8 = arith.constant 16 : i32
    %add3A_9 = arith.addi %mul3A_2, %add3A_8 : i32
    %dma_start3A_10 = arith.constant 0 : i32
    %dma_start3A_11 = tpu.memref_slice %arg2[%add3A_9, %dma_start3A_10] : memref<16384x1024xf32, #tpu.memory_space<hbm>> -> memref<16x1024xf32, #tpu.memory_space<hbm>>
    %dma_start3A_12 = arith.constant 0 : i32
    %dma_start3A_13 = tpu.memref_slice %arg2[%add3A_9, %dma_start3A_12] : memref<16384x1024xf32, #tpu.memory_space<hbm>> -> memref<16x1024xf32, #tpu.memory_space<hbm>>
    tpu.enqueue_dma source(%dma_start3A_13 : memref<16x1024xf32, #tpu.memory_space<hbm>>) target(%arg7 : memref<16x1024xf32, #tpu.memory_space<vmem>>) target_semaphore(%arg11 : memref<!tpu.dma_semaphore, #tpu.memory_space<semaphore_mem>>)
    %add3A_14 = arith.constant 0 : i32
    %add3A_15 = arith.addi %mul3A_2, %add3A_14 : i32
    %dma_wait3A = arith.constant 0 : i32
    %dma_wait3A_16 = tpu.memref_slice %arg2[%add3A_15, %dma_wait3A] : memref<16384x1024xf32, #tpu.memory_space<hbm>> -> memref<16x1024xf32, #tpu.memory_space<hbm>>
    %dma_wait3A_17 = arith.constant 0 : i32
    %dma_wait3A_18 = tpu.memref_slice %arg2[%add3A_15, %dma_wait3A_17] : memref<16384x1024xf32, #tpu.memory_space<hbm>> -> memref<16x1024xf32, #tpu.memory_space<hbm>>
    tpu.wait_dma2 semaphore(%arg10 : memref<!tpu.dma_semaphore, #tpu.memory_space<semaphore_mem>>) src(%dma_wait3A_18 : memref<16x1024xf32, #tpu.memory_space<hbm>>) dst(%arg6 : memref<16x1024xf32, #tpu.memory_space<vmem>>)
    %parallel_loop3A = arith.constant 0 : i32
    %parallel_loop3A_19 = arith.constant 128 : i32
    %parallel_loop3A_20 = arith.constant 1 : i32
    scf.for %parallel_loop3A_121 = %parallel_loop3A to %parallel_loop3A_19 step %parallel_loop3A_20  : i32 {
      %parallel_loop3A_122 = arith.constant 16 : i32
      %parallel_loop3A_123 = arith.muli %parallel_loop3A_121, %parallel_loop3A_122 : i32
      %parallel_loop3A_124 = arith.index_cast %parallel_loop3A_123 : i32 to index
      %parallel_loop3A_125 = tpu.vector_load %arg5[%parallel_loop3A_124] {strides = array<i32>} : memref<2048xi32, #tpu.memory_space<vmem>>, vector<16xi32>,
      %parallel_loop3A_126 = arith.constant 0 : i32
      %parallel_loop3A_127 = vector.broadcast %parallel_loop3A_126 : i32 to vector<16xi32>
      %parallel_loop3A_128 = tpu.vector_load_idx %arg6[%parallel_loop3A_127, %parallel_loop3A_125] : memref<16x1024xf32, #tpu.memory_space<vmem>>[vector<16xi32>, vector<16xi32>], vector<16xf32>,
      %parallel_loop3A_129 = arith.constant 16 : i32
      %parallel_loop3A_130 = arith.muli %parallel_loop3A_121, %parallel_loop3A_129 : i32
      %parallel_loop3A_131 = arith.constant 0 : i32
      %parallel_loop3A_132 = arith.index_cast %parallel_loop3A_131 : i32 to index
      %parallel_loop3A_133 = arith.index_cast %parallel_loop3A_130 : i32 to index
      %parallel_loop3A_134 = tpu.vector_load %arg8[%parallel_loop3A_132, %parallel_loop3A_133] {strides = array<i32>} : memref<16x2048xf32, #tpu.memory_space<vmem>>, vector<16xf32>,
      tpu.vector_store %arg8[%parallel_loop3A_132, %parallel_loop3A_133], %parallel_loop3A_128 {strides = array<i32>} : memref<16x2048xf32, #tpu.memory_space<vmem>>, vector<16xf32>,
      %parallel_loop3A_135 = arith.constant 1 : i32
      %parallel_loop3A_136 = vector.broadcast %parallel_loop3A_135 : i32 to vector<16xi32>
      %parallel_loop3A_137 = tpu.vector_load_idx %arg6[%parallel_loop3A_136, %parallel_loop3A_125] : memref<16x1024xf32, #tpu.memory_space<vmem>>[vector<16xi32>, vector<16xi32>], vector<16xf32>,
      %parallel_loop3A_138 = arith.constant 16 : i32
      %parallel_loop3A_139 = arith.muli %parallel_loop3A_121, %parallel_loop3A_138 : i32
      %parallel_loop3A_140 = arith.constant 1 : i32
      %parallel_loop3A_141 = arith.index_cast %parallel_loop3A_140 : i32 to index
      %parallel_loop3A_142 = arith.index_cast %parallel_loop3A_139 : i32 to index
      %parallel_loop3A_143 = tpu.vector_load %arg8[%parallel_loop3A_141, %parallel_loop3A_142] {strides = array<i32>} : memref<16x2048xf32, #tpu.memory_space<vmem>>, vector<16xf32>,
      tpu.vector_store %arg8[%parallel_loop3A_141, %parallel_loop3A_142], %parallel_loop3A_137 {strides = array<i32>} : memref<16x2048xf32, #tpu.memory_space<vmem>>, vector<16xf32>,
      %parallel_loop3A_144 = arith.constant 2 : i32
      %parallel_loop3A_145 = vector.broadcast %parallel_loop3A_144 : i32 to vector<16xi32>
      %parallel_loop3A_146 = tpu.vector_load_idx %arg6[%parallel_loop3A_145, %parallel_loop3A_125] : memref<16x1024xf32, #tpu.memory_space<vmem>>[vector<16xi32>, vector<16xi32>], vector<16xf32>,
      %parallel_loop3A_147 = arith.constant 16 : i32
      %parallel_loop3A_148 = arith.muli %parallel_loop3A_121, %parallel_loop3A_147 : i32
      %parallel_loop3A_149 = arith.constant 2 : i32
      %parallel_loop3A_150 = arith.index_cast %parallel_loop3A_149 : i32 to index
      %parallel_loop3A_151 = arith.index_cast %parallel_loop3A_148 : i32 to index
      %parallel_loop3A_152 = tpu.vector_load %arg8[%parallel_loop3A_150, %parallel_loop3A_151] {strides = array<i32>} : memref<16x2048xf32, #tpu.memory_space<vmem>>, vector<16xf32>,
      tpu.vector_store %arg8[%parallel_loop3A_150, %parallel_loop3A_151], %parallel_loop3A_146 {strides = array<i32>} : memref<16x2048xf32, #tpu.memory_space<vmem>>, vector<16xf32>,
      %parallel_loop3A_153 = arith.constant 3 : i32
      %parallel_loop3A_154 = vector.broadcast %parallel_loop3A_153 : i32 to vector<16xi32>
      %parallel_loop3A_155 = tpu.vector_load_idx %arg6[%parallel_loop3A_154, %parallel_loop3A_125] : memref<16x1024xf32, #tpu.memory_space<vmem>>[vector<16xi32>, vector<16xi32>], vector<16xf32>,
      %parallel_loop3A_156 = arith.constant 16 : i32
      %parallel_loop3A_157 = arith.muli %parallel_loop3A_121, %parallel_loop3A_156 : i32
      %parallel_loop3A_158 = arith.constant 3 : i32
      %parallel_loop3A_159 = arith.index_cast %parallel_loop3A_158 : i32 to index
      %parallel_loop3A_160 = arith.index_cast %parallel_loop3A_157 : i32 to index
      %parallel_loop3A_161 = tpu.vector_load %arg8[%parallel_loop3A_159, %parallel_loop3A_160] {strides = array<i32>} : memref<16x2048xf32, #tpu.memory_space<vmem>>, vector<16xf32>,
      tpu.vector_store %arg8[%parallel_loop3A_159, %parallel_loop3A_160], %parallel_loop3A_155 {strides = array<i32>} : memref<16x2048xf32, #tpu.memory_space<vmem>>, vector<16xf32>,
      %parallel_loop3A_162 = arith.constant 4 : i32
      %parallel_loop3A_163 = vector.broadcast %parallel_loop3A_162 : i32 to vector<16xi32>
      %parallel_loop3A_164 = tpu.vector_load_idx %arg6[%parallel_loop3A_163, %parallel_loop3A_125] : memref<16x1024xf32, #tpu.memory_space<vmem>>[vector<16xi32>, vector<16xi32>], vector<16xf32>,
      %parallel_loop3A_165 = arith.constant 16 : i32
      %parallel_loop3A_166 = arith.muli %parallel_loop3A_121, %parallel_loop3A_165 : i32
      %parallel_loop3A_167 = arith.constant 4 : i32
      %parallel_loop3A_168 = arith.index_cast %parallel_loop3A_167 : i32 to index
      %parallel_loop3A_169 = arith.index_cast %parallel_loop3A_166 : i32 to index
      %parallel_loop3A_170 = tpu.vector_load %arg8[%parallel_loop3A_168, %parallel_loop3A_169] {strides = array<i32>} : memref<16x2048xf32, #tpu.memory_space<vmem>>, vector<16xf32>,
      tpu.vector_store %arg8[%parallel_loop3A_168, %parallel_loop3A_169], %parallel_loop3A_164 {strides = array<i32>} : memref<16x2048xf32, #tpu.memory_space<vmem>>, vector<16xf32>,
      %parallel_loop3A_171 = arith.constant 5 : i32
      %parallel_loop3A_172 = vector.broadcast %parallel_loop3A_171 : i32 to vector<16xi32>
      %parallel_loop3A_173 = tpu.vector_load_idx %arg6[%parallel_loop3A_172, %parallel_loop3A_125] : memref<16x1024xf32, #tpu.memory_space<vmem>>[vector<16xi32>, vector<16xi32>], vector<16xf32>,
      %parallel_loop3A_174 = arith.constant 16 : i32
      %parallel_loop3A_175 = arith.muli %parallel_loop3A_121, %parallel_loop3A_174 : i32
      %parallel_loop3A_176 = arith.constant 5 : i32
      %parallel_loop3A_177 = arith.index_cast %parallel_loop3A_176 : i32 to index
      %parallel_loop3A_178 = arith.index_cast %parallel_loop3A_175 : i32 to index
      %parallel_loop3A_179 = tpu.vector_load %arg8[%parallel_loop3A_177, %parallel_loop3A_178] {strides = array<i32>} : memref<16x2048xf32, #tpu.memory_space<vmem>>, vector<16xf32>,
      tpu.vector_store %arg8[%parallel_loop3A_177, %parallel_loop3A_178], %parallel_loop3A_173 {strides = array<i32>} : memref<16x2048xf32, #tpu.memory_space<vmem>>, vector<16xf32>,
      %parallel_loop3A_180 = arith.constant 6 : i32
      %parallel_loop3A_181 = vector.broadcast %parallel_loop3A_180 : i32 to vector<16xi32>
      %parallel_loop3A_182 = tpu.vector_load_idx %arg6[%parallel_loop3A_181, %parallel_loop3A_125] : memref<16x1024xf32, #tpu.memory_space<vmem>>[vector<16xi32>, vector<16xi32>], vector<16xf32>,
      %parallel_loop3A_183 = arith.constant 16 : i32
      %parallel_loop3A_184 = arith.muli %parallel_loop3A_121, %parallel_loop3A_183 : i32
      %parallel_loop3A_185 = arith.constant 6 : i32
      %parallel_loop3A_186 = arith.index_cast %parallel_loop3A_185 : i32 to index
      %parallel_loop3A_187 = arith.index_cast %parallel_loop3A_184 : i32 to index
      %parallel_loop3A_188 = tpu.vector_load %arg8[%parallel_loop3A_186, %parallel_loop3A_187] {strides = array<i32>} : memref<16x2048xf32, #tpu.memory_space<vmem>>, vector<16xf32>,
      tpu.vector_store %arg8[%parallel_loop3A_186, %parallel_loop3A_187], %parallel_loop3A_182 {strides = array<i32>} : memref<16x2048xf32, #tpu.memory_space<vmem>>, vector<16xf32>,
      %parallel_loop3A_189 = arith.constant 7 : i32
      %parallel_loop3A_190 = vector.broadcast %parallel_loop3A_189 : i32 to vector<16xi32>
      %parallel_loop3A_191 = tpu.vector_load_idx %arg6[%parallel_loop3A_190, %parallel_loop3A_125] : memref<16x1024xf32, #tpu.memory_space<vmem>>[vector<16xi32>, vector<16xi32>], vector<16xf32>,
      %parallel_loop3A_192 = arith.constant 16 : i32
      %parallel_loop3A_193 = arith.muli %parallel_loop3A_121, %parallel_loop3A_192 : i32
      %parallel_loop3A_194 = arith.constant 7 : i32
      %parallel_loop3A_195 = arith.index_cast %parallel_loop3A_194 : i32 to index
      %parallel_loop3A_196 = arith.index_cast %parallel_loop3A_193 : i32 to index
      %parallel_loop3A_197 = tpu.vector_load %arg8[%parallel_loop3A_195, %parallel_loop3A_196] {strides = array<i32>} : memref<16x2048xf32, #tpu.memory_space<vmem>>, vector<16xf32>,
      tpu.vector_store %arg8[%parallel_loop3A_195, %parallel_loop3A_196], %parallel_loop3A_191 {strides = array<i32>} : memref<16x2048xf32, #tpu.memory_space<vmem>>, vector<16xf32>,
    } {sc.loop_unroll_factor = 1 : i64, sc.parallel_access}
    %add3A_21 = arith.constant 0 : i32
    %add3A_22 = arith.addi %mul3A_2, %add3A_21 : i32
    %add3A_23 = arith.constant 0 : i32
    %add3A_24 = arith.addi %add3A_22, %add3A_23 : i32
    %dma_start3A_25 = arith.constant 0 : i32
    %dma_start3A_26 = arith.constant 0 : i32
    %dma_start3A_27 = tpu.memref_slice %arg8[%dma_start3A_25, %dma_start3A_26] : memref<16x2048xf32, #tpu.memory_space<vmem>> -> memref<8x2048xf32, #tpu.memory_space<vmem>>
    %dma_start3A_28 = arith.constant 0 : i32
    %dma_start3A_29 = tpu.memref_slice %arg4[%add3A_24, %dma_start3A_28] : memref<16384x2048xf32, #tpu.memory_space<hbm>> -> memref<8x2048xf32, #tpu.memory_space<hbm>>
    %dma_start3A_30 = arith.constant 0 : i32
    %dma_start3A_31 = tpu.memref_slice %arg4[%add3A_24, %dma_start3A_30] : memref<16384x2048xf32, #tpu.memory_space<hbm>> -> memref<8x2048xf32, #tpu.memory_space<hbm>>
    %dma_start3A_32 = arith.constant 0 : i32
    %dma_start3A_33 = arith.constant 0 : i32
    %dma_start3A_34 = tpu.memref_slice %arg8[%dma_start3A_32, %dma_start3A_33] : memref<16x2048xf32, #tpu.memory_space<vmem>> -> memref<8x2048xf32, #tpu.memory_space<vmem>>
    tpu.enqueue_dma source(%dma_start3A_34 : memref<8x2048xf32, #tpu.memory_space<vmem>>) target(%dma_start3A_31 : memref<8x2048xf32, #tpu.memory_space<hbm>>) target_semaphore(%arg12 : memref<!tpu.dma_semaphore, #tpu.memory_space<semaphore_mem>>)
    %parallel_loop3A_35 = arith.constant 0 : i32
    %parallel_loop3A_36 = arith.constant 128 : i32
    %parallel_loop3A_37 = arith.constant 1 : i32
    scf.for %parallel_loop3A_121 = %parallel_loop3A_35 to %parallel_loop3A_36 step %parallel_loop3A_37  : i32 {
      %parallel_loop3A_122 = arith.constant 16 : i32
      %parallel_loop3A_123 = arith.muli %parallel_loop3A_121, %parallel_loop3A_122 : i32
      %parallel_loop3A_124 = arith.index_cast %parallel_loop3A_123 : i32 to index
      %parallel_loop3A_125 = tpu.vector_load %arg5[%parallel_loop3A_124] {strides = array<i32>} : memref<2048xi32, #tpu.memory_space<vmem>>, vector<16xi32>,
      %parallel_loop3A_126 = arith.constant 8 : i32
      %parallel_loop3A_127 = vector.broadcast %parallel_loop3A_126 : i32 to vector<16xi32>
      %parallel_loop3A_128 = tpu.vector_load_idx %arg6[%parallel_loop3A_127, %parallel_loop3A_125] : memref<16x1024xf32, #tpu.memory_space<vmem>>[vector<16xi32>, vector<16xi32>], vector<16xf32>,
      %parallel_loop3A_129 = arith.constant 16 : i32
      %parallel_loop3A_130 = arith.muli %parallel_loop3A_121, %parallel_loop3A_129 : i32
      %parallel_loop3A_131 = arith.constant 8 : i32
      %parallel_loop3A_132 = arith.index_cast %parallel_loop3A_131 : i32 to index
      %parallel_loop3A_133 = arith.index_cast %parallel_loop3A_130 : i32 to index
      %parallel_loop3A_134 = tpu.vector_load %arg8[%parallel_loop3A_132, %parallel_loop3A_133] {strides = array<i32>} : memref<16x2048xf32, #tpu.memory_space<vmem>>, vector<16xf32>,
      tpu.vector_store %arg8[%parallel_loop3A_132, %parallel_loop3A_133], %parallel_loop3A_128 {strides = array<i32>} : memref<16x2048xf32, #tpu.memory_space<vmem>>, vector<16xf32>,
      %parallel_loop3A_135 = arith.constant 9 : i32
      %parallel_loop3A_136 = vector.broadcast %parallel_loop3A_135 : i32 to vector<16xi32>
      %parallel_loop3A_137 = tpu.vector_load_idx %arg6[%parallel_loop3A_136, %parallel_loop3A_125] : memref<16x1024xf32, #tpu.memory_space<vmem>>[vector<16xi32>, vector<16xi32>], vector<16xf32>,
      %parallel_loop3A_138 = arith.constant 16 : i32
      %parallel_loop3A_139 = arith.muli %parallel_loop3A_121, %parallel_loop3A_138 : i32
      %parallel_loop3A_140 = arith.constant 9 : i32
      %parallel_loop3A_141 = arith.index_cast %parallel_loop3A_140 : i32 to index
      %parallel_loop3A_142 = arith.index_cast %parallel_loop3A_139 : i32 to index
      %parallel_loop3A_143 = tpu.vector_load %arg8[%parallel_loop3A_141, %parallel_loop3A_142] {strides = array<i32>} : memref<16x2048xf32, #tpu.memory_space<vmem>>, vector<16xf32>,
      tpu.vector_store %arg8[%parallel_loop3A_141, %parallel_loop3A_142], %parallel_loop3A_137 {strides = array<i32>} : memref<16x2048xf32, #tpu.memory_space<vmem>>, vector<16xf32>,
      %parallel_loop3A_144 = arith.constant 10 : i32
      %parallel_loop3A_145 = vector.broadcast %parallel_loop3A_144 : i32 to vector<16xi32>
      %parallel_loop3A_146 = tpu.vector_load_idx %arg6[%parallel_loop3A_145, %parallel_loop3A_125] : memref<16x1024xf32, #tpu.memory_space<vmem>>[vector<16xi32>, vector<16xi32>], vector<16xf32>,
      %parallel_loop3A_147 = arith.constant 16 : i32
      %parallel_loop3A_148 = arith.muli %parallel_loop3A_121, %parallel_loop3A_147 : i32
      %parallel_loop3A_149 = arith.constant 10 : i32
      %parallel_loop3A_150 = arith.index_cast %parallel_loop3A_149 : i32 to index
      %parallel_loop3A_151 = arith.index_cast %parallel_loop3A_148 : i32 to index
      %parallel_loop3A_152 = tpu.vector_load %arg8[%parallel_loop3A_150, %parallel_loop3A_151] {strides = array<i32>} : memref<16x2048xf32, #tpu.memory_space<vmem>>, vector<16xf32>,
      tpu.vector_store %arg8[%parallel_loop3A_150, %parallel_loop3A_151], %parallel_loop3A_146 {strides = array<i32>} : memref<16x2048xf32, #tpu.memory_space<vmem>>, vector<16xf32>,
      %parallel_loop3A_153 = arith.constant 11 : i32
      %parallel_loop3A_154 = vector.broadcast %parallel_loop3A_153 : i32 to vector<16xi32>
      %parallel_loop3A_155 = tpu.vector_load_idx %arg6[%parallel_loop3A_154, %parallel_loop3A_125] : memref<16x1024xf32, #tpu.memory_space<vmem>>[vector<16xi32>, vector<16xi32>], vector<16xf32>,
      %parallel_loop3A_156 = arith.constant 16 : i32
      %parallel_loop3A_157 = arith.muli %parallel_loop3A_121, %parallel_loop3A_156 : i32
      %parallel_loop3A_158 = arith.constant 11 : i32
      %parallel_loop3A_159 = arith.index_cast %parallel_loop3A_158 : i32 to index
      %parallel_loop3A_160 = arith.index_cast %parallel_loop3A_157 : i32 to index
      %parallel_loop3A_161 = tpu.vector_load %arg8[%parallel_loop3A_159, %parallel_loop3A_160] {strides = array<i32>} : memref<16x2048xf32, #tpu.memory_space<vmem>>, vector<16xf32>,
      tpu.vector_store %arg8[%parallel_loop3A_159, %parallel_loop3A_160], %parallel_loop3A_155 {strides = array<i32>} : memref<16x2048xf32, #tpu.memory_space<vmem>>, vector<16xf32>,
      %parallel_loop3A_162 = arith.constant 12 : i32
      %parallel_loop3A_163 = vector.broadcast %parallel_loop3A_162 : i32 to vector<16xi32>
      %parallel_loop3A_164 = tpu.vector_load_idx %arg6[%parallel_loop3A_163, %parallel_loop3A_125] : memref<16x1024xf32, #tpu.memory_space<vmem>>[vector<16xi32>, vector<16xi32>], vector<16xf32>,
      %parallel_loop3A_165 = arith.constant 16 : i32
      %parallel_loop3A_166 = arith.muli %parallel_loop3A_121, %parallel_loop3A_165 : i32
      %parallel_loop3A_167 = arith.constant 12 : i32
      %parallel_loop3A_168 = arith.index_cast %parallel_loop3A_167 : i32 to index
      %parallel_loop3A_169 = arith.index_cast %parallel_loop3A_166 : i32 to index
      %parallel_loop3A_170 = tpu.vector_load %arg8[%parallel_loop3A_168, %parallel_loop3A_169] {strides = array<i32>} : memref<16x2048xf32, #tpu.memory_space<vmem>>, vector<16xf32>,
      tpu.vector_store %arg8[%parallel_loop3A_168, %parallel_loop3A_169], %parallel_loop3A_164 {strides = array<i32>} : memref<16x2048xf32, #tpu.memory_space<vmem>>, vector<16xf32>,
      %parallel_loop3A_171 = arith.constant 13 : i32
      %parallel_loop3A_172 = vector.broadcast %parallel_loop3A_171 : i32 to vector<16xi32>
      %parallel_loop3A_173 = tpu.vector_load_idx %arg6[%parallel_loop3A_172, %parallel_loop3A_125] : memref<16x1024xf32, #tpu.memory_space<vmem>>[vector<16xi32>, vector<16xi32>], vector<16xf32>,
      %parallel_loop3A_174 = arith.constant 16 : i32
      %parallel_loop3A_175 = arith.muli %parallel_loop3A_121, %parallel_loop3A_174 : i32
      %parallel_loop3A_176 = arith.constant 13 : i32
      %parallel_loop3A_177 = arith.index_cast %parallel_loop3A_176 : i32 to index
      %parallel_loop3A_178 = arith.index_cast %parallel_loop3A_175 : i32 to index
      %parallel_loop3A_179 = tpu.vector_load %arg8[%parallel_loop3A_177, %parallel_loop3A_178] {strides = array<i32>} : memref<16x2048xf32, #tpu.memory_space<vmem>>, vector<16xf32>,
      tpu.vector_store %arg8[%parallel_loop3A_177, %parallel_loop3A_178], %parallel_loop3A_173 {strides = array<i32>} : memref<16x2048xf32, #tpu.memory_space<vmem>>, vector<16xf32>,
      %parallel_loop3A_180 = arith.constant 14 : i32
      %parallel_loop3A_181 = vector.broadcast %parallel_loop3A_180 : i32 to vector<16xi32>
      %parallel_loop3A_182 = tpu.vector_load_idx %arg6[%parallel_loop3A_181, %parallel_loop3A_125] : memref<16x1024xf32, #tpu.memory_space<vmem>>[vector<16xi32>, vector<16xi32>], vector<16xf32>,
      %parallel_loop3A_183 = arith.constant 16 : i32
      %parallel_loop3A_184 = arith.muli %parallel_loop3A_121, %parallel_loop3A_183 : i32
      %parallel_loop3A_185 = arith.constant 14 : i32
      %parallel_loop3A_186 = arith.index_cast %parallel_loop3A_185 : i32 to index
      %parallel_loop3A_187 = arith.index_cast %parallel_loop3A_184 : i32 to index
      %parallel_loop3A_188 = tpu.vector_load %arg8[%parallel_loop3A_186, %parallel_loop3A_187] {strides = array<i32>} : memref<16x2048xf32, #tpu.memory_space<vmem>>, vector<16xf32>,
      tpu.vector_store %arg8[%parallel_loop3A_186, %parallel_loop3A_187], %parallel_loop3A_182 {strides = array<i32>} : memref<16x2048xf32, #tpu.memory_space<vmem>>, vector<16xf32>,
      %parallel_loop3A_189 = arith.constant 15 : i32
      %parallel_loop3A_190 = vector.broadcast %parallel_loop3A_189 : i32 to vector<16xi32>
      %parallel_loop3A_191 = tpu.vector_load_idx %arg6[%parallel_loop3A_190, %parallel_loop3A_125] : memref<16x1024xf32, #tpu.memory_space<vmem>>[vector<16xi32>, vector<16xi32>], vector<16xf32>,
      %parallel_loop3A_192 = arith.constant 16 : i32
      %parallel_loop3A_193 = arith.muli %parallel_loop3A_121, %parallel_loop3A_192 : i32
      %parallel_loop3A_194 = arith.constant 15 : i32
      %parallel_loop3A_195 = arith.index_cast %parallel_loop3A_194 : i32 to index
      %parallel_loop3A_196 = arith.index_cast %parallel_loop3A_193 : i32 to index
      %parallel_loop3A_197 = tpu.vector_load %arg8[%parallel_loop3A_195, %parallel_loop3A_196] {strides = array<i32>} : memref<16x2048xf32, #tpu.memory_space<vmem>>, vector<16xf32>,
      tpu.vector_store %arg8[%parallel_loop3A_195, %parallel_loop3A_196], %parallel_loop3A_191 {strides = array<i32>} : memref<16x2048xf32, #tpu.memory_space<vmem>>, vector<16xf32>,
    } {sc.loop_unroll_factor = 1 : i64, sc.parallel_access}
    %add3A_38 = arith.constant 0 : i32
    %add3A_39 = arith.addi %mul3A_2, %add3A_38 : i32
    %add3A_40 = arith.constant 8 : i32
    %add3A_41 = arith.addi %add3A_39, %add3A_40 : i32
    %dma_start3A_42 = arith.constant 8 : i32
    %dma_start3A_43 = arith.constant 0 : i32
    %dma_start3A_44 = tpu.memref_slice %arg8[%dma_start3A_42, %dma_start3A_43] : memref<16x2048xf32, #tpu.memory_space<vmem>> -> memref<8x2048xf32, #tpu.memory_space<vmem>>
    %dma_start3A_45 = arith.constant 0 : i32
    %dma_start3A_46 = tpu.memref_slice %arg4[%add3A_41, %dma_start3A_45] : memref<16384x2048xf32, #tpu.memory_space<hbm>> -> memref<8x2048xf32, #tpu.memory_space<hbm>>
    %dma_start3A_47 = arith.constant 0 : i32
    %dma_start3A_48 = tpu.memref_slice %arg4[%add3A_41, %dma_start3A_47] : memref<16384x2048xf32, #tpu.memory_space<hbm>> -> memref<8x2048xf32, #tpu.memory_space<hbm>>
    %dma_start3A_49 = arith.constant 8 : i32
    %dma_start3A_50 = arith.constant 0 : i32
    %dma_start3A_51 = tpu.memref_slice %arg8[%dma_start3A_49, %dma_start3A_50] : memref<16x2048xf32, #tpu.memory_space<vmem>> -> memref<8x2048xf32, #tpu.memory_space<vmem>>
    tpu.enqueue_dma source(%dma_start3A_51 : memref<8x2048xf32, #tpu.memory_space<vmem>>) target(%dma_start3A_48 : memref<8x2048xf32, #tpu.memory_space<hbm>>) target_semaphore(%arg12 : memref<!tpu.dma_semaphore, #tpu.memory_space<semaphore_mem>>)
    %add3A_52 = arith.constant 32 : i32
    %add3A_53 = arith.addi %mul3A_2, %add3A_52 : i32
    %dma_start3A_54 = arith.constant 0 : i32
    %dma_start3A_55 = tpu.memref_slice %arg2[%add3A_53, %dma_start3A_54] : memref<16384x1024xf32, #tpu.memory_space<hbm>> -> memref<16x1024xf32, #tpu.memory_space<hbm>>
    %dma_start3A_56 = arith.constant 0 : i32
    %dma_start3A_57 = tpu.memref_slice %arg2[%add3A_53, %dma_start3A_56] : memref<16384x1024xf32, #tpu.memory_space<hbm>> -> memref<16x1024xf32, #tpu.memory_space<hbm>>
    tpu.enqueue_dma source(%dma_start3A_57 : memref<16x1024xf32, #tpu.memory_space<hbm>>) target(%arg6 : memref<16x1024xf32, #tpu.memory_space<vmem>>) target_semaphore(%arg10 : memref<!tpu.dma_semaphore, #tpu.memory_space<semaphore_mem>>)
    %add3A_58 = arith.constant 16 : i32
    %add3A_59 = arith.addi %mul3A_2, %add3A_58 : i32
    %dma_wait3A_60 = arith.constant 0 : i32
    %dma_wait3A_61 = tpu.memref_slice %arg2[%add3A_59, %dma_wait3A_60] : memref<16384x1024xf32, #tpu.memory_space<hbm>> -> memref<16x1024xf32, #tpu.memory_space<hbm>>
    %dma_wait3A_62 = arith.constant 0 : i32
    %dma_wait3A_63 = tpu.memref_slice %arg2[%add3A_59, %dma_wait3A_62] : memref<16384x1024xf32, #tpu.memory_space<hbm>> -> memref<16x1024xf32, #tpu.memory_space<hbm>>
    tpu.wait_dma2 semaphore(%arg11 : memref<!tpu.dma_semaphore, #tpu.memory_space<semaphore_mem>>) src(%dma_wait3A_63 : memref<16x1024xf32, #tpu.memory_space<hbm>>) dst(%arg7 : memref<16x1024xf32, #tpu.memory_space<vmem>>)
    %parallel_loop3A_64 = arith.constant 0 : i32
    %parallel_loop3A_65 = arith.constant 128 : i32
    %parallel_loop3A_66 = arith.constant 1 : i32
    scf.for %parallel_loop3A_121 = %parallel_loop3A_64 to %parallel_loop3A_65 step %parallel_loop3A_66  : i32 {
      %parallel_loop3A_122 = arith.constant 16 : i32
      %parallel_loop3A_123 = arith.muli %parallel_loop3A_121, %parallel_loop3A_122 : i32
      %parallel_loop3A_124 = arith.index_cast %parallel_loop3A_123 : i32 to index
      %parallel_loop3A_125 = tpu.vector_load %arg5[%parallel_loop3A_124] {strides = array<i32>} : memref<2048xi32, #tpu.memory_space<vmem>>, vector<16xi32>,
      %parallel_loop3A_126 = arith.constant 0 : i32
      %parallel_loop3A_127 = vector.broadcast %parallel_loop3A_126 : i32 to vector<16xi32>
      %parallel_loop3A_128 = tpu.vector_load_idx %arg7[%parallel_loop3A_127, %parallel_loop3A_125] : memref<16x1024xf32, #tpu.memory_space<vmem>>[vector<16xi32>, vector<16xi32>], vector<16xf32>,
      %parallel_loop3A_129 = arith.constant 16 : i32
      %parallel_loop3A_130 = arith.muli %parallel_loop3A_121, %parallel_loop3A_129 : i32
      %parallel_loop3A_131 = arith.constant 0 : i32
      %parallel_loop3A_132 = arith.index_cast %parallel_loop3A_131 : i32 to index
      %parallel_loop3A_133 = arith.index_cast %parallel_loop3A_130 : i32 to index
      %parallel_loop3A_134 = tpu.vector_load %arg9[%parallel_loop3A_132, %parallel_loop3A_133] {strides = array<i32>} : memref<16x2048xf32, #tpu.memory_space<vmem>>, vector<16xf32>,
      tpu.vector_store %arg9[%parallel_loop3A_132, %parallel_loop3A_133], %parallel_loop3A_128 {strides = array<i32>} : memref<16x2048xf32, #tpu.memory_space<vmem>>, vector<16xf32>,
      %parallel_loop3A_135 = arith.constant 1 : i32
      %parallel_loop3A_136 = vector.broadcast %parallel_loop3A_135 : i32 to vector<16xi32>
      %parallel_loop3A_137 = tpu.vector_load_idx %arg7[%parallel_loop3A_136, %parallel_loop3A_125] : memref<16x1024xf32, #tpu.memory_space<vmem>>[vector<16xi32>, vector<16xi32>], vector<16xf32>,
      %parallel_loop3A_138 = arith.constant 16 : i32
      %parallel_loop3A_139 = arith.muli %parallel_loop3A_121, %parallel_loop3A_138 : i32
      %parallel_loop3A_140 = arith.constant 1 : i32
      %parallel_loop3A_141 = arith.index_cast %parallel_loop3A_140 : i32 to index
      %parallel_loop3A_142 = arith.index_cast %parallel_loop3A_139 : i32 to index
      %parallel_loop3A_143 = tpu.vector_load %arg9[%parallel_loop3A_141, %parallel_loop3A_142] {strides = array<i32>} : memref<16x2048xf32, #tpu.memory_space<vmem>>, vector<16xf32>,
      tpu.vector_store %arg9[%parallel_loop3A_141, %parallel_loop3A_142], %parallel_loop3A_137 {strides = array<i32>} : memref<16x2048xf32, #tpu.memory_space<vmem>>, vector<16xf32>,
      %parallel_loop3A_144 = arith.constant 2 : i32
      %parallel_loop3A_145 = vector.broadcast %parallel_loop3A_144 : i32 to vector<16xi32>
      %parallel_loop3A_146 = tpu.vector_load_idx %arg7[%parallel_loop3A_145, %parallel_loop3A_125] : memref<16x1024xf32, #tpu.memory_space<vmem>>[vector<16xi32>, vector<16xi32>], vector<16xf32>,
      %parallel_loop3A_147 = arith.constant 16 : i32
      %parallel_loop3A_148 = arith.muli %parallel_loop3A_121, %parallel_loop3A_147 : i32
      %parallel_loop3A_149 = arith.constant 2 : i32
      %parallel_loop3A_150 = arith.index_cast %parallel_loop3A_149 : i32 to index
      %parallel_loop3A_151 = arith.index_cast %parallel_loop3A_148 : i32 to index
      %parallel_loop3A_152 = tpu.vector_load %arg9[%parallel_loop3A_150, %parallel_loop3A_151] {strides = array<i32>} : memref<16x2048xf32, #tpu.memory_space<vmem>>, vector<16xf32>,
      tpu.vector_store %arg9[%parallel_loop3A_150, %parallel_loop3A_151], %parallel_loop3A_146 {strides = array<i32>} : memref<16x2048xf32, #tpu.memory_space<vmem>>, vector<16xf32>,
      %parallel_loop3A_153 = arith.constant 3 : i32
      %parallel_loop3A_154 = vector.broadcast %parallel_loop3A_153 : i32 to vector<16xi32>
      %parallel_loop3A_155 = tpu.vector_load_idx %arg7[%parallel_loop3A_154, %parallel_loop3A_125] : memref<16x1024xf32, #tpu.memory_space<vmem>>[vector<16xi32>, vector<16xi32>], vector<16xf32>,
      %parallel_loop3A_156 = arith.constant 16 : i32
      %parallel_loop3A_157 = arith.muli %parallel_loop3A_121, %parallel_loop3A_156 : i32
      %parallel_loop3A_158 = arith.constant 3 : i32
      %parallel_loop3A_159 = arith.index_cast %parallel_loop3A_158 : i32 to index
      %parallel_loop3A_160 = arith.index_cast %parallel_loop3A_157 : i32 to index
      %parallel_loop3A_161 = tpu.vector_load %arg9[%parallel_loop3A_159, %parallel_loop3A_160] {strides = array<i32>} : memref<16x2048xf32, #tpu.memory_space<vmem>>, vector<16xf32>,
      tpu.vector_store %arg9[%parallel_loop3A_159, %parallel_loop3A_160], %parallel_loop3A_155 {strides = array<i32>} : memref<16x2048xf32, #tpu.memory_space<vmem>>, vector<16xf32>,
      %parallel_loop3A_162 = arith.constant 4 : i32
      %parallel_loop3A_163 = vector.broadcast %parallel_loop3A_162 : i32 to vector<16xi32>
      %parallel_loop3A_164 = tpu.vector_load_idx %arg7[%parallel_loop3A_163, %parallel_loop3A_125] : memref<16x1024xf32, #tpu.memory_space<vmem>>[vector<16xi32>, vector<16xi32>], vector<16xf32>,
      %parallel_loop3A_165 = arith.constant 16 : i32
      %parallel_loop3A_166 = arith.muli %parallel_loop3A_121, %parallel_loop3A_165 : i32
      %parallel_loop3A_167 = arith.constant 4 : i32
      %parallel_loop3A_168 = arith.index_cast %parallel_loop3A_167 : i32 to index
      %parallel_loop3A_169 = arith.index_cast %parallel_loop3A_166 : i32 to index
      %parallel_loop3A_170 = tpu.vector_load %arg9[%parallel_loop3A_168, %parallel_loop3A_169] {strides = array<i32>} : memref<16x2048xf32, #tpu.memory_space<vmem>>, vector<16xf32>,
      tpu.vector_store %arg9[%parallel_loop3A_168, %parallel_loop3A_169], %parallel_loop3A_164 {strides = array<i32>} : memref<16x2048xf32, #tpu.memory_space<vmem>>, vector<16xf32>,
      %parallel_loop3A_171 = arith.constant 5 : i32
      %parallel_loop3A_172 = vector.broadcast %parallel_loop3A_171 : i32 to vector<16xi32>
      %parallel_loop3A_173 = tpu.vector_load_idx %arg7[%parallel_loop3A_172, %parallel_loop3A_125] : memref<16x1024xf32, #tpu.memory_space<vmem>>[vector<16xi32>, vector<16xi32>], vector<16xf32>,
      %parallel_loop3A_174 = arith.constant 16 : i32
      %parallel_loop3A_175 = arith.muli %parallel_loop3A_121, %parallel_loop3A_174 : i32
      %parallel_loop3A_176 = arith.constant 5 : i32
      %parallel_loop3A_177 = arith.index_cast %parallel_loop3A_176 : i32 to index
      %parallel_loop3A_178 = arith.index_cast %parallel_loop3A_175 : i32 to index
      %parallel_loop3A_179 = tpu.vector_load %arg9[%parallel_loop3A_177, %parallel_loop3A_178] {strides = array<i32>} : memref<16x2048xf32, #tpu.memory_space<vmem>>, vector<16xf32>,
      tpu.vector_store %arg9[%parallel_loop3A_177, %parallel_loop3A_178], %parallel_loop3A_173 {strides = array<i32>} : memref<16x2048xf32, #tpu.memory_space<vmem>>, vector<16xf32>,
      %parallel_loop3A_180 = arith.constant 6 : i32
      %parallel_loop3A_181 = vector.broadcast %parallel_loop3A_180 : i32 to vector<16xi32>
      %parallel_loop3A_182 = tpu.vector_load_idx %arg7[%parallel_loop3A_181, %parallel_loop3A_125] : memref<16x1024xf32, #tpu.memory_space<vmem>>[vector<16xi32>, vector<16xi32>], vector<16xf32>,
      %parallel_loop3A_183 = arith.constant 16 : i32
      %parallel_loop3A_184 = arith.muli %parallel_loop3A_121, %parallel_loop3A_183 : i32
      %parallel_loop3A_185 = arith.constant 6 : i32
      %parallel_loop3A_186 = arith.index_cast %parallel_loop3A_185 : i32 to index
      %parallel_loop3A_187 = arith.index_cast %parallel_loop3A_184 : i32 to index
      %parallel_loop3A_188 = tpu.vector_load %arg9[%parallel_loop3A_186, %parallel_loop3A_187] {strides = array<i32>} : memref<16x2048xf32, #tpu.memory_space<vmem>>, vector<16xf32>,
      tpu.vector_store %arg9[%parallel_loop3A_186, %parallel_loop3A_187], %parallel_loop3A_182 {strides = array<i32>} : memref<16x2048xf32, #tpu.memory_space<vmem>>, vector<16xf32>,
      %parallel_loop3A_189 = arith.constant 7 : i32
      %parallel_loop3A_190 = vector.broadcast %parallel_loop3A_189 : i32 to vector<16xi32>
      %parallel_loop3A_191 = tpu.vector_load_idx %arg7[%parallel_loop3A_190, %parallel_loop3A_125] : memref<16x1024xf32, #tpu.memory_space<vmem>>[vector<16xi32>, vector<16xi32>], vector<16xf32>,
      %parallel_loop3A_192 = arith.constant 16 : i32
      %parallel_loop3A_193 = arith.muli %parallel_loop3A_121, %parallel_loop3A_192 : i32
      %parallel_loop3A_194 = arith.constant 7 : i32
      %parallel_loop3A_195 = arith.index_cast %parallel_loop3A_194 : i32 to index
      %parallel_loop3A_196 = arith.index_cast %parallel_loop3A_193 : i32 to index
      %parallel_loop3A_197 = tpu.vector_load %arg9[%parallel_loop3A_195, %parallel_loop3A_196] {strides = array<i32>} : memref<16x2048xf32, #tpu.memory_space<vmem>>, vector<16xf32>,
      tpu.vector_store %arg9[%parallel_loop3A_195, %parallel_loop3A_196], %parallel_loop3A_191 {strides = array<i32>} : memref<16x2048xf32, #tpu.memory_space<vmem>>, vector<16xf32>,
    } {sc.loop_unroll_factor = 1 : i64, sc.parallel_access}
    %add3A_67 = arith.constant 16 : i32
    %add3A_68 = arith.addi %mul3A_2, %add3A_67 : i32
    %add3A_69 = arith.constant 0 : i32
    %add3A_70 = arith.addi %add3A_68, %add3A_69 : i32
    %dma_start3A_71 = arith.constant 0 : i32
    %dma_start3A_72 = arith.constant 0 : i32
    %dma_start3A_73 = tpu.memref_slice %arg9[%dma_start3A_71, %dma_start3A_72] : memref<16x2048xf32, #tpu.memory_space<vmem>> -> memref<8x2048xf32, #tpu.memory_space<vmem>>
    %dma_start3A_74 = arith.constant 0 : i32
    %dma_start3A_75 = tpu.memref_slice %arg4[%add3A_70, %dma_start3A_74] : memref<16384x2048xf32, #tpu.memory_space<hbm>> -> memref<8x2048xf32, #tpu.memory_space<hbm>>
    %dma_start3A_76 = arith.constant 0 : i32
    %dma_start3A_77 = tpu.memref_slice %arg4[%add3A_70, %dma_start3A_76] : memref<16384x2048xf32, #tpu.memory_space<hbm>> -> memref<8x2048xf32, #tpu.memory_space<hbm>>
    %dma_start3A_78 = arith.constant 0 : i32
    %dma_start3A_79 = arith.constant 0 : i32
    %dma_start3A_80 = tpu.memref_slice %arg9[%dma_start3A_78, %dma_start3A_79] : memref<16x2048xf32, #tpu.memory_space<vmem>> -> memref<8x2048xf32, #tpu.memory_space<vmem>>
    tpu.enqueue_dma source(%dma_start3A_80 : memref<8x2048xf32, #tpu.memory_space<vmem>>) target(%dma_start3A_77 : memref<8x2048xf32, #tpu.memory_space<hbm>>) target_semaphore(%arg13 : memref<!tpu.dma_semaphore, #tpu.memory_space<semaphore_mem>>)
    %parallel_loop3A_81 = arith.constant 0 : i32
    %parallel_loop3A_82 = arith.constant 128 : i32
    %parallel_loop3A_83 = arith.constant 1 : i32
    scf.for %parallel_loop3A_121 = %parallel_loop3A_81 to %parallel_loop3A_82 step %parallel_loop3A_83  : i32 {
      %parallel_loop3A_122 = arith.constant 16 : i32
      %parallel_loop3A_123 = arith.muli %parallel_loop3A_121, %parallel_loop3A_122 : i32
      %parallel_loop3A_124 = arith.index_cast %parallel_loop3A_123 : i32 to index
      %parallel_loop3A_125 = tpu.vector_load %arg5[%parallel_loop3A_124] {strides = array<i32>} : memref<2048xi32, #tpu.memory_space<vmem>>, vector<16xi32>,
      %parallel_loop3A_126 = arith.constant 8 : i32
      %parallel_loop3A_127 = vector.broadcast %parallel_loop3A_126 : i32 to vector<16xi32>
      %parallel_loop3A_128 = tpu.vector_load_idx %arg7[%parallel_loop3A_127, %parallel_loop3A_125] : memref<16x1024xf32, #tpu.memory_space<vmem>>[vector<16xi32>, vector<16xi32>], vector<16xf32>,
      %parallel_loop3A_129 = arith.constant 16 : i32
      %parallel_loop3A_130 = arith.muli %parallel_loop3A_121, %parallel_loop3A_129 : i32
      %parallel_loop3A_131 = arith.constant 8 : i32
      %parallel_loop3A_132 = arith.index_cast %parallel_loop3A_131 : i32 to index
      %parallel_loop3A_133 = arith.index_cast %parallel_loop3A_130 : i32 to index
      %parallel_loop3A_134 = tpu.vector_load %arg9[%parallel_loop3A_132, %parallel_loop3A_133] {strides = array<i32>} : memref<16x2048xf32, #tpu.memory_space<vmem>>, vector<16xf32>,
      tpu.vector_store %arg9[%parallel_loop3A_132, %parallel_loop3A_133], %parallel_loop3A_128 {strides = array<i32>} : memref<16x2048xf32, #tpu.memory_space<vmem>>, vector<16xf32>,
      %parallel_loop3A_135 = arith.constant 9 : i32
      %parallel_loop3A_136 = vector.broadcast %parallel_loop3A_135 : i32 to vector<16xi32>
      %parallel_loop3A_137 = tpu.vector_load_idx %arg7[%parallel_loop3A_136, %parallel_loop3A_125] : memref<16x1024xf32, #tpu.memory_space<vmem>>[vector<16xi32>, vector<16xi32>], vector<16xf32>,
      %parallel_loop3A_138 = arith.constant 16 : i32
      %parallel_loop3A_139 = arith.muli %parallel_loop3A_121, %parallel_loop3A_138 : i32
      %parallel_loop3A_140 = arith.constant 9 : i32
      %parallel_loop3A_141 = arith.index_cast %parallel_loop3A_140 : i32 to index
      %parallel_loop3A_142 = arith.index_cast %parallel_loop3A_139 : i32 to index
      %parallel_loop3A_143 = tpu.vector_load %arg9[%parallel_loop3A_141, %parallel_loop3A_142] {strides = array<i32>} : memref<16x2048xf32, #tpu.memory_space<vmem>>, vector<16xf32>,
      tpu.vector_store %arg9[%parallel_loop3A_141, %parallel_loop3A_142], %parallel_loop3A_137 {strides = array<i32>} : memref<16x2048xf32, #tpu.memory_space<vmem>>, vector<16xf32>,
      %parallel_loop3A_144 = arith.constant 10 : i32
      %parallel_loop3A_145 = vector.broadcast %parallel_loop3A_144 : i32 to vector<16xi32>
      %parallel_loop3A_146 = tpu.vector_load_idx %arg7[%parallel_loop3A_145, %parallel_loop3A_125] : memref<16x1024xf32, #tpu.memory_space<vmem>>[vector<16xi32>, vector<16xi32>], vector<16xf32>,
      %parallel_loop3A_147 = arith.constant 16 : i32
      %parallel_loop3A_148 = arith.muli %parallel_loop3A_121, %parallel_loop3A_147 : i32
      %parallel_loop3A_149 = arith.constant 10 : i32
      %parallel_loop3A_150 = arith.index_cast %parallel_loop3A_149 : i32 to index
      %parallel_loop3A_151 = arith.index_cast %parallel_loop3A_148 : i32 to index
      %parallel_loop3A_152 = tpu.vector_load %arg9[%parallel_loop3A_150, %parallel_loop3A_151] {strides = array<i32>} : memref<16x2048xf32, #tpu.memory_space<vmem>>, vector<16xf32>,
      tpu.vector_store %arg9[%parallel_loop3A_150, %parallel_loop3A_151], %parallel_loop3A_146 {strides = array<i32>} : memref<16x2048xf32, #tpu.memory_space<vmem>>, vector<16xf32>,
      %parallel_loop3A_153 = arith.constant 11 : i32
      %parallel_loop3A_154 = vector.broadcast %parallel_loop3A_153 : i32 to vector<16xi32>
      %parallel_loop3A_155 = tpu.vector_load_idx %arg7[%parallel_loop3A_154, %parallel_loop3A_125] : memref<16x1024xf32, #tpu.memory_space<vmem>>[vector<16xi32>, vector<16xi32>], vector<16xf32>,
      %parallel_loop3A_156 = arith.constant 16 : i32
      %parallel_loop3A_157 = arith.muli %parallel_loop3A_121, %parallel_loop3A_156 : i32
      %parallel_loop3A_158 = arith.constant 11 : i32
      %parallel_loop3A_159 = arith.index_cast %parallel_loop3A_158 : i32 to index
      %parallel_loop3A_160 = arith.index_cast %parallel_loop3A_157 : i32 to index
      %parallel_loop3A_161 = tpu.vector_load %arg9[%parallel_loop3A_159, %parallel_loop3A_160] {strides = array<i32>} : memref<16x2048xf32, #tpu.memory_space<vmem>>, vector<16xf32>,
      tpu.vector_store %arg9[%parallel_loop3A_159, %parallel_loop3A_160], %parallel_loop3A_155 {strides = array<i32>} : memref<16x2048xf32, #tpu.memory_space<vmem>>, vector<16xf32>,
      %parallel_loop3A_162 = arith.constant 12 : i32
      %parallel_loop3A_163 = vector.broadcast %parallel_loop3A_162 : i32 to vector<16xi32>
      %parallel_loop3A_164 = tpu.vector_load_idx %arg7[%parallel_loop3A_163, %parallel_loop3A_125] : memref<16x1024xf32, #tpu.memory_space<vmem>>[vector<16xi32>, vector<16xi32>], vector<16xf32>,
      %parallel_loop3A_165 = arith.constant 16 : i32
      %parallel_loop3A_166 = arith.muli %parallel_loop3A_121, %parallel_loop3A_165 : i32
      %parallel_loop3A_167 = arith.constant 12 : i32
      %parallel_loop3A_168 = arith.index_cast %parallel_loop3A_167 : i32 to index
      %parallel_loop3A_169 = arith.index_cast %parallel_loop3A_166 : i32 to index
      %parallel_loop3A_170 = tpu.vector_load %arg9[%parallel_loop3A_168, %parallel_loop3A_169] {strides = array<i32>} : memref<16x2048xf32, #tpu.memory_space<vmem>>, vector<16xf32>,
      tpu.vector_store %arg9[%parallel_loop3A_168, %parallel_loop3A_169], %parallel_loop3A_164 {strides = array<i32>} : memref<16x2048xf32, #tpu.memory_space<vmem>>, vector<16xf32>,
      %parallel_loop3A_171 = arith.constant 13 : i32
      %parallel_loop3A_172 = vector.broadcast %parallel_loop3A_171 : i32 to vector<16xi32>
      %parallel_loop3A_173 = tpu.vector_load_idx %arg7[%parallel_loop3A_172, %parallel_loop3A_125] : memref<16x1024xf32, #tpu.memory_space<vmem>>[vector<16xi32>, vector<16xi32>], vector<16xf32>,
      %parallel_loop3A_174 = arith.constant 16 : i32
      %parallel_loop3A_175 = arith.muli %parallel_loop3A_121, %parallel_loop3A_174 : i32
      %parallel_loop3A_176 = arith.constant 13 : i32
      %parallel_loop3A_177 = arith.index_cast %parallel_loop3A_176 : i32 to index
      %parallel_loop3A_178 = arith.index_cast %parallel_loop3A_175 : i32 to index
      %parallel_loop3A_179 = tpu.vector_load %arg9[%parallel_loop3A_177, %parallel_loop3A_178] {strides = array<i32>} : memref<16x2048xf32, #tpu.memory_space<vmem>>, vector<16xf32>,
      tpu.vector_store %arg9[%parallel_loop3A_177, %parallel_loop3A_178], %parallel_loop3A_173 {strides = array<i32>} : memref<16x2048xf32, #tpu.memory_space<vmem>>, vector<16xf32>,
      %parallel_loop3A_180 = arith.constant 14 : i32
      %parallel_loop3A_181 = vector.broadcast %parallel_loop3A_180 : i32 to vector<16xi32>
      %parallel_loop3A_182 = tpu.vector_load_idx %arg7[%parallel_loop3A_181, %parallel_loop3A_125] : memref<16x1024xf32, #tpu.memory_space<vmem>>[vector<16xi32>, vector<16xi32>], vector<16xf32>,
      %parallel_loop3A_183 = arith.constant 16 : i32
      %parallel_loop3A_184 = arith.muli %parallel_loop3A_121, %parallel_loop3A_183 : i32
      %parallel_loop3A_185 = arith.constant 14 : i32
      %parallel_loop3A_186 = arith.index_cast %parallel_loop3A_185 : i32 to index
      %parallel_loop3A_187 = arith.index_cast %parallel_loop3A_184 : i32 to index
      %parallel_loop3A_188 = tpu.vector_load %arg9[%parallel_loop3A_186, %parallel_loop3A_187] {strides = array<i32>} : memref<16x2048xf32, #tpu.memory_space<vmem>>, vector<16xf32>,
      tpu.vector_store %arg9[%parallel_loop3A_186, %parallel_loop3A_187], %parallel_loop3A_182 {strides = array<i32>} : memref<16x2048xf32, #tpu.memory_space<vmem>>, vector<16xf32>,
      %parallel_loop3A_189 = arith.constant 15 : i32
      %parallel_loop3A_190 = vector.broadcast %parallel_loop3A_189 : i32 to vector<16xi32>
      %parallel_loop3A_191 = tpu.vector_load_idx %arg7[%parallel_loop3A_190, %parallel_loop3A_125] : memref<16x1024xf32, #tpu.memory_space<vmem>>[vector<16xi32>, vector<16xi32>], vector<16xf32>,
      %parallel_loop3A_192 = arith.constant 16 : i32
      %parallel_loop3A_193 = arith.muli %parallel_loop3A_121, %parallel_loop3A_192 : i32
      %parallel_loop3A_194 = arith.constant 15 : i32
      %parallel_loop3A_195 = arith.index_cast %parallel_loop3A_194 : i32 to index
      %parallel_loop3A_196 = arith.index_cast %parallel_loop3A_193 : i32 to index
      %parallel_loop3A_197 = tpu.vector_load %arg9[%parallel_loop3A_195, %parallel_loop3A_196] {strides = array<i32>} : memref<16x2048xf32, #tpu.memory_space<vmem>>, vector<16xf32>,
      tpu.vector_store %arg9[%parallel_loop3A_195, %parallel_loop3A_196], %parallel_loop3A_191 {strides = array<i32>} : memref<16x2048xf32, #tpu.memory_space<vmem>>, vector<16xf32>,
    } {sc.loop_unroll_factor = 1 : i64, sc.parallel_access}
    %add3A_84 = arith.constant 16 : i32
    %add3A_85 = arith.addi %mul3A_2, %add3A_84 : i32
    %add3A_86 = arith.constant 8 : i32
    %add3A_87 = arith.addi %add3A_85, %add3A_86 : i32
    %dma_start3A_88 = arith.constant 8 : i32
    %dma_start3A_89 = arith.constant 0 : i32
    %dma_start3A_90 = tpu.memref_slice %arg9[%dma_start3A_88, %dma_start3A_89] : memref<16x2048xf32, #tpu.memory_space<vmem>> -> memref<8x2048xf32, #tpu.memory_space<vmem>>
    %dma_start3A_91 = arith.constant 0 : i32
    %dma_start3A_92 = tpu.memref_slice %arg4[%add3A_87, %dma_start3A_91] : memref<16384x2048xf32, #tpu.memory_space<hbm>> -> memref<8x2048xf32, #tpu.memory_space<hbm>>
    %dma_start3A_93 = arith.constant 0 : i32
    %dma_start3A_94 = tpu.memref_slice %arg4[%add3A_87, %dma_start3A_93] : memref<16384x2048xf32, #tpu.memory_space<hbm>> -> memref<8x2048xf32, #tpu.memory_space<hbm>>
    %dma_start3A_95 = arith.constant 8 : i32
    %dma_start3A_96 = arith.constant 0 : i32
    %dma_start3A_97 = tpu.memref_slice %arg9[%dma_start3A_95, %dma_start3A_96] : memref<16x2048xf32, #tpu.memory_space<vmem>> -> memref<8x2048xf32, #tpu.memory_space<vmem>>
    tpu.enqueue_dma source(%dma_start3A_97 : memref<8x2048xf32, #tpu.memory_space<vmem>>) target(%dma_start3A_94 : memref<8x2048xf32, #tpu.memory_space<hbm>>) target_semaphore(%arg13 : memref<!tpu.dma_semaphore, #tpu.memory_space<semaphore_mem>>)
    %add3A_98 = arith.constant 48 : i32
    %add3A_99 = arith.addi %mul3A_2, %add3A_98 : i32
    %dma_start3A_100 = arith.constant 0 : i32
    %dma_start3A_101 = tpu.memref_slice %arg2[%add3A_99, %dma_start3A_100] : memref<16384x1024xf32, #tpu.memory_space<hbm>> -> memref<16x1024xf32, #tpu.memory_space<hbm>>
    %dma_start3A_102 = arith.constant 0 : i32
    %dma_start3A_103 = tpu.memref_slice %arg2[%add3A_99, %dma_start3A_102] : memref<16384x1024xf32, #tpu.memory_space<hbm>> -> memref<16x1024xf32, #tpu.memory_space<hbm>>
    tpu.enqueue_dma source(%dma_start3A_103 : memref<16x1024xf32, #tpu.memory_space<hbm>>) target(%arg7 : memref<16x1024xf32, #tpu.memory_space<vmem>>) target_semaphore(%arg11 : memref<!tpu.dma_semaphore, #tpu.memory_space<semaphore_mem>>)
    %scan3A = arith.constant 0 : i32
    %scan3A_104 = arith.constant 1 : i32
    %scan3A_105 = arith.constant 15 : i32
    %scan3A_106 = arith.addi %scan3A_104, %scan3A_105 : i32
    %scan3A_107 = arith.constant 1 : i32
    scf.for %scan3A_121 = %scan3A_104 to %scan3A_106 step %scan3A_107  : i32 {
      %mul3A_122 = arith.constant 2 : i32
      %mul3A_123 = arith.muli %mul3A_122, %scan3A_121 : i32
      %add3A_124 = arith.constant 0 : i32
      %add3A_125 = arith.addi %mul3A_123, %add3A_124 : i32
      %mul3A_126 = arith.constant 16 : i32
      %mul3A_127 = arith.muli %add3A_125, %mul3A_126 : i32
      %add3A_128 = arith.addi %mul3A_2, %mul3A_127 : i32
      %dma_wait3A_129 = arith.constant 0 : i32
      %dma_wait3A_130 = tpu.memref_slice %arg2[%add3A_128, %dma_wait3A_129] : memref<16384x1024xf32, #tpu.memory_space<hbm>> -> memref<16x1024xf32, #tpu.memory_space<hbm>>
      %dma_wait3A_131 = arith.constant 0 : i32
      %dma_wait3A_132 = tpu.memref_slice %arg2[%add3A_128, %dma_wait3A_131] : memref<16384x1024xf32, #tpu.memory_space<hbm>> -> memref<16x1024xf32, #tpu.memory_space<hbm>>
      tpu.wait_dma2 semaphore(%arg10 : memref<!tpu.dma_semaphore, #tpu.memory_space<semaphore_mem>>) src(%dma_wait3A_132 : memref<16x1024xf32, #tpu.memory_space<hbm>>) dst(%arg6 : memref<16x1024xf32, #tpu.memory_space<vmem>>)
      %sub3A = arith.constant 2 : i32
      %sub3A_133 = arith.subi %add3A_125, %sub3A : i32
      %mul3A_134 = arith.constant 16 : i32
      %mul3A_135 = arith.muli %sub3A_133, %mul3A_134 : i32
      %add3A_136 = arith.addi %mul3A_2, %mul3A_135 : i32
      %dma_wait3A_137 = arith.constant 0 : i32
      %dma_wait3A_138 = tpu.memref_slice %arg4[%add3A_136, %dma_wait3A_137] : memref<16384x2048xf32, #tpu.memory_space<hbm>> -> memref<16x2048xf32, #tpu.memory_space<hbm>>
      %dma_wait3A_139 = arith.constant 0 : i32
      %dma_wait3A_140 = tpu.memref_slice %arg4[%add3A_136, %dma_wait3A_139] : memref<16384x2048xf32, #tpu.memory_space<hbm>> -> memref<16x2048xf32, #tpu.memory_space<hbm>>
      tpu.wait_dma2 semaphore(%arg12 : memref<!tpu.dma_semaphore, #tpu.memory_space<semaphore_mem>>) src(%arg8 : memref<16x2048xf32, #tpu.memory_space<vmem>>) dst(%dma_wait3A_140 : memref<16x2048xf32, #tpu.memory_space<hbm>>)
      %parallel_loop3A_141 = arith.constant 0 : i32
      %parallel_loop3A_142 = arith.constant 128 : i32
      %parallel_loop3A_143 = arith.constant 1 : i32
      scf.for %parallel_loop3A_244 = %parallel_loop3A_141 to %parallel_loop3A_142 step %parallel_loop3A_143  : i32 {
        %parallel_loop3A_245 = arith.constant 16 : i32
        %parallel_loop3A_246 = arith.muli %parallel_loop3A_244, %parallel_loop3A_245 : i32
        %parallel_loop3A_247 = arith.index_cast %parallel_loop3A_246 : i32 to index
        %parallel_loop3A_248 = tpu.vector_load %arg5[%parallel_loop3A_247] {strides = array<i32>} : memref<2048xi32, #tpu.memory_space<vmem>>, vector<16xi32>,
        %parallel_loop3A_249 = arith.constant 0 : i32
        %parallel_loop3A_250 = vector.broadcast %parallel_loop3A_249 : i32 to vector<16xi32>
        %parallel_loop3A_251 = tpu.vector_load_idx %arg6[%parallel_loop3A_250, %parallel_loop3A_248] : memref<16x1024xf32, #tpu.memory_space<vmem>>[vector<16xi32>, vector<16xi32>], vector<16xf32>,
        %parallel_loop3A_252 = arith.constant 16 : i32
        %parallel_loop3A_253 = arith.muli %parallel_loop3A_244, %parallel_loop3A_252 : i32
        %parallel_loop3A_254 = arith.constant 0 : i32
        %parallel_loop3A_255 = arith.index_cast %parallel_loop3A_254 : i32 to index
        %parallel_loop3A_256 = arith.index_cast %parallel_loop3A_253 : i32 to index
        %parallel_loop3A_257 = tpu.vector_load %arg8[%parallel_loop3A_255, %parallel_loop3A_256] {strides = array<i32>} : memref<16x2048xf32, #tpu.memory_space<vmem>>, vector<16xf32>,
        tpu.vector_store %arg8[%parallel_loop3A_255, %parallel_loop3A_256], %parallel_loop3A_251 {strides = array<i32>} : memref<16x2048xf32, #tpu.memory_space<vmem>>, vector<16xf32>,
        %parallel_loop3A_258 = arith.constant 1 : i32
        %parallel_loop3A_259 = vector.broadcast %parallel_loop3A_258 : i32 to vector<16xi32>
        %parallel_loop3A_260 = tpu.vector_load_idx %arg6[%parallel_loop3A_259, %parallel_loop3A_248] : memref<16x1024xf32, #tpu.memory_space<vmem>>[vector<16xi32>, vector<16xi32>], vector<16xf32>,
        %parallel_loop3A_261 = arith.constant 16 : i32
        %parallel_loop3A_262 = arith.muli %parallel_loop3A_244, %parallel_loop3A_261 : i32
        %parallel_loop3A_263 = arith.constant 1 : i32
        %parallel_loop3A_264 = arith.index_cast %parallel_loop3A_263 : i32 to index
        %parallel_loop3A_265 = arith.index_cast %parallel_loop3A_262 : i32 to index
        %parallel_loop3A_266 = tpu.vector_load %arg8[%parallel_loop3A_264, %parallel_loop3A_265] {strides = array<i32>} : memref<16x2048xf32, #tpu.memory_space<vmem>>, vector<16xf32>,
        tpu.vector_store %arg8[%parallel_loop3A_264, %parallel_loop3A_265], %parallel_loop3A_260 {strides = array<i32>} : memref<16x2048xf32, #tpu.memory_space<vmem>>, vector<16xf32>,
        %parallel_loop3A_267 = arith.constant 2 : i32
        %parallel_loop3A_268 = vector.broadcast %parallel_loop3A_267 : i32 to vector<16xi32>
        %parallel_loop3A_269 = tpu.vector_load_idx %arg6[%parallel_loop3A_268, %parallel_loop3A_248] : memref<16x1024xf32, #tpu.memory_space<vmem>>[vector<16xi32>, vector<16xi32>], vector<16xf32>,
        %parallel_loop3A_270 = arith.constant 16 : i32
        %parallel_loop3A_271 = arith.muli %parallel_loop3A_244, %parallel_loop3A_270 : i32
        %parallel_loop3A_272 = arith.constant 2 : i32
        %parallel_loop3A_273 = arith.index_cast %parallel_loop3A_272 : i32 to index
        %parallel_loop3A_274 = arith.index_cast %parallel_loop3A_271 : i32 to index
        %parallel_loop3A_275 = tpu.vector_load %arg8[%parallel_loop3A_273, %parallel_loop3A_274] {strides = array<i32>} : memref<16x2048xf32, #tpu.memory_space<vmem>>, vector<16xf32>,
        tpu.vector_store %arg8[%parallel_loop3A_273, %parallel_loop3A_274], %parallel_loop3A_269 {strides = array<i32>} : memref<16x2048xf32, #tpu.memory_space<vmem>>, vector<16xf32>,
        %parallel_loop3A_276 = arith.constant 3 : i32
        %parallel_loop3A_277 = vector.broadcast %parallel_loop3A_276 : i32 to vector<16xi32>
        %parallel_loop3A_278 = tpu.vector_load_idx %arg6[%parallel_loop3A_277, %parallel_loop3A_248] : memref<16x1024xf32, #tpu.memory_space<vmem>>[vector<16xi32>, vector<16xi32>], vector<16xf32>,
        %parallel_loop3A_279 = arith.constant 16 : i32
        %parallel_loop3A_280 = arith.muli %parallel_loop3A_244, %parallel_loop3A_279 : i32
        %parallel_loop3A_281 = arith.constant 3 : i32
        %parallel_loop3A_282 = arith.index_cast %parallel_loop3A_281 : i32 to index
        %parallel_loop3A_283 = arith.index_cast %parallel_loop3A_280 : i32 to index
        %parallel_loop3A_284 = tpu.vector_load %arg8[%parallel_loop3A_282, %parallel_loop3A_283] {strides = array<i32>} : memref<16x2048xf32, #tpu.memory_space<vmem>>, vector<16xf32>,
        tpu.vector_store %arg8[%parallel_loop3A_282, %parallel_loop3A_283], %parallel_loop3A_278 {strides = array<i32>} : memref<16x2048xf32, #tpu.memory_space<vmem>>, vector<16xf32>,
        %parallel_loop3A_285 = arith.constant 4 : i32
        %parallel_loop3A_286 = vector.broadcast %parallel_loop3A_285 : i32 to vector<16xi32>
        %parallel_loop3A_287 = tpu.vector_load_idx %arg6[%parallel_loop3A_286, %parallel_loop3A_248] : memref<16x1024xf32, #tpu.memory_space<vmem>>[vector<16xi32>, vector<16xi32>], vector<16xf32>,
        %parallel_loop3A_288 = arith.constant 16 : i32
        %parallel_loop3A_289 = arith.muli %parallel_loop3A_244, %parallel_loop3A_288 : i32
        %parallel_loop3A_290 = arith.constant 4 : i32
        %parallel_loop3A_291 = arith.index_cast %parallel_loop3A_290 : i32 to index
        %parallel_loop3A_292 = arith.index_cast %parallel_loop3A_289 : i32 to index
        %parallel_loop3A_293 = tpu.vector_load %arg8[%parallel_loop3A_291, %parallel_loop3A_292] {strides = array<i32>} : memref<16x2048xf32, #tpu.memory_space<vmem>>, vector<16xf32>,
        tpu.vector_store %arg8[%parallel_loop3A_291, %parallel_loop3A_292], %parallel_loop3A_287 {strides = array<i32>} : memref<16x2048xf32, #tpu.memory_space<vmem>>, vector<16xf32>,
        %parallel_loop3A_294 = arith.constant 5 : i32
        %parallel_loop3A_295 = vector.broadcast %parallel_loop3A_294 : i32 to vector<16xi32>
        %parallel_loop3A_296 = tpu.vector_load_idx %arg6[%parallel_loop3A_295, %parallel_loop3A_248] : memref<16x1024xf32, #tpu.memory_space<vmem>>[vector<16xi32>, vector<16xi32>], vector<16xf32>,
        %parallel_loop3A_297 = arith.constant 16 : i32
        %parallel_loop3A_298 = arith.muli %parallel_loop3A_244, %parallel_loop3A_297 : i32
        %parallel_loop3A_299 = arith.constant 5 : i32
        %parallel_loop3A_300 = arith.index_cast %parallel_loop3A_299 : i32 to index
        %parallel_loop3A_301 = arith.index_cast %parallel_loop3A_298 : i32 to index
        %parallel_loop3A_302 = tpu.vector_load %arg8[%parallel_loop3A_300, %parallel_loop3A_301] {strides = array<i32>} : memref<16x2048xf32, #tpu.memory_space<vmem>>, vector<16xf32>,
        tpu.vector_store %arg8[%parallel_loop3A_300, %parallel_loop3A_301], %parallel_loop3A_296 {strides = array<i32>} : memref<16x2048xf32, #tpu.memory_space<vmem>>, vector<16xf32>,
        %parallel_loop3A_303 = arith.constant 6 : i32
        %parallel_loop3A_304 = vector.broadcast %parallel_loop3A_303 : i32 to vector<16xi32>
        %parallel_loop3A_305 = tpu.vector_load_idx %arg6[%parallel_loop3A_304, %parallel_loop3A_248] : memref<16x1024xf32, #tpu.memory_space<vmem>>[vector<16xi32>, vector<16xi32>], vector<16xf32>,
        %parallel_loop3A_306 = arith.constant 16 : i32
        %parallel_loop3A_307 = arith.muli %parallel_loop3A_244, %parallel_loop3A_306 : i32
        %parallel_loop3A_308 = arith.constant 6 : i32
        %parallel_loop3A_309 = arith.index_cast %parallel_loop3A_308 : i32 to index
        %parallel_loop3A_310 = arith.index_cast %parallel_loop3A_307 : i32 to index
        %parallel_loop3A_311 = tpu.vector_load %arg8[%parallel_loop3A_309, %parallel_loop3A_310] {strides = array<i32>} : memref<16x2048xf32, #tpu.memory_space<vmem>>, vector<16xf32>,
        tpu.vector_store %arg8[%parallel_loop3A_309, %parallel_loop3A_310], %parallel_loop3A_305 {strides = array<i32>} : memref<16x2048xf32, #tpu.memory_space<vmem>>, vector<16xf32>,
        %parallel_loop3A_312 = arith.constant 7 : i32
        %parallel_loop3A_313 = vector.broadcast %parallel_loop3A_312 : i32 to vector<16xi32>
        %parallel_loop3A_314 = tpu.vector_load_idx %arg6[%parallel_loop3A_313, %parallel_loop3A_248] : memref<16x1024xf32, #tpu.memory_space<vmem>>[vector<16xi32>, vector<16xi32>], vector<16xf32>,
        %parallel_loop3A_315 = arith.constant 16 : i32
        %parallel_loop3A_316 = arith.muli %parallel_loop3A_244, %parallel_loop3A_315 : i32
        %parallel_loop3A_317 = arith.constant 7 : i32
        %parallel_loop3A_318 = arith.index_cast %parallel_loop3A_317 : i32 to index
        %parallel_loop3A_319 = arith.index_cast %parallel_loop3A_316 : i32 to index
        %parallel_loop3A_320 = tpu.vector_load %arg8[%parallel_loop3A_318, %parallel_loop3A_319] {strides = array<i32>} : memref<16x2048xf32, #tpu.memory_space<vmem>>, vector<16xf32>,
        tpu.vector_store %arg8[%parallel_loop3A_318, %parallel_loop3A_319], %parallel_loop3A_314 {strides = array<i32>} : memref<16x2048xf32, #tpu.memory_space<vmem>>, vector<16xf32>,
      } {sc.loop_unroll_factor = 1 : i64, sc.parallel_access}
      %mul3A_144 = arith.constant 16 : i32
      %mul3A_145 = arith.muli %add3A_125, %mul3A_144 : i32
      %add3A_146 = arith.addi %mul3A_2, %mul3A_145 : i32
      %add3A_147 = arith.constant 0 : i32
      %add3A_148 = arith.addi %add3A_146, %add3A_147 : i32
      %dma_start3A_149 = arith.constant 0 : i32
      %dma_start3A_150 = arith.constant 0 : i32
      %dma_start3A_151 = tpu.memref_slice %arg8[%dma_start3A_149, %dma_start3A_150] : memref<16x2048xf32, #tpu.memory_space<vmem>> -> memref<8x2048xf32, #tpu.memory_space<vmem>>
      %dma_start3A_152 = arith.constant 0 : i32
      %dma_start3A_153 = tpu.memref_slice %arg4[%add3A_148, %dma_start3A_152] : memref<16384x2048xf32, #tpu.memory_space<hbm>> -> memref<8x2048xf32, #tpu.memory_space<hbm>>
      %dma_start3A_154 = arith.constant 0 : i32
      %dma_start3A_155 = tpu.memref_slice %arg4[%add3A_148, %dma_start3A_154] : memref<16384x2048xf32, #tpu.memory_space<hbm>> -> memref<8x2048xf32, #tpu.memory_space<hbm>>
      %dma_start3A_156 = arith.constant 0 : i32
      %dma_start3A_157 = arith.constant 0 : i32
      %dma_start3A_158 = tpu.memref_slice %arg8[%dma_start3A_156, %dma_start3A_157] : memref<16x2048xf32, #tpu.memory_space<vmem>> -> memref<8x2048xf32, #tpu.memory_space<vmem>>
      tpu.enqueue_dma source(%dma_start3A_158 : memref<8x2048xf32, #tpu.memory_space<vmem>>) target(%dma_start3A_155 : memref<8x2048xf32, #tpu.memory_space<hbm>>) target_semaphore(%arg12 : memref<!tpu.dma_semaphore, #tpu.memory_space<semaphore_mem>>)
      %parallel_loop3A_159 = arith.constant 0 : i32
      %parallel_loop3A_160 = arith.constant 128 : i32
      %parallel_loop3A_161 = arith.constant 1 : i32
      scf.for %parallel_loop3A_244 = %parallel_loop3A_159 to %parallel_loop3A_160 step %parallel_loop3A_161  : i32 {
        %parallel_loop3A_245 = arith.constant 16 : i32
        %parallel_loop3A_246 = arith.muli %parallel_loop3A_244, %parallel_loop3A_245 : i32
        %parallel_loop3A_247 = arith.index_cast %parallel_loop3A_246 : i32 to index
        %parallel_loop3A_248 = tpu.vector_load %arg5[%parallel_loop3A_247] {strides = array<i32>} : memref<2048xi32, #tpu.memory_space<vmem>>, vector<16xi32>,
        %parallel_loop3A_249 = arith.constant 8 : i32
        %parallel_loop3A_250 = vector.broadcast %parallel_loop3A_249 : i32 to vector<16xi32>
        %parallel_loop3A_251 = tpu.vector_load_idx %arg6[%parallel_loop3A_250, %parallel_loop3A_248] : memref<16x1024xf32, #tpu.memory_space<vmem>>[vector<16xi32>, vector<16xi32>], vector<16xf32>,
        %parallel_loop3A_252 = arith.constant 16 : i32
        %parallel_loop3A_253 = arith.muli %parallel_loop3A_244, %parallel_loop3A_252 : i32
        %parallel_loop3A_254 = arith.constant 8 : i32
        %parallel_loop3A_255 = arith.index_cast %parallel_loop3A_254 : i32 to index
        %parallel_loop3A_256 = arith.index_cast %parallel_loop3A_253 : i32 to index
        %parallel_loop3A_257 = tpu.vector_load %arg8[%parallel_loop3A_255, %parallel_loop3A_256] {strides = array<i32>} : memref<16x2048xf32, #tpu.memory_space<vmem>>, vector<16xf32>,
        tpu.vector_store %arg8[%parallel_loop3A_255, %parallel_loop3A_256], %parallel_loop3A_251 {strides = array<i32>} : memref<16x2048xf32, #tpu.memory_space<vmem>>, vector<16xf32>,
        %parallel_loop3A_258 = arith.constant 9 : i32
        %parallel_loop3A_259 = vector.broadcast %parallel_loop3A_258 : i32 to vector<16xi32>
        %parallel_loop3A_260 = tpu.vector_load_idx %arg6[%parallel_loop3A_259, %parallel_loop3A_248] : memref<16x1024xf32, #tpu.memory_space<vmem>>[vector<16xi32>, vector<16xi32>], vector<16xf32>,
        %parallel_loop3A_261 = arith.constant 16 : i32
        %parallel_loop3A_262 = arith.muli %parallel_loop3A_244, %parallel_loop3A_261 : i32
        %parallel_loop3A_263 = arith.constant 9 : i32
        %parallel_loop3A_264 = arith.index_cast %parallel_loop3A_263 : i32 to index
        %parallel_loop3A_265 = arith.index_cast %parallel_loop3A_262 : i32 to index
        %parallel_loop3A_266 = tpu.vector_load %arg8[%parallel_loop3A_264, %parallel_loop3A_265] {strides = array<i32>} : memref<16x2048xf32, #tpu.memory_space<vmem>>, vector<16xf32>,
        tpu.vector_store %arg8[%parallel_loop3A_264, %parallel_loop3A_265], %parallel_loop3A_260 {strides = array<i32>} : memref<16x2048xf32, #tpu.memory_space<vmem>>, vector<16xf32>,
        %parallel_loop3A_267 = arith.constant 10 : i32
        %parallel_loop3A_268 = vector.broadcast %parallel_loop3A_267 : i32 to vector<16xi32>
        %parallel_loop3A_269 = tpu.vector_load_idx %arg6[%parallel_loop3A_268, %parallel_loop3A_248] : memref<16x1024xf32, #tpu.memory_space<vmem>>[vector<16xi32>, vector<16xi32>], vector<16xf32>,
        %parallel_loop3A_270 = arith.constant 16 : i32
        %parallel_loop3A_271 = arith.muli %parallel_loop3A_244, %parallel_loop3A_270 : i32
        %parallel_loop3A_272 = arith.constant 10 : i32
        %parallel_loop3A_273 = arith.index_cast %parallel_loop3A_272 : i32 to index
        %parallel_loop3A_274 = arith.index_cast %parallel_loop3A_271 : i32 to index
        %parallel_loop3A_275 = tpu.vector_load %arg8[%parallel_loop3A_273, %parallel_loop3A_274] {strides = array<i32>} : memref<16x2048xf32, #tpu.memory_space<vmem>>, vector<16xf32>,
        tpu.vector_store %arg8[%parallel_loop3A_273, %parallel_loop3A_274], %parallel_loop3A_269 {strides = array<i32>} : memref<16x2048xf32, #tpu.memory_space<vmem>>, vector<16xf32>,
        %parallel_loop3A_276 = arith.constant 11 : i32
        %parallel_loop3A_277 = vector.broadcast %parallel_loop3A_276 : i32 to vector<16xi32>
        %parallel_loop3A_278 = tpu.vector_load_idx %arg6[%parallel_loop3A_277, %parallel_loop3A_248] : memref<16x1024xf32, #tpu.memory_space<vmem>>[vector<16xi32>, vector<16xi32>], vector<16xf32>,
        %parallel_loop3A_279 = arith.constant 16 : i32
        %parallel_loop3A_280 = arith.muli %parallel_loop3A_244, %parallel_loop3A_279 : i32
        %parallel_loop3A_281 = arith.constant 11 : i32
        %parallel_loop3A_282 = arith.index_cast %parallel_loop3A_281 : i32 to index
        %parallel_loop3A_283 = arith.index_cast %parallel_loop3A_280 : i32 to index
        %parallel_loop3A_284 = tpu.vector_load %arg8[%parallel_loop3A_282, %parallel_loop3A_283] {strides = array<i32>} : memref<16x2048xf32, #tpu.memory_space<vmem>>, vector<16xf32>,
        tpu.vector_store %arg8[%parallel_loop3A_282, %parallel_loop3A_283], %parallel_loop3A_278 {strides = array<i32>} : memref<16x2048xf32, #tpu.memory_space<vmem>>, vector<16xf32>,
        %parallel_loop3A_285 = arith.constant 12 : i32
        %parallel_loop3A_286 = vector.broadcast %parallel_loop3A_285 : i32 to vector<16xi32>
        %parallel_loop3A_287 = tpu.vector_load_idx %arg6[%parallel_loop3A_286, %parallel_loop3A_248] : memref<16x1024xf32, #tpu.memory_space<vmem>>[vector<16xi32>, vector<16xi32>], vector<16xf32>,
        %parallel_loop3A_288 = arith.constant 16 : i32
        %parallel_loop3A_289 = arith.muli %parallel_loop3A_244, %parallel_loop3A_288 : i32
        %parallel_loop3A_290 = arith.constant 12 : i32
        %parallel_loop3A_291 = arith.index_cast %parallel_loop3A_290 : i32 to index
        %parallel_loop3A_292 = arith.index_cast %parallel_loop3A_289 : i32 to index
        %parallel_loop3A_293 = tpu.vector_load %arg8[%parallel_loop3A_291, %parallel_loop3A_292] {strides = array<i32>} : memref<16x2048xf32, #tpu.memory_space<vmem>>, vector<16xf32>,
        tpu.vector_store %arg8[%parallel_loop3A_291, %parallel_loop3A_292], %parallel_loop3A_287 {strides = array<i32>} : memref<16x2048xf32, #tpu.memory_space<vmem>>, vector<16xf32>,
        %parallel_loop3A_294 = arith.constant 13 : i32
        %parallel_loop3A_295 = vector.broadcast %parallel_loop3A_294 : i32 to vector<16xi32>
        %parallel_loop3A_296 = tpu.vector_load_idx %arg6[%parallel_loop3A_295, %parallel_loop3A_248] : memref<16x1024xf32, #tpu.memory_space<vmem>>[vector<16xi32>, vector<16xi32>], vector<16xf32>,
        %parallel_loop3A_297 = arith.constant 16 : i32
        %parallel_loop3A_298 = arith.muli %parallel_loop3A_244, %parallel_loop3A_297 : i32
        %parallel_loop3A_299 = arith.constant 13 : i32
        %parallel_loop3A_300 = arith.index_cast %parallel_loop3A_299 : i32 to index
        %parallel_loop3A_301 = arith.index_cast %parallel_loop3A_298 : i32 to index
        %parallel_loop3A_302 = tpu.vector_load %arg8[%parallel_loop3A_300, %parallel_loop3A_301] {strides = array<i32>} : memref<16x2048xf32, #tpu.memory_space<vmem>>, vector<16xf32>,
        tpu.vector_store %arg8[%parallel_loop3A_300, %parallel_loop3A_301], %parallel_loop3A_296 {strides = array<i32>} : memref<16x2048xf32, #tpu.memory_space<vmem>>, vector<16xf32>,
        %parallel_loop3A_303 = arith.constant 14 : i32
        %parallel_loop3A_304 = vector.broadcast %parallel_loop3A_303 : i32 to vector<16xi32>
        %parallel_loop3A_305 = tpu.vector_load_idx %arg6[%parallel_loop3A_304, %parallel_loop3A_248] : memref<16x1024xf32, #tpu.memory_space<vmem>>[vector<16xi32>, vector<16xi32>], vector<16xf32>,
        %parallel_loop3A_306 = arith.constant 16 : i32
        %parallel_loop3A_307 = arith.muli %parallel_loop3A_244, %parallel_loop3A_306 : i32
        %parallel_loop3A_308 = arith.constant 14 : i32
        %parallel_loop3A_309 = arith.index_cast %parallel_loop3A_308 : i32 to index
        %parallel_loop3A_310 = arith.index_cast %parallel_loop3A_307 : i32 to index
        %parallel_loop3A_311 = tpu.vector_load %arg8[%parallel_loop3A_309, %parallel_loop3A_310] {strides = array<i32>} : memref<16x2048xf32, #tpu.memory_space<vmem>>, vector<16xf32>,
        tpu.vector_store %arg8[%parallel_loop3A_309, %parallel_loop3A_310], %parallel_loop3A_305 {strides = array<i32>} : memref<16x2048xf32, #tpu.memory_space<vmem>>, vector<16xf32>,
        %parallel_loop3A_312 = arith.constant 15 : i32
        %parallel_loop3A_313 = vector.broadcast %parallel_loop3A_312 : i32 to vector<16xi32>
        %parallel_loop3A_314 = tpu.vector_load_idx %arg6[%parallel_loop3A_313, %parallel_loop3A_248] : memref<16x1024xf32, #tpu.memory_space<vmem>>[vector<16xi32>, vector<16xi32>], vector<16xf32>,
        %parallel_loop3A_315 = arith.constant 16 : i32
        %parallel_loop3A_316 = arith.muli %parallel_loop3A_244, %parallel_loop3A_315 : i32
        %parallel_loop3A_317 = arith.constant 15 : i32
        %parallel_loop3A_318 = arith.index_cast %parallel_loop3A_317 : i32 to index
        %parallel_loop3A_319 = arith.index_cast %parallel_loop3A_316 : i32 to index
        %parallel_loop3A_320 = tpu.vector_load %arg8[%parallel_loop3A_318, %parallel_loop3A_319] {strides = array<i32>} : memref<16x2048xf32, #tpu.memory_space<vmem>>, vector<16xf32>,
        tpu.vector_store %arg8[%parallel_loop3A_318, %parallel_loop3A_319], %parallel_loop3A_314 {strides = array<i32>} : memref<16x2048xf32, #tpu.memory_space<vmem>>, vector<16xf32>,
      } {sc.loop_unroll_factor = 1 : i64, sc.parallel_access}
      %mul3A_162 = arith.constant 16 : i32
      %mul3A_163 = arith.muli %add3A_125, %mul3A_162 : i32
      %add3A_164 = arith.addi %mul3A_2, %mul3A_163 : i32
      %add3A_165 = arith.constant 8 : i32
      %add3A_166 = arith.addi %add3A_164, %add3A_165 : i32
      %dma_start3A_167 = arith.constant 8 : i32
      %dma_start3A_168 = arith.constant 0 : i32
      %dma_start3A_169 = tpu.memref_slice %arg8[%dma_start3A_167, %dma_start3A_168] : memref<16x2048xf32, #tpu.memory_space<vmem>> -> memref<8x2048xf32, #tpu.memory_space<vmem>>
      %dma_start3A_170 = arith.constant 0 : i32
      %dma_start3A_171 = tpu.memref_slice %arg4[%add3A_166, %dma_start3A_170] : memref<16384x2048xf32, #tpu.memory_space<hbm>> -> memref<8x2048xf32, #tpu.memory_space<hbm>>
      %dma_start3A_172 = arith.constant 0 : i32
      %dma_start3A_173 = tpu.memref_slice %arg4[%add3A_166, %dma_start3A_172] : memref<16384x2048xf32, #tpu.memory_space<hbm>> -> memref<8x2048xf32, #tpu.memory_space<hbm>>
      %dma_start3A_174 = arith.constant 8 : i32
      %dma_start3A_175 = arith.constant 0 : i32
      %dma_start3A_176 = tpu.memref_slice %arg8[%dma_start3A_174, %dma_start3A_175] : memref<16x2048xf32, #tpu.memory_space<vmem>> -> memref<8x2048xf32, #tpu.memory_space<vmem>>
      tpu.enqueue_dma source(%dma_start3A_176 : memref<8x2048xf32, #tpu.memory_space<vmem>>) target(%dma_start3A_173 : memref<8x2048xf32, #tpu.memory_space<hbm>>) target_semaphore(%arg12 : memref<!tpu.dma_semaphore, #tpu.memory_space<semaphore_mem>>)
      %add3A_177 = arith.constant 2 : i32
      %add3A_178 = arith.addi %add3A_125, %add3A_177 : i32
      %lt3A = arith.constant 32 : i32
      %lt3A_179 = arith.cmpi slt, %add3A_178, %lt3A : i32
      %convert_element_type3A = arith.extui %lt3A_179 : i1 to i32
      %cond3A = arith.constant 0 : i32
      %cond3A_180 = arith.cmpi ne, %convert_element_type3A, %cond3A : i32
      scf.if %cond3A_180 {
        %add3A_244 = arith.constant 2 : i32
        %add3A_245 = arith.addi %add3A_125, %add3A_244 : i32
        %mul3A_246 = arith.constant 16 : i32
        %mul3A_247 = arith.muli %add3A_245, %mul3A_246 : i32
        %add3A_248 = arith.addi %mul3A_2, %mul3A_247 : i32
        %dma_start3A_249 = arith.constant 0 : i32
        %dma_start3A_250 = tpu.memref_slice %arg2[%add3A_248, %dma_start3A_249] : memref<16384x1024xf32, #tpu.memory_space<hbm>> -> memref<16x1024xf32, #tpu.memory_space<hbm>>
        %dma_start3A_251 = arith.constant 0 : i32
        %dma_start3A_252 = tpu.memref_slice %arg2[%add3A_248, %dma_start3A_251] : memref<16384x1024xf32, #tpu.memory_space<hbm>> -> memref<16x1024xf32, #tpu.memory_space<hbm>>
        tpu.enqueue_dma source(%dma_start3A_252 : memref<16x1024xf32, #tpu.memory_space<hbm>>) target(%arg6 : memref<16x1024xf32, #tpu.memory_space<vmem>>) target_semaphore(%arg10 : memref<!tpu.dma_semaphore, #tpu.memory_space<semaphore_mem>>)
      } else {
      }
      %mul3A_181 = arith.constant 2 : i32
      %mul3A_182 = arith.muli %mul3A_181, %scan3A_121 : i32
      %add3A_183 = arith.constant 1 : i32
      %add3A_184 = arith.addi %mul3A_182, %add3A_183 : i32
      %mul3A_185 = arith.constant 16 : i32
      %mul3A_186 = arith.muli %add3A_184, %mul3A_185 : i32
      %add3A_187 = arith.addi %mul3A_2, %mul3A_186 : i32
      %dma_wait3A_188 = arith.constant 0 : i32
      %dma_wait3A_189 = tpu.memref_slice %arg2[%add3A_187, %dma_wait3A_188] : memref<16384x1024xf32, #tpu.memory_space<hbm>> -> memref<16x1024xf32, #tpu.memory_space<hbm>>
      %dma_wait3A_190 = arith.constant 0 : i32
      %dma_wait3A_191 = tpu.memref_slice %arg2[%add3A_187, %dma_wait3A_190] : memref<16384x1024xf32, #tpu.memory_space<hbm>> -> memref<16x1024xf32, #tpu.memory_space<hbm>>
      tpu.wait_dma2 semaphore(%arg11 : memref<!tpu.dma_semaphore, #tpu.memory_space<semaphore_mem>>) src(%dma_wait3A_191 : memref<16x1024xf32, #tpu.memory_space<hbm>>) dst(%arg7 : memref<16x1024xf32, #tpu.memory_space<vmem>>)
      %sub3A_192 = arith.constant 2 : i32
      %sub3A_193 = arith.subi %add3A_184, %sub3A_192 : i32
      %mul3A_194 = arith.constant 16 : i32
      %mul3A_195 = arith.muli %sub3A_193, %mul3A_194 : i32
      %add3A_196 = arith.addi %mul3A_2, %mul3A_195 : i32
      %dma_wait3A_197 = arith.constant 0 : i32
      %dma_wait3A_198 = tpu.memref_slice %arg4[%add3A_196, %dma_wait3A_197] : memref<16384x2048xf32, #tpu.memory_space<hbm>> -> memref<16x2048xf32, #tpu.memory_space<hbm>>
      %dma_wait3A_199 = arith.constant 0 : i32
      %dma_wait3A_200 = tpu.memref_slice %arg4[%add3A_196, %dma_wait3A_199] : memref<16384x2048xf32, #tpu.memory_space<hbm>> -> memref<16x2048xf32, #tpu.memory_space<hbm>>
      tpu.wait_dma2 semaphore(%arg13 : memref<!tpu.dma_semaphore, #tpu.memory_space<semaphore_mem>>) src(%arg9 : memref<16x2048xf32, #tpu.memory_space<vmem>>) dst(%dma_wait3A_200 : memref<16x2048xf32, #tpu.memory_space<hbm>>)
      %parallel_loop3A_201 = arith.constant 0 : i32
      %parallel_loop3A_202 = arith.constant 128 : i32
      %parallel_loop3A_203 = arith.constant 1 : i32
      scf.for %parallel_loop3A_244 = %parallel_loop3A_201 to %parallel_loop3A_202 step %parallel_loop3A_203  : i32 {
        %parallel_loop3A_245 = arith.constant 16 : i32
        %parallel_loop3A_246 = arith.muli %parallel_loop3A_244, %parallel_loop3A_245 : i32
        %parallel_loop3A_247 = arith.index_cast %parallel_loop3A_246 : i32 to index
        %parallel_loop3A_248 = tpu.vector_load %arg5[%parallel_loop3A_247] {strides = array<i32>} : memref<2048xi32, #tpu.memory_space<vmem>>, vector<16xi32>,
        %parallel_loop3A_249 = arith.constant 0 : i32
        %parallel_loop3A_250 = vector.broadcast %parallel_loop3A_249 : i32 to vector<16xi32>
        %parallel_loop3A_251 = tpu.vector_load_idx %arg7[%parallel_loop3A_250, %parallel_loop3A_248] : memref<16x1024xf32, #tpu.memory_space<vmem>>[vector<16xi32>, vector<16xi32>], vector<16xf32>,
        %parallel_loop3A_252 = arith.constant 16 : i32
        %parallel_loop3A_253 = arith.muli %parallel_loop3A_244, %parallel_loop3A_252 : i32
        %parallel_loop3A_254 = arith.constant 0 : i32
        %parallel_loop3A_255 = arith.index_cast %parallel_loop3A_254 : i32 to index
        %parallel_loop3A_256 = arith.index_cast %parallel_loop3A_253 : i32 to index
        %parallel_loop3A_257 = tpu.vector_load %arg9[%parallel_loop3A_255, %parallel_loop3A_256] {strides = array<i32>} : memref<16x2048xf32, #tpu.memory_space<vmem>>, vector<16xf32>,
        tpu.vector_store %arg9[%parallel_loop3A_255, %parallel_loop3A_256], %parallel_loop3A_251 {strides = array<i32>} : memref<16x2048xf32, #tpu.memory_space<vmem>>, vector<16xf32>,
        %parallel_loop3A_258 = arith.constant 1 : i32
        %parallel_loop3A_259 = vector.broadcast %parallel_loop3A_258 : i32 to vector<16xi32>
        %parallel_loop3A_260 = tpu.vector_load_idx %arg7[%parallel_loop3A_259, %parallel_loop3A_248] : memref<16x1024xf32, #tpu.memory_space<vmem>>[vector<16xi32>, vector<16xi32>], vector<16xf32>,
        %parallel_loop3A_261 = arith.constant 16 : i32
        %parallel_loop3A_262 = arith.muli %parallel_loop3A_244, %parallel_loop3A_261 : i32
        %parallel_loop3A_263 = arith.constant 1 : i32
        %parallel_loop3A_264 = arith.index_cast %parallel_loop3A_263 : i32 to index
        %parallel_loop3A_265 = arith.index_cast %parallel_loop3A_262 : i32 to index
        %parallel_loop3A_266 = tpu.vector_load %arg9[%parallel_loop3A_264, %parallel_loop3A_265] {strides = array<i32>} : memref<16x2048xf32, #tpu.memory_space<vmem>>, vector<16xf32>,
        tpu.vector_store %arg9[%parallel_loop3A_264, %parallel_loop3A_265], %parallel_loop3A_260 {strides = array<i32>} : memref<16x2048xf32, #tpu.memory_space<vmem>>, vector<16xf32>,
        %parallel_loop3A_267 = arith.constant 2 : i32
        %parallel_loop3A_268 = vector.broadcast %parallel_loop3A_267 : i32 to vector<16xi32>
        %parallel_loop3A_269 = tpu.vector_load_idx %arg7[%parallel_loop3A_268, %parallel_loop3A_248] : memref<16x1024xf32, #tpu.memory_space<vmem>>[vector<16xi32>, vector<16xi32>], vector<16xf32>,
        %parallel_loop3A_270 = arith.constant 16 : i32
        %parallel_loop3A_271 = arith.muli %parallel_loop3A_244, %parallel_loop3A_270 : i32
        %parallel_loop3A_272 = arith.constant 2 : i32
        %parallel_loop3A_273 = arith.index_cast %parallel_loop3A_272 : i32 to index
        %parallel_loop3A_274 = arith.index_cast %parallel_loop3A_271 : i32 to index
        %parallel_loop3A_275 = tpu.vector_load %arg9[%parallel_loop3A_273, %parallel_loop3A_274] {strides = array<i32>} : memref<16x2048xf32, #tpu.memory_space<vmem>>, vector<16xf32>,
        tpu.vector_store %arg9[%parallel_loop3A_273, %parallel_loop3A_274], %parallel_loop3A_269 {strides = array<i32>} : memref<16x2048xf32, #tpu.memory_space<vmem>>, vector<16xf32>,
        %parallel_loop3A_276 = arith.constant 3 : i32
        %parallel_loop3A_277 = vector.broadcast %parallel_loop3A_276 : i32 to vector<16xi32>
        %parallel_loop3A_278 = tpu.vector_load_idx %arg7[%parallel_loop3A_277, %parallel_loop3A_248] : memref<16x1024xf32, #tpu.memory_space<vmem>>[vector<16xi32>, vector<16xi32>], vector<16xf32>,
        %parallel_loop3A_279 = arith.constant 16 : i32
        %parallel_loop3A_280 = arith.muli %parallel_loop3A_244, %parallel_loop3A_279 : i32
        %parallel_loop3A_281 = arith.constant 3 : i32
        %parallel_loop3A_282 = arith.index_cast %parallel_loop3A_281 : i32 to index
        %parallel_loop3A_283 = arith.index_cast %parallel_loop3A_280 : i32 to index
        %parallel_loop3A_284 = tpu.vector_load %arg9[%parallel_loop3A_282, %parallel_loop3A_283] {strides = array<i32>} : memref<16x2048xf32, #tpu.memory_space<vmem>>, vector<16xf32>,
        tpu.vector_store %arg9[%parallel_loop3A_282, %parallel_loop3A_283], %parallel_loop3A_278 {strides = array<i32>} : memref<16x2048xf32, #tpu.memory_space<vmem>>, vector<16xf32>,
        %parallel_loop3A_285 = arith.constant 4 : i32
        %parallel_loop3A_286 = vector.broadcast %parallel_loop3A_285 : i32 to vector<16xi32>
        %parallel_loop3A_287 = tpu.vector_load_idx %arg7[%parallel_loop3A_286, %parallel_loop3A_248] : memref<16x1024xf32, #tpu.memory_space<vmem>>[vector<16xi32>, vector<16xi32>], vector<16xf32>,
        %parallel_loop3A_288 = arith.constant 16 : i32
        %parallel_loop3A_289 = arith.muli %parallel_loop3A_244, %parallel_loop3A_288 : i32
        %parallel_loop3A_290 = arith.constant 4 : i32
        %parallel_loop3A_291 = arith.index_cast %parallel_loop3A_290 : i32 to index
        %parallel_loop3A_292 = arith.index_cast %parallel_loop3A_289 : i32 to index
        %parallel_loop3A_293 = tpu.vector_load %arg9[%parallel_loop3A_291, %parallel_loop3A_292] {strides = array<i32>} : memref<16x2048xf32, #tpu.memory_space<vmem>>, vector<16xf32>,
        tpu.vector_store %arg9[%parallel_loop3A_291, %parallel_loop3A_292], %parallel_loop3A_287 {strides = array<i32>} : memref<16x2048xf32, #tpu.memory_space<vmem>>, vector<16xf32>,
        %parallel_loop3A_294 = arith.constant 5 : i32
        %parallel_loop3A_295 = vector.broadcast %parallel_loop3A_294 : i32 to vector<16xi32>
        %parallel_loop3A_296 = tpu.vector_load_idx %arg7[%parallel_loop3A_295, %parallel_loop3A_248] : memref<16x1024xf32, #tpu.memory_space<vmem>>[vector<16xi32>, vector<16xi32>], vector<16xf32>,
        %parallel_loop3A_297 = arith.constant 16 : i32
        %parallel_loop3A_298 = arith.muli %parallel_loop3A_244, %parallel_loop3A_297 : i32
        %parallel_loop3A_299 = arith.constant 5 : i32
        %parallel_loop3A_300 = arith.index_cast %parallel_loop3A_299 : i32 to index
        %parallel_loop3A_301 = arith.index_cast %parallel_loop3A_298 : i32 to index
        %parallel_loop3A_302 = tpu.vector_load %arg9[%parallel_loop3A_300, %parallel_loop3A_301] {strides = array<i32>} : memref<16x2048xf32, #tpu.memory_space<vmem>>, vector<16xf32>,
        tpu.vector_store %arg9[%parallel_loop3A_300, %parallel_loop3A_301], %parallel_loop3A_296 {strides = array<i32>} : memref<16x2048xf32, #tpu.memory_space<vmem>>, vector<16xf32>,
        %parallel_loop3A_303 = arith.constant 6 : i32
        %parallel_loop3A_304 = vector.broadcast %parallel_loop3A_303 : i32 to vector<16xi32>
        %parallel_loop3A_305 = tpu.vector_load_idx %arg7[%parallel_loop3A_304, %parallel_loop3A_248] : memref<16x1024xf32, #tpu.memory_space<vmem>>[vector<16xi32>, vector<16xi32>], vector<16xf32>,
        %parallel_loop3A_306 = arith.constant 16 : i32
        %parallel_loop3A_307 = arith.muli %parallel_loop3A_244, %parallel_loop3A_306 : i32
        %parallel_loop3A_308 = arith.constant 6 : i32
        %parallel_loop3A_309 = arith.index_cast %parallel_loop3A_308 : i32 to index
        %parallel_loop3A_310 = arith.index_cast %parallel_loop3A_307 : i32 to index
        %parallel_loop3A_311 = tpu.vector_load %arg9[%parallel_loop3A_309, %parallel_loop3A_310] {strides = array<i32>} : memref<16x2048xf32, #tpu.memory_space<vmem>>, vector<16xf32>,
        tpu.vector_store %arg9[%parallel_loop3A_309, %parallel_loop3A_310], %parallel_loop3A_305 {strides = array<i32>} : memref<16x2048xf32, #tpu.memory_space<vmem>>, vector<16xf32>,
        %parallel_loop3A_312 = arith.constant 7 : i32
        %parallel_loop3A_313 = vector.broadcast %parallel_loop3A_312 : i32 to vector<16xi32>
        %parallel_loop3A_314 = tpu.vector_load_idx %arg7[%parallel_loop3A_313, %parallel_loop3A_248] : memref<16x1024xf32, #tpu.memory_space<vmem>>[vector<16xi32>, vector<16xi32>], vector<16xf32>,
        %parallel_loop3A_315 = arith.constant 16 : i32
        %parallel_loop3A_316 = arith.muli %parallel_loop3A_244, %parallel_loop3A_315 : i32
        %parallel_loop3A_317 = arith.constant 7 : i32
        %parallel_loop3A_318 = arith.index_cast %parallel_loop3A_317 : i32 to index
        %parallel_loop3A_319 = arith.index_cast %parallel_loop3A_316 : i32 to index
        %parallel_loop3A_320 = tpu.vector_load %arg9[%parallel_loop3A_318, %parallel_loop3A_319] {strides = array<i32>} : memref<16x2048xf32, #tpu.memory_space<vmem>>, vector<16xf32>,
        tpu.vector_store %arg9[%parallel_loop3A_318, %parallel_loop3A_319], %parallel_loop3A_314 {strides = array<i32>} : memref<16x2048xf32, #tpu.memory_space<vmem>>, vector<16xf32>,
      } {sc.loop_unroll_factor = 1 : i64, sc.parallel_access}
      %mul3A_204 = arith.constant 16 : i32
      %mul3A_205 = arith.muli %add3A_184, %mul3A_204 : i32
      %add3A_206 = arith.addi %mul3A_2, %mul3A_205 : i32
      %add3A_207 = arith.constant 0 : i32
      %add3A_208 = arith.addi %add3A_206, %add3A_207 : i32
      %dma_start3A_209 = arith.constant 0 : i32
      %dma_start3A_210 = arith.constant 0 : i32
      %dma_start3A_211 = tpu.memref_slice %arg9[%dma_start3A_209, %dma_start3A_210] : memref<16x2048xf32, #tpu.memory_space<vmem>> -> memref<8x2048xf32, #tpu.memory_space<vmem>>
      %dma_start3A_212 = arith.constant 0 : i32
      %dma_start3A_213 = tpu.memref_slice %arg4[%add3A_208, %dma_start3A_212] : memref<16384x2048xf32, #tpu.memory_space<hbm>> -> memref<8x2048xf32, #tpu.memory_space<hbm>>
      %dma_start3A_214 = arith.constant 0 : i32
      %dma_start3A_215 = tpu.memref_slice %arg4[%add3A_208, %dma_start3A_214] : memref<16384x2048xf32, #tpu.memory_space<hbm>> -> memref<8x2048xf32, #tpu.memory_space<hbm>>
      %dma_start3A_216 = arith.constant 0 : i32
      %dma_start3A_217 = arith.constant 0 : i32
      %dma_start3A_218 = tpu.memref_slice %arg9[%dma_start3A_216, %dma_start3A_217] : memref<16x2048xf32, #tpu.memory_space<vmem>> -> memref<8x2048xf32, #tpu.memory_space<vmem>>
      tpu.enqueue_dma source(%dma_start3A_218 : memref<8x2048xf32, #tpu.memory_space<vmem>>) target(%dma_start3A_215 : memref<8x2048xf32, #tpu.memory_space<hbm>>) target_semaphore(%arg13 : memref<!tpu.dma_semaphore, #tpu.memory_space<semaphore_mem>>)
      %parallel_loop3A_219 = arith.constant 0 : i32
      %parallel_loop3A_220 = arith.constant 128 : i32
      %parallel_loop3A_221 = arith.constant 1 : i32
      scf.for %parallel_loop3A_244 = %parallel_loop3A_219 to %parallel_loop3A_220 step %parallel_loop3A_221  : i32 {
        %parallel_loop3A_245 = arith.constant 16 : i32
        %parallel_loop3A_246 = arith.muli %parallel_loop3A_244, %parallel_loop3A_245 : i32
        %parallel_loop3A_247 = arith.index_cast %parallel_loop3A_246 : i32 to index
        %parallel_loop3A_248 = tpu.vector_load %arg5[%parallel_loop3A_247] {strides = array<i32>} : memref<2048xi32, #tpu.memory_space<vmem>>, vector<16xi32>,
        %parallel_loop3A_249 = arith.constant 8 : i32
        %parallel_loop3A_250 = vector.broadcast %parallel_loop3A_249 : i32 to vector<16xi32>
        %parallel_loop3A_251 = tpu.vector_load_idx %arg7[%parallel_loop3A_250, %parallel_loop3A_248] : memref<16x1024xf32, #tpu.memory_space<vmem>>[vector<16xi32>, vector<16xi32>], vector<16xf32>,
        %parallel_loop3A_252 = arith.constant 16 : i32
        %parallel_loop3A_253 = arith.muli %parallel_loop3A_244, %parallel_loop3A_252 : i32
        %parallel_loop3A_254 = arith.constant 8 : i32
        %parallel_loop3A_255 = arith.index_cast %parallel_loop3A_254 : i32 to index
        %parallel_loop3A_256 = arith.index_cast %parallel_loop3A_253 : i32 to index
        %parallel_loop3A_257 = tpu.vector_load %arg9[%parallel_loop3A_255, %parallel_loop3A_256] {strides = array<i32>} : memref<16x2048xf32, #tpu.memory_space<vmem>>, vector<16xf32>,
        tpu.vector_store %arg9[%parallel_loop3A_255, %parallel_loop3A_256], %parallel_loop3A_251 {strides = array<i32>} : memref<16x2048xf32, #tpu.memory_space<vmem>>, vector<16xf32>,
        %parallel_loop3A_258 = arith.constant 9 : i32
        %parallel_loop3A_259 = vector.broadcast %parallel_loop3A_258 : i32 to vector<16xi32>
        %parallel_loop3A_260 = tpu.vector_load_idx %arg7[%parallel_loop3A_259, %parallel_loop3A_248] : memref<16x1024xf32, #tpu.memory_space<vmem>>[vector<16xi32>, vector<16xi32>], vector<16xf32>,
        %parallel_loop3A_261 = arith.constant 16 : i32
        %parallel_loop3A_262 = arith.muli %parallel_loop3A_244, %parallel_loop3A_261 : i32
        %parallel_loop3A_263 = arith.constant 9 : i32
        %parallel_loop3A_264 = arith.index_cast %parallel_loop3A_263 : i32 to index
        %parallel_loop3A_265 = arith.index_cast %parallel_loop3A_262 : i32 to index
        %parallel_loop3A_266 = tpu.vector_load %arg9[%parallel_loop3A_264, %parallel_loop3A_265] {strides = array<i32>} : memref<16x2048xf32, #tpu.memory_space<vmem>>, vector<16xf32>,
        tpu.vector_store %arg9[%parallel_loop3A_264, %parallel_loop3A_265], %parallel_loop3A_260 {strides = array<i32>} : memref<16x2048xf32, #tpu.memory_space<vmem>>, vector<16xf32>,
        %parallel_loop3A_267 = arith.constant 10 : i32
        %parallel_loop3A_268 = vector.broadcast %parallel_loop3A_267 : i32 to vector<16xi32>
        %parallel_loop3A_269 = tpu.vector_load_idx %arg7[%parallel_loop3A_268, %parallel_loop3A_248] : memref<16x1024xf32, #tpu.memory_space<vmem>>[vector<16xi32>, vector<16xi32>], vector<16xf32>,
        %parallel_loop3A_270 = arith.constant 16 : i32
        %parallel_loop3A_271 = arith.muli %parallel_loop3A_244, %parallel_loop3A_270 : i32
        %parallel_loop3A_272 = arith.constant 10 : i32
        %parallel_loop3A_273 = arith.index_cast %parallel_loop3A_272 : i32 to index
        %parallel_loop3A_274 = arith.index_cast %parallel_loop3A_271 : i32 to index
        %parallel_loop3A_275 = tpu.vector_load %arg9[%parallel_loop3A_273, %parallel_loop3A_274] {strides = array<i32>} : memref<16x2048xf32, #tpu.memory_space<vmem>>, vector<16xf32>,
        tpu.vector_store %arg9[%parallel_loop3A_273, %parallel_loop3A_274], %parallel_loop3A_269 {strides = array<i32>} : memref<16x2048xf32, #tpu.memory_space<vmem>>, vector<16xf32>,
        %parallel_loop3A_276 = arith.constant 11 : i32
        %parallel_loop3A_277 = vector.broadcast %parallel_loop3A_276 : i32 to vector<16xi32>
        %parallel_loop3A_278 = tpu.vector_load_idx %arg7[%parallel_loop3A_277, %parallel_loop3A_248] : memref<16x1024xf32, #tpu.memory_space<vmem>>[vector<16xi32>, vector<16xi32>], vector<16xf32>,
        %parallel_loop3A_279 = arith.constant 16 : i32
        %parallel_loop3A_280 = arith.muli %parallel_loop3A_244, %parallel_loop3A_279 : i32
        %parallel_loop3A_281 = arith.constant 11 : i32
        %parallel_loop3A_282 = arith.index_cast %parallel_loop3A_281 : i32 to index
        %parallel_loop3A_283 = arith.index_cast %parallel_loop3A_280 : i32 to index
        %parallel_loop3A_284 = tpu.vector_load %arg9[%parallel_loop3A_282, %parallel_loop3A_283] {strides = array<i32>} : memref<16x2048xf32, #tpu.memory_space<vmem>>, vector<16xf32>,
        tpu.vector_store %arg9[%parallel_loop3A_282, %parallel_loop3A_283], %parallel_loop3A_278 {strides = array<i32>} : memref<16x2048xf32, #tpu.memory_space<vmem>>, vector<16xf32>,
        %parallel_loop3A_285 = arith.constant 12 : i32
        %parallel_loop3A_286 = vector.broadcast %parallel_loop3A_285 : i32 to vector<16xi32>
        %parallel_loop3A_287 = tpu.vector_load_idx %arg7[%parallel_loop3A_286, %parallel_loop3A_248] : memref<16x1024xf32, #tpu.memory_space<vmem>>[vector<16xi32>, vector<16xi32>], vector<16xf32>,
        %parallel_loop3A_288 = arith.constant 16 : i32
        %parallel_loop3A_289 = arith.muli %parallel_loop3A_244, %parallel_loop3A_288 : i32
        %parallel_loop3A_290 = arith.constant 12 : i32
        %parallel_loop3A_291 = arith.index_cast %parallel_loop3A_290 : i32 to index
        %parallel_loop3A_292 = arith.index_cast %parallel_loop3A_289 : i32 to index
        %parallel_loop3A_293 = tpu.vector_load %arg9[%parallel_loop3A_291, %parallel_loop3A_292] {strides = array<i32>} : memref<16x2048xf32, #tpu.memory_space<vmem>>, vector<16xf32>,
        tpu.vector_store %arg9[%parallel_loop3A_291, %parallel_loop3A_292], %parallel_loop3A_287 {strides = array<i32>} : memref<16x2048xf32, #tpu.memory_space<vmem>>, vector<16xf32>,
        %parallel_loop3A_294 = arith.constant 13 : i32
        %parallel_loop3A_295 = vector.broadcast %parallel_loop3A_294 : i32 to vector<16xi32>
        %parallel_loop3A_296 = tpu.vector_load_idx %arg7[%parallel_loop3A_295, %parallel_loop3A_248] : memref<16x1024xf32, #tpu.memory_space<vmem>>[vector<16xi32>, vector<16xi32>], vector<16xf32>,
        %parallel_loop3A_297 = arith.constant 16 : i32
        %parallel_loop3A_298 = arith.muli %parallel_loop3A_244, %parallel_loop3A_297 : i32
        %parallel_loop3A_299 = arith.constant 13 : i32
        %parallel_loop3A_300 = arith.index_cast %parallel_loop3A_299 : i32 to index
        %parallel_loop3A_301 = arith.index_cast %parallel_loop3A_298 : i32 to index
        %parallel_loop3A_302 = tpu.vector_load %arg9[%parallel_loop3A_300, %parallel_loop3A_301] {strides = array<i32>} : memref<16x2048xf32, #tpu.memory_space<vmem>>, vector<16xf32>,
        tpu.vector_store %arg9[%parallel_loop3A_300, %parallel_loop3A_301], %parallel_loop3A_296 {strides = array<i32>} : memref<16x2048xf32, #tpu.memory_space<vmem>>, vector<16xf32>,
        %parallel_loop3A_303 = arith.constant 14 : i32
        %parallel_loop3A_304 = vector.broadcast %parallel_loop3A_303 : i32 to vector<16xi32>
        %parallel_loop3A_305 = tpu.vector_load_idx %arg7[%parallel_loop3A_304, %parallel_loop3A_248] : memref<16x1024xf32, #tpu.memory_space<vmem>>[vector<16xi32>, vector<16xi32>], vector<16xf32>,
        %parallel_loop3A_306 = arith.constant 16 : i32
        %parallel_loop3A_307 = arith.muli %parallel_loop3A_244, %parallel_loop3A_306 : i32
        %parallel_loop3A_308 = arith.constant 14 : i32
        %parallel_loop3A_309 = arith.index_cast %parallel_loop3A_308 : i32 to index
        %parallel_loop3A_310 = arith.index_cast %parallel_loop3A_307 : i32 to index
        %parallel_loop3A_311 = tpu.vector_load %arg9[%parallel_loop3A_309, %parallel_loop3A_310] {strides = array<i32>} : memref<16x2048xf32, #tpu.memory_space<vmem>>, vector<16xf32>,
        tpu.vector_store %arg9[%parallel_loop3A_309, %parallel_loop3A_310], %parallel_loop3A_305 {strides = array<i32>} : memref<16x2048xf32, #tpu.memory_space<vmem>>, vector<16xf32>,
        %parallel_loop3A_312 = arith.constant 15 : i32
        %parallel_loop3A_313 = vector.broadcast %parallel_loop3A_312 : i32 to vector<16xi32>
        %parallel_loop3A_314 = tpu.vector_load_idx %arg7[%parallel_loop3A_313, %parallel_loop3A_248] : memref<16x1024xf32, #tpu.memory_space<vmem>>[vector<16xi32>, vector<16xi32>], vector<16xf32>,
        %parallel_loop3A_315 = arith.constant 16 : i32
        %parallel_loop3A_316 = arith.muli %parallel_loop3A_244, %parallel_loop3A_315 : i32
        %parallel_loop3A_317 = arith.constant 15 : i32
        %parallel_loop3A_318 = arith.index_cast %parallel_loop3A_317 : i32 to index
        %parallel_loop3A_319 = arith.index_cast %parallel_loop3A_316 : i32 to index
        %parallel_loop3A_320 = tpu.vector_load %arg9[%parallel_loop3A_318, %parallel_loop3A_319] {strides = array<i32>} : memref<16x2048xf32, #tpu.memory_space<vmem>>, vector<16xf32>,
        tpu.vector_store %arg9[%parallel_loop3A_318, %parallel_loop3A_319], %parallel_loop3A_314 {strides = array<i32>} : memref<16x2048xf32, #tpu.memory_space<vmem>>, vector<16xf32>,
      } {sc.loop_unroll_factor = 1 : i64, sc.parallel_access}
      %mul3A_222 = arith.constant 16 : i32
      %mul3A_223 = arith.muli %add3A_184, %mul3A_222 : i32
      %add3A_224 = arith.addi %mul3A_2, %mul3A_223 : i32
      %add3A_225 = arith.constant 8 : i32
      %add3A_226 = arith.addi %add3A_224, %add3A_225 : i32
      %dma_start3A_227 = arith.constant 8 : i32
      %dma_start3A_228 = arith.constant 0 : i32
      %dma_start3A_229 = tpu.memref_slice %arg9[%dma_start3A_227, %dma_start3A_228] : memref<16x2048xf32, #tpu.memory_space<vmem>> -> memref<8x2048xf32, #tpu.memory_space<vmem>>
      %dma_start3A_230 = arith.constant 0 : i32
      %dma_start3A_231 = tpu.memref_slice %arg4[%add3A_226, %dma_start3A_230] : memref<16384x2048xf32, #tpu.memory_space<hbm>> -> memref<8x2048xf32, #tpu.memory_space<hbm>>
      %dma_start3A_232 = arith.constant 0 : i32
      %dma_start3A_233 = tpu.memref_slice %arg4[%add3A_226, %dma_start3A_232] : memref<16384x2048xf32, #tpu.memory_space<hbm>> -> memref<8x2048xf32, #tpu.memory_space<hbm>>
      %dma_start3A_234 = arith.constant 8 : i32
      %dma_start3A_235 = arith.constant 0 : i32
      %dma_start3A_236 = tpu.memref_slice %arg9[%dma_start3A_234, %dma_start3A_235] : memref<16x2048xf32, #tpu.memory_space<vmem>> -> memref<8x2048xf32, #tpu.memory_space<vmem>>
      tpu.enqueue_dma source(%dma_start3A_236 : memref<8x2048xf32, #tpu.memory_space<vmem>>) target(%dma_start3A_233 : memref<8x2048xf32, #tpu.memory_space<hbm>>) target_semaphore(%arg13 : memref<!tpu.dma_semaphore, #tpu.memory_space<semaphore_mem>>)
      %add3A_237 = arith.constant 2 : i32
      %add3A_238 = arith.addi %add3A_184, %add3A_237 : i32
      %lt3A_239 = arith.constant 32 : i32
      %lt3A_240 = arith.cmpi slt, %add3A_238, %lt3A_239 : i32
      %convert_element_type3A_241 = arith.extui %lt3A_240 : i1 to i32
      %cond3A_242 = arith.constant 0 : i32
      %cond3A_243 = arith.cmpi ne, %convert_element_type3A_241, %cond3A_242 : i32
      scf.if %cond3A_243 {
        %add3A_244 = arith.constant 2 : i32
        %add3A_245 = arith.addi %add3A_184, %add3A_244 : i32
        %mul3A_246 = arith.constant 16 : i32
        %mul3A_247 = arith.muli %add3A_245, %mul3A_246 : i32
        %add3A_248 = arith.addi %mul3A_2, %mul3A_247 : i32
        %dma_start3A_249 = arith.constant 0 : i32
        %dma_start3A_250 = tpu.memref_slice %arg2[%add3A_248, %dma_start3A_249] : memref<16384x1024xf32, #tpu.memory_space<hbm>> -> memref<16x1024xf32, #tpu.memory_space<hbm>>
        %dma_start3A_251 = arith.constant 0 : i32
        %dma_start3A_252 = tpu.memref_slice %arg2[%add3A_248, %dma_start3A_251] : memref<16384x1024xf32, #tpu.memory_space<hbm>> -> memref<16x1024xf32, #tpu.memory_space<hbm>>
        tpu.enqueue_dma source(%dma_start3A_252 : memref<16x1024xf32, #tpu.memory_space<hbm>>) target(%arg7 : memref<16x1024xf32, #tpu.memory_space<vmem>>) target_semaphore(%arg11 : memref<!tpu.dma_semaphore, #tpu.memory_space<semaphore_mem>>)
      } else {
      }
    }
    %scan3A_108 = arith.constant 15 : i32
    %add3A_109 = arith.constant 480 : i32
    %add3A_110 = arith.addi %mul3A_2, %add3A_109 : i32
    %dma_wait3A_111 = arith.constant 0 : i32
    %dma_wait3A_112 = tpu.memref_slice %arg4[%add3A_110, %dma_wait3A_111] : memref<16384x2048xf32, #tpu.memory_space<hbm>> -> memref<16x2048xf32, #tpu.memory_space<hbm>>
    %dma_wait3A_113 = arith.constant 0 : i32
    %dma_wait3A_114 = tpu.memref_slice %arg4[%add3A_110, %dma_wait3A_113] : memref<16384x2048xf32, #tpu.memory_space<hbm>> -> memref<16x2048xf32, #tpu.memory_space<hbm>>
    tpu.wait_dma2 semaphore(%arg12 : memref<!tpu.dma_semaphore, #tpu.memory_space<semaphore_mem>>) src(%arg8 : memref<16x2048xf32, #tpu.memory_space<vmem>>) dst(%dma_wait3A_114 : memref<16x2048xf32, #tpu.memory_space<hbm>>)
    %add3A_115 = arith.constant 496 : i32
    %add3A_116 = arith.addi %mul3A_2, %add3A_115 : i32
    %dma_wait3A_117 = arith.constant 0 : i32
    %dma_wait3A_118 = tpu.memref_slice %arg4[%add3A_116, %dma_wait3A_117] : memref<16384x2048xf32, #tpu.memory_space<hbm>> -> memref<16x2048xf32, #tpu.memory_space<hbm>>
    %dma_wait3A_119 = arith.constant 0 : i32
    %dma_wait3A_120 = tpu.memref_slice %arg4[%add3A_116, %dma_wait3A_119] : memref<16384x2048xf32, #tpu.memory_space<hbm>> -> memref<16x2048xf32, #tpu.memory_space<hbm>>
    tpu.wait_dma2 semaphore(%arg13 : memref<!tpu.dma_semaphore, #tpu.memory_space<semaphore_mem>>) src(%arg9 : memref<16x2048xf32, #tpu.memory_space<vmem>>) dst(%dma_wait3A_120 : memref<16x2048xf32, #tpu.memory_space<hbm>>)
    return
  }
}

</mosaic_0001>

<sc_bundles>
// kernel: kernel.3.cloned.1.call-start
scs
__scs_entry_jumppad:
0x0: {  	(pc) =	sbr.rel $0x88, $3  }
0x1: {  	(tag) =	ssettag $0x0;
	lr =	simm.s32 $0x1  }
0x2: {  	[smem:$0x3F9F] =	sst lr;
	_ =	strace $0xD0000000  }
0x3: {  	_ = 	snop  }
0x4: {  	_ = 	snop  }
0x5: {  	_ = 	snop  }
0x6: {  	_ = 	snop  }
0x7: {  	_ = 	snop  }
__scs_overlays_trampoline_lowered:
0x8: {  	[smem:$0x3FAE] =	sst s0  }
0x9: {  	[smem:$0x3FAF] =	sst s1  }
0xa: {  	[smem:$0x3FB0] =	sst s2  }
0xb: {  	[smem:$0x3FB1] =	sst s3  }
0xc: {  	[smem:$0x3FB2] =	sst s4  }
0xd: {  	[smem:$0x3FB3] =	sst s5  }
0xe: {  	[smem:$0x3FB4] =	sst s6  }
0xf: {  	[smem:$0x3FB5] =	sst s7  }
0x10: {  	[smem:$0x3FB6] =	sst s8  }
0x11: {  	[smem:$0x3FB7] =	sst s9;
	s0 =	simm.s32 @!p0 $0x0  }
0x12: {  	s1 =	sld [smem:$0x3F9D];
	s0 =	simm.s32 @p0 $0x1  }
0x13: {  	[smem:$0x3FB8] =	sst s0;
	s0 =	simm.s32 @!p1 $0x0  }
0x14: {  	s2 =	sld [smem:$0x3F9C];
	s0 =	simm.s32 @p1 $0x1  }
0x15: {  	[smem:$0x3FB9] =	sst s0;
	s0 =	simm.s32 @!p2 $0x0  }
0x16: {  	s3 =	sld [smem:$0x3FDB];
	s0 =	simm.s32 @p2 $0x1  }
0x17: {  	s4 =	simm.s32 $0x1BF5;
	[smem:$0x3FBB] =	sst s0  }
0x18: {  	s0 =	sld [smem:$0x3F9E];
	_ =	swait.ge [sflag:s4], $0x0  }
0x19: {  	s7 =	sld [smem:$0x3F9F]  }
0x1a: {  	s8 =	sadd.s32 $0xFFFFE003, lr  }
0x1b: {  	s9 =	sadd.s32 $0xFFFFFEF7, lr;
	s5 =	simm.s32 $0xFFFFFFFF;
	p2 =	slt.u32 s8, $0xFFFFF086  }
0x1c: {  	p1 =	slt.u32 s9, $0xF7A;
	s5 =	simm.s32 @!p2 $0x0  }
0x1d: {  	s5 =	simm.s32 @p1 $0x1;
	p0 =	seq.s32 s7, s2  }
0x1e: {  	s7 =	smul.u32 @!p0 $0xF7A, s2;
	p2 =	seq.s32 @!p0 s5, $0x0  }
0x1f: {  	s9 =	smul.u32 $0xF7A, s1;
	s8 =	simm.s32 @!p0 $0x1BF5;
	p2 =	por !p2, p0  }
0x20: {  	[sflag:s8] =	ssyncset.s32 @!p0 $0xFFFFF086;
	s6 =	sadd.s32 @!p0 s3, s7;
	s7 =	simm.s32 @!p0 $0x108  }
0x21: {  	s3 =	sadd.s32 s3, s9;
	s6 =	sadd.s32 @!p0 $0x88, s6;
	s7 =	simm.s32 @p2 $0x1082  }
0x22: {  	[simem:s7], [sflag:s8] =	dma.local @!p0 [hbm:s6], $0xF7A  }
0x23: {  	s9 =	sor.u32 $0xD0000000, s2;
	s6 =	simm.s32 $0x108;
	_ =	swait.ge @!p0 [sflag:s8], $0x0  }
0x24: {  	s3 =	sadd.s32 $0x88, s3;
	s6 =	simm.s32 @!p1 $0x1082;
	[sflag:s4] =	ssyncset.s32 $0xFFFFF086  }
0x25: {  	[simem:s6], [sflag:s4] =	dma.local [hbm:s3], $0xF7A  }
0x26: {  	[smem:$0x3F9F] =	sst s1;
	(tag) =	ssettag s2;
	_ =	strace s9  }
0x27: {  	s1 =	sld [smem:$0x3FAF]  }
0x28: {  	s2 =	sld [smem:$0x3FB0]  }
0x29: {  	s4 =	sld [smem:$0x3FB2]  }
0x2a: {  	p0 =	seq.s32 s5, $0x0;
	s5 =	sld [smem:$0x3FB3]  }
0x2b: {  	s6 =	sld [smem:$0x3FB4]  }
0x2c: {  	s7 =	sld [smem:$0x3FB5]  }
0x2d: {  	s3 =	simm.s32 $0x108;
	s8 =	sld [smem:$0x3FB6]  }
0x2e: {  	s3 =	simm.s32 @!p0 $0x1082;
	s9 =	sld [smem:$0x3FB7]  }
0x2f: {  	lr =	sadd.s32 s0, s3;
	s0 =	sld [smem:$0x3FAE]  }
0x30: {  	s3 =	sld [smem:$0x3FB1]  }
0x31: {  	[smem:$0x3FBA] =	sst s10  }
0x32: {  	s10 =	sld [smem:$0x3FB8];
	_ =	sdelay $0x3  }
0x33: {  	p0 =	seq.s32 s10, $0x1;
	s10 =	sld [smem:$0x3FBA];
	_ =	sdelay $0x3  }
0x34: {  	[smem:$0x3FBA] =	sst s10  }
0x35: {  	s10 =	sld [smem:$0x3FB9];
	_ =	sdelay $0x3  }
0x36: {  	p1 =	seq.s32 s10, $0x1;
	s10 =	sld [smem:$0x3FBA];
	_ =	sdelay $0x3  }
0x37: {  	[smem:$0x3FBA] =	sst s10  }
0x38: {  	s10 =	sld [smem:$0x3FBB]  }
0x39: {  	_ = 	snop;
	(pc) =	sbr.ind lr, $3  }
0x3a: {  	_ = 	snop  }
0x3b: {  	_ = 	snop  }
0x3c: {  	p2 =	seq.s32 s10, $0x1;
	s10 =	sld [smem:$0x3FBA]  }
0x3d: {  	_ =	shalt  }
0x3e: {  	_ =	shalt  }
0x3f: {  	_ =	shalt  }
0x40: {  	_ =	shalt  }
0x41: {  	_ =	shalt  }
0x42: {  	_ =	shalt  }
0x43: {  	_ =	shalt  }
0x44: {  	_ =	shalt  }
0x45: {  	_ =	shalt  }
0x46: {  	_ =	shalt  }
0x47: {  	_ =	shalt  }
0x48: {  	_ =	shalt  }
0x49: {  	_ =	shalt  }
0x4a: {  	_ =	shalt  }
0x4b: {  	_ =	shalt  }
0x4c: {  	_ =	shalt  }
0x4d: {  	_ =	shalt  }
0x4e: {  	_ =	shalt  }
0x4f: {  	_ =	shalt  }
0x50: {  	_ =	shalt  }
0x51: {  	_ =	shalt  }
0x52: {  	_ =	shalt  }
0x53: {  	_ =	shalt  }
0x54: {  	_ =	shalt  }
0x55: {  	_ =	shalt  }
0x56: {  	_ =	shalt  }
0x57: {  	_ =	shalt  }
0x58: {  	_ =	shalt  }
0x59: {  	_ =	shalt  }
0x5a: {  	_ =	shalt  }
0x5b: {  	_ =	shalt  }
0x5c: {  	_ =	shalt  }
0x5d: {  	_ =	shalt  }
0x5e: {  	_ =	shalt  }
0x5f: {  	_ =	shalt  }
0x60: {  	_ =	shalt  }
0x61: {  	_ =	shalt  }
0x62: {  	_ =	shalt  }
0x63: {  	_ =	shalt  }
0x64: {  	_ =	shalt  }
0x65: {  	_ =	shalt  }
0x66: {  	_ =	shalt  }
0x67: {  	_ =	shalt  }
0x68: {  	_ =	shalt  }
0x69: {  	_ =	shalt  }
0x6a: {  	_ =	shalt  }
0x6b: {  	_ =	shalt  }
0x6c: {  	_ =	shalt  }
0x6d: {  	_ =	shalt  }
0x6e: {  	_ =	shalt  }
0x6f: {  	_ =	shalt  }
0x70: {  	_ =	shalt  }
0x71: {  	_ =	shalt  }
0x72: {  	_ =	shalt  }
0x73: {  	_ =	shalt  }
0x74: {  	_ =	shalt  }
0x75: {  	_ =	shalt  }
0x76: {  	_ =	shalt  }
0x77: {  	_ =	shalt  }
0x78: {  	_ =	shalt  }
0x79: {  	_ =	shalt  }
0x7a: {  	_ =	shalt  }
0x7b: {  	_ =	shalt  }
0x7c: {  	_ =	shalt  }
0x7d: {  	_ =	shalt  }
0x7e: {  	_ =	shalt  }
0x7f: {  	_ =	shalt  }
0x80: {  	_ =	shalt  }
0x81: {  	_ =	shalt  }
0x82: {  	_ =	shalt  }
0x83: {  	_ =	shalt  }
0x84: {  	_ =	shalt  }
0x85: {  	_ =	shalt  }
0x86: {  	_ =	shalt  }
0x87: {  	_ =	shalt  }
.Lfunc_end0:
.L_simem_size_0:
called_computation_lowered:
.L_overlay_start_0:
0x88: {  	s2 =	sld [smem:$0x3FD9]  }
0x89: {  	s3 =	sld [smem:$0x3FFE];
	_ =	sdelay $0x1  }
0x8a: {  	s1 =	srdreg.scid  }
0x8b: {  	s0 =	sand.u32 $0x1, s1  }
0x8c: {  	s18 =	sshll.u32 s0, $0xA;
	s2 =	sadd.s32 s3, s2  }
0x8d: {  	s2 =	sadd.s32 s2, s18  }
0x8e: {  	[smem:$0x3FC6] =	sst s2  }
0x8f: {  	_ = 	snop  }
0x90: {  	s2 =	sld [smem:$0x3FC9]  }
0x91: {  	s19 =	sld [smem:$0x3FC8]  }
0x92: {  	s4 =	sld [smem:$0x3FD0];
	(tm) =	ssettm $0x1  }
0x93: {  	s5 =	sld [smem:$0x3FFB];
	_ =	sdelay $0x3  }
0x94: {  	_ =	strace s5  }
0x95: {  	s5 =	sld [smem:$0x3FFC];
	_ =	sdelay $0x3  }
0x96: {  	_ =	strace s5  }
0x97: {  	s5 =	sld [smem:$0x3FFD];
	_ =	sdelay $0x3  }
0x98: {  	_ =	strace s5  }
0x99: {  	_ =	strace $0x8FFFFFFF  }
0x9a: {  	s20 =	sld [smem:$0x3FDB];
	_ =	sdelay $0x1  }
0x9b: {  	s6 =	simm.s32 $_scs_section_size  }
0x9c: {  	s7 =	simm.s32 $_size__tile_overlayer_lowered;
	s8 =	simm.s32 $_tile_overlayer_lowered  }
0x9d: {  	s23 =	simm.s32 $0x1BFF;
	s22 =	sshll.u32 s8, $0x1;
	s5 =	sadd.s32 s6, s20  }
0x9e: {  	s9 =	simm.s32 $0x0;
	s21 =	sshll.u32 s7, $0x1;
	s7 =	sadd.s32 s22, s5  }
0x9f: {  	[timem:s9], [sflag:s23] =	dma.local [hbm:s7], s21  }
0xa0: {  	_ =	swait.ge [sflag:s23], s21  }
0xa1: {  	s6 =	ssub.s32 $0x0, s21;
	[sflag:s23] =	ssyncset.done $0x0  }
0xa2: {  	[sflag:s23] =	ssyncadd.s32 s6;
	_ =	sdelay $0x1  }
0xa3: {  	s24 =	simm.s32 $0x1B8B  }
0xa4: {  	_ =	swait.ge [sflag:s24], $0x1  }
0xa5: {  	[sflag:s24] =	ssyncset.done $0x0  }
0xa6: {  	s25 =	simm.s32 $0x1B8E;
	[sflag:s24] =	ssyncadd.s32 $0xFFFFFFFF  }
0xa7: {  	s26 =	simm.s32 $execute0_lowered;
	[smem:$0x3FD2] =	sst s25  }
0xa8: {  	s6 =	sshll.u32 s26, $0x1;
	_ =	strace $0x80000046;
	[dreg:$0x1] =	wrdreg $0xFFFFFFFF  }
0xa9: {  	s28 =	simm.s32 $_size_execute0_lowered;
	s5 =	sadd.s32 s5, s6;
	[dreg:$0x0] =	wrdreg $0x0  }
0xaa: {  	s6 =	sshll.u32 s28, $0x1;
	[dreg:$0x2] =	wrdreg s5  }
0xab: {  	[dreg:$0x3] =	wrdreg s6  }
0xac: {  	[dreg:$0x4] =	wrdreg $0xC0  }
0xad: {  	_ =	task [dreg:s9], $0x5FFFF  }
0xae: {  	[dreg:$0x1] =	wrdreg $0xFFFFFFFF  }
0xaf: {  	[dreg:$0x0] =	wrdreg $0x60  }
0xb0: {  	[dreg:$0x2] =	wrdreg s2  }
0xb1: {  	[dreg:$0x3] =	wrdreg s19  }
0xb2: {  	[dreg:$0x4] =	wrdreg s4  }
0xb3: {  	[dreg:$0x5] =	wrdreg $0x9  }
0xb4: {  	_ =	task.clear_ibuf [dreg:s9], $0x6FFFF;
	_ =	strace $0x90000046  }
0xb5: {  	s29 =	simm.s32 $0x9;
	_ =	strace $0x80000048  }
0xb6: {  	_ =	swait.ge [sflag:s29], $0x1  }
0xb7: {  	[sflag:s29] =	ssyncadd.s32 $0xFFFFFFFF  }
0xb8: {  	_ =	strace $0x90000048  }
0xb9: {  	_ =	sfence  }
0xba: {  	s30 =	sld [smem:$0x0];
	_ =	sdelay $0x2  }
0xbb: {  	s31 =	sshll.u32 s1, $0xD;
	s1 =	sshrl.u32 s1, $0x2  }
0xbc: {  	s3 =	sand.u32 $0x4000, s31;
	s1 =	sadd.s32 s1, s30  }
0xbd: {  	s0 =	sor.u32 s3, s0;
	s1 =	sshll.u32 s1, $0x11  }
0xbe: {  	s0 =	sor.u32 s1, s0  }
0xbf: {  	s0 =	sadd.s32 $0x8F2B, s0  }
0xc0: {  	[sflag:s0] =	ssyncadd.remote.s32 $0x1  }
0xc1: {  	_ =	sfence.sel $0xFFFF  }
0xc2: {  	[dreg:$0x0] =	wrdreg $0xFFFFFFFF;
	(pc) =	sbr.abs _section_cstart, $3  }
0xc3: {  	[dreg:$0x1] =	wrdreg $0xFFFFFFFF  }
0xc4: {  	_ =	task.clear_ibuf [dreg:s9], $0x2FFFF;
	_ =	strace $0x9FFFFFFF  }
0xc5: {  	(tm) =	ssettm $0x7FFFFFFF  }
tec
execute0_lowered:
.L_overlay_start_1:
0x0: {  	(tag) =	ssettag $0x1  }
0x1: {  	s0 =	rddreg [dreg:$0x0]  }
0x2: {  	s1 =	srdreg.scid;
	s2 =	stileid.u32  }
0x3: {  	s11 =	rddreg [dreg:$0x2];
	s4 =	simm.s32 $0x0;
	s17 =	simm.s32 $0x800  }
0x4: {  	s18 =	simm.s32 $0x4800;
	s1 =	sand.u32 $0x1, s1;
	s2 =	sshll.u32 s2, $0xA  }
0x5: {  	[smem:$0x7FF] =	sst s4;
	s9 =	sadd.s32 $0x800, s11;
	s3 =	sshll.u32 s1, $0x9  }
0x6: {  	s1 =	ssub.s32 $0x2, s1;
	_ =	strace $0x80000047;
	s2 =	sor.u32 s3, s2  }
0x7: {  	s3 =	sshrl.u32 s2, $0x3;
	s24 =	sshll.u32 s2, $0x7;
	s2 =	sshll.u32 s2, $0x8  }
0x8: {  	s25 =	sadd.s32 s11, s2;
	[dreg:$0x6] =	wrdreg s2;
	s2 =	sadd.s32 s2, s9  }
0x9: {  	s19 =	simm.s32 $0x1;
	s5 =	sshrl.u32 s1, $0x1;
	[dreg:$0x8] =	wrdreg s2  }
0xa: {  	s1 =	ssub.s32 s1, s5;
	s5 =	sadd.s32 s0, s24;
	[dreg:$0x7] =	wrdreg s25  }
0xb: {  	s22 =	simm.s32 $0x2;
	s31 =	smax.u32 s1, $0x1;
	[dreg:$0x4] =	wrdreg s5  }
0xc: {  	s3 =	sor.u32 $0x2, s3;
	s28 =	sadd.s32 $0x1000, s5;
	[dreg:$0xd] =	wrdreg s31  }
.Ltmp0:
0xd: {  	s29 =	sadd.s32 $0x1800, s25;
	[dreg:$0x9] =	wrdreg s28;
	(pc) =	sbr.rel .LBB2_1-.Ltmp0, $4  }
0xe: {  	s6 =	sshll.u32 s3, $0xA;
	s30 =	sadd.s32 $0x1800, s5;
	[dreg:$0xb] =	wrdreg s29  }
0xf: {  	s26 =	sshll.u32 s3, $0xB;
	s0 =	sadd.s32 s0, s6;
	[dreg:$0xc] =	wrdreg s30  }
0x10: {  	s1 =	simm.s32 $0x0;
	[dreg:$0x5] =	wrdreg s0;
	s0 =	sadd.s32 s11, s26  }
0x11: {  	s25 =	simm.s32 $0x3;
	s26 =	simm.s32 $0x4;
	[dreg:$0xa] =	wrdreg s0  }
.LBB2_20:
0x12: {  	_ =	swait.ge [sflag:s25], $0x8000  }
0x13: {  	[sflag:s25] =	ssyncset.done $0x0  }
0x14: {  	[sflag:s25] =	ssyncadd.s32 $0xFFFF8000  }
0x15: {  	_ =	swait.ge [sflag:s26], $0x8000  }
0x16: {  	s1 =	rddreg [dreg:$0xe]  }
0x17: {  	s0 =	rddreg [dreg:$0xd];
	s1 =	sadd.s32 $0x1, s1  }
0x18: {  	p0 =	sne.s32 s1, s0  }
.Ltmp1:
0x19: {  	_ = 	snop;
	(pc) =	sbr.rel @!p0 .LBB2_21-.Ltmp1, $3  }
0x1a: {  	_ =	sdelay $0x1  }
0x1b: {  	[sflag:s26] =	ssyncset.done $0x0  }
0x1c: {  	[sflag:s26] =	ssyncadd.s32 $0xFFFF8000  }
.LBB2_1:
0x1d: {  	[dreg:$0xe] =	wrdreg s1  }
0x1e: {  	s0 =	rddreg [dreg:$0x1];
	s8 =	simm.s32 $0x5  }
0x1f: {  	[tilespmem:s4], [sflag:$0x5] =	stream.linear.gather [hbm4b:s0+s4], $0x800, $0x38;
	[tilespmem:$0x18800] =	vst v63  }
0x20: {  	_ =	swait.ge [sflag:s8], $0x800  }
0x21: {  	[sflag:s8] =	ssyncset.done $0x0  }
0x22: {  	s10 =	rddreg [dreg:$0x4];
	[sflag:s8] =	ssyncadd.s32 $0xFFFFF800  }
0x23: {  	[tilespmem:s17], [sflag:$0x1] =	stream.linear.gather [hbm4b:s10+s4], $0x4000, $0x38;
	[tilespmem:$0x18800] =	vst v63  }
0x24: {  	s12 =	rddreg [dreg:$0x5]  }
0x25: {  	[tilespmem:s18], [sflag:$0x2] =	stream.linear.gather [hbm4b:s12+s4], $0x4000, $0x38;
	[tilespmem:$0x18800] =	vst v63  }
0x26: {  	_ =	swait.ge [sflag:s19], $0x4000  }
0x27: {  	[sflag:s19] =	ssyncset.done $0x0  }
0x28: {  	[sflag:s19] =	ssyncadd.s32 $0xFFFFC000  }
0x29: {  	v0 =	vld [tilespmem:s4+$0x0];
	_ =	sdelay $0x4  }
0x2a: {  	v1 =	vshll.u32 v0, $0x3  }
0x2b: {  	v0 =	vand.u32 $0x7F, v0;
	v1 =	vand.u32 $0xFFFFFC00, v1  }
0x2c: {  	s13 =	simm.s32 $0x10;
	v5 =	vor.u32 v0, v1  }
0x2d: {  	v0 =	vld [tilespmem:s13+$0x0];
	_ =	sdelay $0x3  }
0x2e: {  	v1 =	vld.idx.msk [tilespmem:v5+s17+$0x0], $0xffff  }
0x2f: {  	v3 =	vor.u32 $0x80, v5;
	v2 =	vshll.u32 v0, $0x3  }
0x30: {  	v0 =	vand.u32 $0x7F, v0;
	v2 =	vand.u32 $0xFFFFFC00, v2  }
0x31: {  	s2 =	simm.s32 $0x20;
	s14 =	sand.u32 $0x70, s4;
	s3 =	sand.u32 $0x3C00, s4;
	v2 =	vor.u32 v0, v2  }
0x32: {  	s5 =	sor.u32 s14, s3;
	v0 =	vld [tilespmem:s2+$0x0]  }
0x33: {  	[tilespmem:s5+$0x8800] =	vst v1  }
0x34: {  	v1 =	vld.idx.msk [tilespmem:v3+s17+$0x0], $0xffff  }
0x35: {  	v3 =	vor.u32 $0x100, v5  }
0x36: {  	v4 =	vld.idx.msk [tilespmem:v2+s17+$0x0], $0xffff  }
0x37: {  	v7 =	vor.u32 $0x80, v2;
	v6 =	vshll.u32 v0, $0x3  }
0x38: {  	s15 =	simm.s32 $0x30;
	s29 =	simm.s32 $0x80;
	v0 =	vand.u32 $0x7F, v0;
	v6 =	vand.u32 $0xFFFFFC00, v6  }
0x39: {  	s0 =	sand.u32 $0x70, s13;
	s16 =	sand.u32 $0x3C00, s29;
	v8 =	vld [tilespmem:s15+$0x0];
	v0 =	vor.u32 v0, v6;
	[tilespmem:s5+$0x8880] =	vst v1  }
0x3a: {  	s13 =	sor.u32 s0, s16;
	v1 =	vld.idx.msk [tilespmem:v3+s17+$0x0], $0xffff  }
0x3b: {  	[tilespmem:s13+$0x8800] =	vst v4;
	v3 =	vor.u32 $0x180, v5  }
0x3c: {  	v4 =	vld.idx.msk [tilespmem:v7+s17+$0x0], $0xffff  }
0x3d: {  	v6 =	vor.u32 $0x100, v2  }
0x3e: {  	v9 =	vshll.u32 v8, $0x3;
	v7 =	vld.idx.msk [tilespmem:v0+s17+$0x0], $0xffff  }
0x3f: {  	v10 =	vor.u32 $0x80, v0;
	[tilespmem:s5+$0x8900] =	vst v1;
	v1 =	vand.u32 $0x7F, v8;
	v8 =	vand.u32 $0xFFFFFC00, v9  }
0x40: {  	s1 =	simm.s32 $0x100;
	s12 =	simm.s32 $0x40;
	v3 =	vld.idx.msk [tilespmem:v3+s17+$0x0], $0xffff;
	v1 =	vor.u32 v1, v8  }
0x41: {  	s20 =	sand.u32 $0x70, s2;
	s21 =	sand.u32 $0x3C00, s1;
	v8 =	vld [tilespmem:s12+$0x0];
	[tilespmem:s13+$0x8880] =	vst v4;
	v4 =	vor.u32 $0x200, v5  }
0x42: {  	s2 =	sor.u32 s20, s21;
	v6 =	vld.idx.msk [tilespmem:v6+s17+$0x0], $0xffff  }
0x43: {  	[tilespmem:s2+$0x8800] =	vst v7;
	v7 =	vor.u32 $0x180, v2  }
0x44: {  	v9 =	vld.idx.msk [tilespmem:v10+s17+$0x0], $0xffff  }
0x45: {  	v11 =	vor.u32 $0x100, v0;
	v10 =	vld.idx.msk [tilespmem:v1+s17+$0x0], $0xffff;
	[tilespmem:s5+$0x8980] =	vst v3  }
0x46: {  	v12 =	vor.u32 $0x80, v1;
	v3 =	vshll.u32 v8, $0x3;
	v4 =	vld.idx.msk [tilespmem:v4+s17+$0x0], $0xffff  }
0x47: {  	s0 =	simm.s32 $0x180;
	[tilespmem:s13+$0x8900] =	vst v6;
	v6 =	vand.u32 $0x7F, v8;
	v3 =	vand.u32 $0xFFFFFC00, v3;
	v8 =	vor.u32 $0x280, v5  }
0x48: {  	s3 =	sand.u32 $0x70, s15;
	s16 =	simm.s32 $0x50;
	s6 =	sand.u32 $0x3C00, s0;
	v7 =	vld.idx.msk [tilespmem:v7+s17+$0x0], $0xffff;
	v3 =	vor.u32 v6, v3  }
0x49: {  	s6 =	sor.u32 s3, s6;
	v6 =	vld [tilespmem:s16+$0x0];
	[tilespmem:s2+$0x8880] =	vst v9  }
0x4a: {  	v11 =	vld.idx.msk [tilespmem:v11+s17+$0x0], $0xffff;
	[tilespmem:s6+$0x8800] =	vst v10  }
0x4b: {  	v9 =	vor.u32 $0x200, v2;
	v10 =	vld.idx.msk [tilespmem:v12+s17+$0x0], $0xffff;
	[tilespmem:s5+$0x8A00] =	vst v4  }
0x4c: {  	v12 =	vor.u32 $0x180, v0;
	v8 =	vld.idx.msk [tilespmem:v8+s17+$0x0], $0xffff  }
0x4d: {  	v14 =	vld.idx.msk [tilespmem:v3+s17+$0x0], $0xffff;
	[tilespmem:s13+$0x8980] =	vst v7;
	v7 =	vor.u32 $0x300, v5  }
0x4e: {  	s8 =	simm.s32 $0x60;
	v15 =	vor.u32 $0x80, v3  }
0x4f: {  	s10 =	simm.s32 $0x200;
	v16 =	vld [tilespmem:s8+$0x0];
	v13 =	vor.u32 $0x100, v1  }
0x50: {  	s24 =	sand.u32 $0x3C00, s10;
	s23 =	sand.u32 $0x70, s12;
	v4 =	vshll.u32 v6, $0x3;
	v9 =	vld.idx.msk [tilespmem:v9+s17+$0x0], $0xffff;
	[tilespmem:s2+$0x8900] =	vst v11  }
0x51: {  	s15 =	sor.u32 s23, s24;
	v6 =	vand.u32 $0x7F, v6;
	v4 =	vand.u32 $0xFFFFFC00, v4;
	v11 =	vor.u32 $0x280, v2;
	v12 =	vld.idx.msk [tilespmem:v12+s17+$0x0], $0xffff;
	[tilespmem:s5+$0x8A80] =	vst v8  }
0x52: {  	v4 =	vor.u32 v6, v4;
	[tilespmem:s15+$0x8800] =	vst v14;
	v8 =	vld.idx.msk [tilespmem:v7+s17+$0x0], $0xffff  }
0x53: {  	[tilespmem:s6+$0x8880] =	vst v10;
	v10 =	vor.u32 $0x200, v0;
	v14 =	vld.idx.msk [tilespmem:v15+s17+$0x0], $0xffff  }
0x54: {  	s23 =	simm.s32 $0x70;
	v5 =	vor.u32 $0x380, v5;
	v6 =	vld.idx.msk [tilespmem:v13+s17+$0x0], $0xffff  }
0x55: {  	v13 =	vld [tilespmem:s23+$0x0];
	v15 =	vor.u32 $0x180, v1;
	[tilespmem:s13+$0x8A00] =	vst v9  }
0x56: {  	v18 =	vor.u32 $0x100, v3;
	v9 =	vld.idx.msk [tilespmem:v11+s17+$0x0], $0xffff;
	[tilespmem:s2+$0x8980] =	vst v12  }
0x57: {  	v19 =	vor.u32 $0x300, v2;
	v17 =	vld.idx.msk [tilespmem:v4+s17+$0x0], $0xffff;
	[tilespmem:s5+$0x8B00] =	vst v8  }
0x58: {  	v7 =	vld.idx.msk [tilespmem:v10+s17+$0x0], $0xffff;
	v8 =	vshll.u32 v16, $0x3;
	[tilespmem:s15+$0x8880] =	vst v14;
	v14 =	vor.u32 $0x80, v4  }
0x59: {  	s12 =	simm.s32 $0x280;
	v12 =	vor.u32 $0x280, v0;
	[tilespmem:s6+$0x8900] =	vst v6;
	v11 =	vld.idx.msk [tilespmem:v5+s17+$0x0], $0xffff;
	v5 =	vand.u32 $0x7F, v16;
	v8 =	vand.u32 $0xFFFFFC00, v8  }
0x5a: {  	s28 =	sand.u32 $0x70, s16;
	s30 =	sand.u32 $0x3C00, s12;
	v6 =	vld.idx.msk [tilespmem:v15+s17+$0x0], $0xffff;
	v5 =	vor.u32 v5, v8  }
0x5b: {  	s31 =	sand.u32 $0x7, s4;
	s24 =	simm.s32 $0x70;
	s5 =	sor.u32 s28, s30;
	v10 =	vld.idx.msk [tilespmem:v18+s17+$0x0], $0xffff;
	[tilespmem:s13+$0x8A80] =	vst v9;
	v9 =	vor.u32 $0x200, v1  }
0x5c: {  	s21 =	simm.s32 $0x0;
	s20 =	simm.s32 $0x0;
	s16 =	simm.s32 $0x80;
	[tilespmem:s5+$0x8800] =	vst v17;
	v8 =	vld.idx.msk [tilespmem:v19+s17+$0x0], $0xffff  }
.LBB2_2:
0x5d: {  	p0 =	sne.s32 s16, $0x7F0;
	v15 =	vld.idx.msk [tilespmem:v14+s17+$0x0], $0xffff;
	v16 =	vor.u32 $0x180, v3;
	[tilespmem:s2+$0x8A00] =	vst v7;
	s3 =	sshll.u32 s31, $0x4;
	v17 =	vmov v13;
	s28 =	smov.u32 s23  }
0x5e: {  	v19 =	vor.u32 $0x380, v2;
	v2 =	vmovc v0;
	v0 =	vmovc v1;
	v1 =	vmov v3;
	v3 =	vmov v4;
	v18 =	vld.idx.msk [tilespmem:v12+s17+$0x0], $0xffff;
	s3 =	sadd.s32 s3, s21;
	s21 =	smov.u32 s29;
	s29 =	smov.u32 s1  }
0x5f: {  	v4 =	vmov v5;
	v21 =	vor.u32 $0x100, v3;
	s1 =	smov.u32 s0;
	s0 =	smov.u32 s10;
	v20 =	vld.idx.msk [tilespmem:v5+s17+$0x0], $0xffff;
	[tilespmem:s6+$0x8980] =	vst v6;
	s3 =	sor.u32 $0x380, s3  }
0x60: {  	s24 =	sadd.s32 $0x10, s24;
	s23 =	smov.u32 s16;
	v22 =	vor.u32 $0x300, v2;
	s10 =	smov.u32 s12;
	v7 =	vld.idx.msk [tilespmem:v9+s17+$0x0], $0xffff;
	[tilespmem:s3+$0x8800] =	vst v11  }
.Ltmp2:
0x61: {  	v14 =	vor.u32 $0x80, v4;
	v5 =	vshll.u32 v17, $0x3;
	v13 =	vld [tilespmem:s24+$0x0];
	[tilespmem:s15+$0x8900] =	vst v10;
	(pc) =	sbr.rel @p0 .LBB2_2-.Ltmp2, $4  }
0x62: {  	s12 =	sadd.s32 $0x80, s12;
	v12 =	vor.u32 $0x280, v0;
	v9 =	vand.u32 $0x7F, v17;
	v5 =	vand.u32 $0xFFFFFC00, v5;
	v6 =	vld.idx.msk [tilespmem:v16+s17+$0x0], $0xffff;
	[tilespmem:s13+$0x8B00] =	vst v8;
	s13 =	smov.u32 s2;
	s2 =	smov.u32 s6  }
0x63: {  	s3 =	sand.u32 $0x70, s8;
	s8 =	sand.u32 $0x3C00, s12;
	v5 =	vor.u32 v9, v5;
	s6 =	smov.u32 s15;
	[tilespmem:s5+$0x8880] =	vst v15;
	v11 =	vld.idx.msk [tilespmem:v19+s17+$0x0], $0xffff  }
0x64: {  	s20 =	sadd.s32 $0x1, s20;
	v9 =	vor.u32 $0x200, v1;
	s15 =	smov.u32 s5;
	s5 =	sor.u32 s3, s8;
	v10 =	vld.idx.msk [tilespmem:v21+s17+$0x0], $0xffff;
	[tilespmem:s13+$0x8A80] =	vst v18  }
0x65: {  	s16 =	sadd.s32 $0x10, s16;
	s31 =	sand.u32 $0x7, s20;
	s8 =	smov.u32 s28;
	[tilespmem:s5+$0x8800] =	vst v20;
	v8 =	vld.idx.msk [tilespmem:v22+s17+$0x0], $0xffff  }
0x66: {  	v15 =	vshll.u32 v13, $0x3  }
0x67: {  	v13 =	vand.u32 $0x7F, v13;
	v15 =	vand.u32 $0xFFFFFC00, v15  }
0x68: {  	v13 =	vor.u32 v13, v15;
	_ =	sdelay $0x3  }
0x69: {  	v15 =	vld.idx.msk [tilespmem:v5+s17+$0x0], $0xffff  }
0x6a: {  	v16 =	vor.u32 $0x80, v5;
	v17 =	vld.idx.msk [tilespmem:v13+s17+$0x0], $0xffff  }
0x6b: {  	s16 =	sadd.s32 $0x80, s12;
	v18 =	vor.u32 $0x80, v13  }
0x6c: {  	s3 =	sand.u32 $0x70, s8;
	s24 =	sand.u32 $0x3C00, s16;
	s8 =	sadd.s32 $0x80, s16  }
0x6d: {  	s7 =	sand.u32 $0x70, s23;
	s30 =	sor.u32 s3, s24;
	s14 =	sand.u32 $0x3C00, s8  }
0x6e: {  	v14 =	vld.idx.msk [tilespmem:v14+s17+$0x0], $0xffff;
	s28 =	sor.u32 s7, s14;
	[tilespmem:s30+$0x8800] =	vst v15  }
0x6f: {  	v15 =	vor.u32 $0x100, v4;
	v16 =	vld.idx.msk [tilespmem:v16+s17+$0x0], $0xffff;
	[tilespmem:s28+$0x8800] =	vst v17  }
0x70: {  	v17 =	vor.u32 $0x100, v5;
	v18 =	vld.idx.msk [tilespmem:v18+s17+$0x0], $0xffff  }
0x71: {  	v19 =	vor.u32 $0x100, v13;
	_ =	sdelay $0x1  }
0x72: {  	s24 =	sshll.u32 s31, $0x4;
	[tilespmem:s5+$0x8880] =	vst v14  }
0x73: {  	s3 =	sadd.s32 s24, s21;
	v14 =	vor.u32 $0x180, v3;
	v15 =	vld.idx.msk [tilespmem:v15+s17+$0x0], $0xffff;
	[tilespmem:s30+$0x8880] =	vst v16  }
0x74: {  	s3 =	sor.u32 $0x380, s3;
	v16 =	vor.u32 $0x180, v4;
	v17 =	vld.idx.msk [tilespmem:v17+s17+$0x0], $0xffff;
	[tilespmem:s28+$0x8880] =	vst v18  }
0x75: {  	[tilespmem:s3+$0x8800] =	vst v11;
	v11 =	vor.u32 $0x180, v5;
	v18 =	vld.idx.msk [tilespmem:v19+s17+$0x0], $0xffff  }
0x76: {  	[tilespmem:s2+$0x8A00] =	vst v7;
	v7 =	vor.u32 $0x180, v13  }
0x77: {  	[tilespmem:s15+$0x8900] =	vst v10  }
0x78: {  	v10 =	vld.idx.msk [tilespmem:v14+s17+$0x0], $0xffff;
	[tilespmem:s5+$0x8900] =	vst v15  }
0x79: {  	v14 =	vor.u32 $0x200, v3;
	v15 =	vld.idx.msk [tilespmem:v16+s17+$0x0], $0xffff;
	[tilespmem:s30+$0x8900] =	vst v17  }
0x7a: {  	v16 =	vor.u32 $0x200, v4;
	v11 =	vld.idx.msk [tilespmem:v11+s17+$0x0], $0xffff;
	[tilespmem:s28+$0x8900] =	vst v18  }
0x7b: {  	[tilespmem:s6+$0x8980] =	vst v6;
	v6 =	vor.u32 $0x200, v5;
	v7 =	vld.idx.msk [tilespmem:v7+s17+$0x0], $0xffff  }
0x7c: {  	v12 =	vld.idx.msk [tilespmem:v12+s17+$0x0], $0xffff;
	[tilespmem:s13+$0x8B00] =	vst v8;
	v8 =	vor.u32 $0x200, v13  }
0x7d: {  	v2 =	vor.u32 $0x380, v2;
	v9 =	vld.idx.msk [tilespmem:v9+s17+$0x0], $0xffff;
	[tilespmem:s15+$0x8980] =	vst v10  }
0x7e: {  	v10 =	vor.u32 $0x280, v1;
	v14 =	vld.idx.msk [tilespmem:v14+s17+$0x0], $0xffff;
	[tilespmem:s5+$0x8980] =	vst v15  }
0x7f: {  	v15 =	vor.u32 $0x280, v3;
	v16 =	vld.idx.msk [tilespmem:v16+s17+$0x0], $0xffff;
	[tilespmem:s30+$0x8980] =	vst v11  }
0x80: {  	v11 =	vor.u32 $0x280, v4;
	v6 =	vld.idx.msk [tilespmem:v6+s17+$0x0], $0xffff;
	[tilespmem:s28+$0x8980] =	vst v7  }
0x81: {  	[tilespmem:s2+$0x8A80] =	vst v12;
	v7 =	vor.u32 $0x280, v5;
	v8 =	vld.idx.msk [tilespmem:v8+s17+$0x0], $0xffff  }
0x82: {  	s31 =	sadd.s32 $0x1, s20;
	v2 =	vld.idx.msk [tilespmem:v2+s17+$0x0], $0xffff;
	[tilespmem:s6+$0x8A00] =	vst v9;
	v9 =	vor.u32 $0x280, v13  }
0x83: {  	s7 =	sand.u32 $0x7, s31;
	v12 =	vor.u32 $0x300, v0;
	v10 =	vld.idx.msk [tilespmem:v10+s17+$0x0], $0xffff;
	[tilespmem:s15+$0x8A00] =	vst v14  }
0x84: {  	s13 =	sshll.u32 s7, $0x4;
	v14 =	vor.u32 $0x300, v1;
	v15 =	vld.idx.msk [tilespmem:v15+s17+$0x0], $0xffff;
	[tilespmem:s5+$0x8A00] =	vst v16  }
0x85: {  	s13 =	sadd.s32 s13, s29;
	v16 =	vor.u32 $0x300, v3;
	v11 =	vld.idx.msk [tilespmem:v11+s17+$0x0], $0xffff;
	[tilespmem:s30+$0x8A00] =	vst v6  }
0x86: {  	s13 =	sor.u32 $0x380, s13;
	v6 =	vor.u32 $0x300, v4;
	v7 =	vld.idx.msk [tilespmem:v7+s17+$0x0], $0xffff;
	[tilespmem:s28+$0x8A00] =	vst v8  }
0x87: {  	[tilespmem:s13+$0x8800] =	vst v2;
	v2 =	vor.u32 $0x300, v5;
	v8 =	vld.idx.msk [tilespmem:v9+s17+$0x0], $0xffff  }
0x88: {  	[tilespmem:s6+$0x8A80] =	vst v10;
	v10 =	vor.u32 $0x300, v13;
	v9 =	vld.idx.msk [tilespmem:v12+s17+$0x0], $0xffff  }
0x89: {  	v0 =	vor.u32 $0x380, v0;
	[tilespmem:s15+$0x8A80] =	vst v15;
	v12 =	vld.idx.msk [tilespmem:v14+s17+$0x0], $0xffff  }
0x8a: {  	v1 =	vor.u32 $0x380, v1;
	v14 =	vld.idx.msk [tilespmem:v16+s17+$0x0], $0xffff;
	[tilespmem:s5+$0x8A80] =	vst v11  }
0x8b: {  	s3 =	sadd.s32 $0x1, s31;
	v3 =	vor.u32 $0x380, v3;
	v6 =	vld.idx.msk [tilespmem:v6+s17+$0x0], $0xffff;
	[tilespmem:s30+$0x8A80] =	vst v7  }
0x8c: {  	s13 =	sand.u32 $0x7, s3;
	s3 =	sadd.s32 $0x1, s3;
	v4 =	vor.u32 $0x380, v4;
	v2 =	vld.idx.msk [tilespmem:v2+s17+$0x0], $0xffff;
	[tilespmem:s28+$0x8A80] =	vst v8  }
0x8d: {  	s14 =	sand.u32 $0x7, s3;
	v5 =	vor.u32 $0x380, v5;
	[tilespmem:s2+$0x8B00] =	vst v9;
	v7 =	vld.idx.msk [tilespmem:v10+s17+$0x0], $0xffff  }
0x8e: {  	s3 =	sadd.s32 $0x1, s3;
	s20 =	sshll.u32 s14, $0x4;
	[tilespmem:s6+$0x8B00] =	vst v12;
	v8 =	vor.u32 $0x380, v13;
	v0 =	vld.idx.msk [tilespmem:v0+s17+$0x0], $0xffff  }
0x8f: {  	s21 =	sand.u32 $0x7, s3;
	s3 =	sadd.s32 $0x1, s3;
	s0 =	sadd.s32 s20, s0;
	[tilespmem:s15+$0x8B00] =	vst v14;
	v1 =	vld.idx.msk [tilespmem:v1+s17+$0x0], $0xffff  }
0x90: {  	s23 =	sshll.u32 s21, $0x4;
	s24 =	sand.u32 $0x7, s3;
	s2 =	sshll.u32 s13, $0x4;
	v3 =	vld.idx.msk [tilespmem:v3+s17+$0x0], $0xffff;
	[tilespmem:s5+$0x8B00] =	vst v6  }
0x91: {  	s3 =	sadd.s32 $0x1, s3;
	s0 =	sor.u32 $0x380, s0;
	s1 =	sadd.s32 s2, s1;
	v4 =	vld.idx.msk [tilespmem:v4+s17+$0x0], $0xffff;
	[tilespmem:s30+$0x8B00] =	vst v2  }
0x92: {  	s29 =	sand.u32 $0x7, s3;
	s3 =	sadd.s32 $0x1, s3;
	s1 =	sor.u32 $0x380, s1;
	v2 =	vld.idx.msk [tilespmem:v5+s17+$0x0], $0xffff;
	[tilespmem:s28+$0x8B00] =	vst v7  }
0x93: {  	s31 =	sshll.u32 s29, $0x4;
	s2 =	sadd.s32 s23, s10;
	[tilespmem:s1+$0x8800] =	vst v0;
	s28 =	sshll.u32 s24, $0x4;
	v0 =	vld.idx.msk [tilespmem:v8+s17+$0x0], $0xffff  }
0x94: {  	s3 =	sand.u32 $0x7, s3;
	s2 =	sor.u32 $0x380, s2;
	[tilespmem:s0+$0x8800] =	vst v1;
	s30 =	sadd.s32 s28, s12  }
0x95: {  	s3 =	sshll.u32 s3, $0x4;
	[tilespmem:s2+$0x8800] =	vst v3;
	s1 =	sadd.s32 s31, s16;
	s0 =	sor.u32 $0x380, s30  }
0x96: {  	s6 =	sadd.s32 s3, s8;
	s5 =	sor.u32 $0x380, s1;
	[tilespmem:s0+$0x8800] =	vst v4  }
0x97: {  	s7 =	sor.u32 $0x380, s6;
	[tilespmem:s5+$0x8800] =	vst v2  }
0x98: {  	[tilespmem:s7+$0x8800] =	vst v0  }
0x99: {  	s8 =	simm.s32 $0x0;
	s12 =	simm.s32 $0x8800;
	s10 =	rddreg [dreg:$0x7]  }
0x9a: {  	[hbm4b:s10+s8] =	stream.linear.scatter [tilespmem:s12], [sflag:$0x3], $0x4000, $0x38;
	[tilespmem:$0x18800] =	vst v63  }
0x9b: {  	v0 =	vld [tilespmem:s8+$0x0];
	_ =	sdelay $0x4  }
0x9c: {  	v1 =	vshll.u32 v0, $0x3  }
0x9d: {  	v0 =	vand.u32 $0x7F, v0;
	v1 =	vand.u32 $0xFFFFFC00, v1  }
0x9e: {  	s13 =	simm.s32 $0x10;
	v5 =	vor.u32 v0, v1  }
0x9f: {  	v0 =	vld [tilespmem:s13+$0x0];
	v1 =	vadd.s32 $0x2000, v5;
	_ =	sdelay $0x4  }
0xa0: {  	v2 =	vshll.u32 v0, $0x3;
	v1 =	vld.idx.msk [tilespmem:v1+s17+$0x0], $0xffff  }
0xa1: {  	v3 =	vadd.s32 $0x2080, v5;
	v0 =	vand.u32 $0x7F, v0;
	v2 =	vand.u32 $0xFFFFFC00, v2  }
0xa2: {  	s14 =	simm.s32 $0x20;
	v2 =	vor.u32 v0, v2  }
0xa3: {  	s15 =	sand.u32 $0x70, s8;
	s0 =	sand.u32 $0x3C00, s8;
	v0 =	vld [tilespmem:s14+$0x0];
	v4 =	vadd.s32 $0x2000, v2  }
0xa4: {  	s6 =	sor.u32 s15, s0  }
0xa5: {  	[tilespmem:s6+$0xC800] =	vst v1  }
0xa6: {  	v1 =	vld.idx.msk [tilespmem:v3+s17+$0x0], $0xffff  }
0xa7: {  	v3 =	vadd.s32 $0x2100, v5  }
0xa8: {  	v6 =	vshll.u32 v0, $0x3;
	v4 =	vld.idx.msk [tilespmem:v4+s17+$0x0], $0xffff  }
0xa9: {  	s16 =	simm.s32 $0x30;
	v7 =	vadd.s32 $0x2080, v2;
	v0 =	vand.u32 $0x7F, v0;
	v6 =	vand.u32 $0xFFFFFC00, v6  }
0xaa: {  	s20 =	simm.s32 $0x80;
	v8 =	vld [tilespmem:s16+$0x0];
	v0 =	vor.u32 v0, v6  }
0xab: {  	s1 =	sand.u32 $0x70, s13;
	s0 =	sand.u32 $0x3C00, s20;
	v6 =	vadd.s32 $0x2000, v0;
	[tilespmem:s6+$0xC880] =	vst v1  }
0xac: {  	s1 =	sor.u32 s1, s0;
	v1 =	vld.idx.msk [tilespmem:v3+s17+$0x0], $0xffff  }
0xad: {  	[tilespmem:s1+$0xC800] =	vst v4;
	v3 =	vadd.s32 $0x2180, v5  }
0xae: {  	v4 =	vld.idx.msk [tilespmem:v7+s17+$0x0], $0xffff  }
0xaf: {  	v9 =	vshll.u32 v8, $0x3;
	v7 =	vadd.s32 $0x2100, v2  }
0xb0: {  	s21 =	simm.s32 $0x40;
	v8 =	vand.u32 $0x7F, v8;
	v9 =	vand.u32 $0xFFFFFC00, v9;
	v6 =	vld.idx.msk [tilespmem:v6+s17+$0x0], $0xffff  }
0xb1: {  	v10 =	vld [tilespmem:s21+$0x0];
	v11 =	vadd.s32 $0x2080, v0;
	[tilespmem:s6+$0xC900] =	vst v1;
	v1 =	vor.u32 v8, v9  }
0xb2: {  	s23 =	simm.s32 $0x100;
	v3 =	vld.idx.msk [tilespmem:v3+s17+$0x0], $0xffff;
	v8 =	vadd.s32 $0x2000, v1  }
0xb3: {  	s2 =	sand.u32 $0x70, s14;
	s0 =	sand.u32 $0x3C00, s23;
	[tilespmem:s1+$0xC880] =	vst v4;
	v4 =	vadd.s32 $0x2200, v5  }
0xb4: {  	s0 =	sor.u32 s2, s0;
	v7 =	vld.idx.msk [tilespmem:v7+s17+$0x0], $0xffff  }
0xb5: {  	[tilespmem:s0+$0xC800] =	vst v6;
	v6 =	vadd.s32 $0x2180, v2  }
0xb6: {  	v9 =	vld.idx.msk [tilespmem:v11+s17+$0x0], $0xffff  }
0xb7: {  	v11 =	vadd.s32 $0x2100, v0;
	v8 =	vld.idx.msk [tilespmem:v8+s17+$0x0], $0xffff;
	[tilespmem:s6+$0xC980] =	vst v3;
	v3 =	vshll.u32 v10, $0x3  }
0xb8: {  	v12 =	vadd.s32 $0x2080, v1;
	v10 =	vand.u32 $0x7F, v10;
	v4 =	vld.idx.msk [tilespmem:v4+s17+$0x0], $0xffff;
	v3 =	vand.u32 $0xFFFFFC00, v3  }
0xb9: {  	s28 =	simm.s32 $0x180;
	[tilespmem:s1+$0xC900] =	vst v7;
	v7 =	vadd.s32 $0x2280, v5;
	v3 =	vor.u32 v10, v3  }
0xba: {  	s24 =	simm.s32 $0x50;
	s3 =	sand.u32 $0x70, s16;
	s2 =	sand.u32 $0x3C00, s28;
	v6 =	vld.idx.msk [tilespmem:v6+s17+$0x0], $0xffff;
	v10 =	vadd.s32 $0x2000, v3  }
0xbb: {  	s2 =	sor.u32 s3, s2;
	v13 =	vld [tilespmem:s24+$0x0];
	[tilespmem:s0+$0xC880] =	vst v9  }
0xbc: {  	v9 =	vadd.s32 $0x2200, v2;
	v11 =	vld.idx.msk [tilespmem:v11+s17+$0x0], $0xffff;
	[tilespmem:s2+$0xC800] =	vst v8  }
0xbd: {  	v8 =	vld.idx.msk [tilespmem:v12+s17+$0x0], $0xffff;
	v12 =	vadd.s32 $0x2180, v0;
	[tilespmem:s6+$0xCA00] =	vst v4  }
0xbe: {  	v14 =	vadd.s32 $0x2100, v1;
	v7 =	vld.idx.msk [tilespmem:v7+s17+$0x0], $0xffff  }
0xbf: {  	s10 =	simm.s32 $0x60;
	[tilespmem:s1+$0xC980] =	vst v6;
	v6 =	vadd.s32 $0x2300, v5;
	v10 =	vld.idx.msk [tilespmem:v10+s17+$0x0], $0xffff  }
0xc0: {  	v16 =	vld [tilespmem:s10+$0x0];
	v15 =	vadd.s32 $0x2080, v3;
	v4 =	vshll.u32 v13, $0x3  }
0xc1: {  	s29 =	simm.s32 $0x200;
	v13 =	vand.u32 $0x7F, v13;
	v4 =	vand.u32 $0xFFFFFC00, v4;
	v9 =	vld.idx.msk [tilespmem:v9+s17+$0x0], $0xffff;
	[tilespmem:s0+$0xC900] =	vst v11  }
0xc2: {  	s5 =	sand.u32 $0x70, s21;
	s3 =	sand.u32 $0x3C00, s29;
	v4 =	vor.u32 v13, v4;
	v11 =	vadd.s32 $0x2280, v2;
	v13 =	vld.idx.msk [tilespmem:v12+s17+$0x0], $0xffff;
	[tilespmem:s2+$0xC880] =	vst v8  }
0xc3: {  	s5 =	sor.u32 s5, s3;
	v12 =	vadd.s32 $0x2000, v4;
	v8 =	vld.idx.msk [tilespmem:v14+s17+$0x0], $0xffff;
	[tilespmem:s6+$0xCA80] =	vst v7  }
0xc4: {  	v14 =	vadd.s32 $0x2200, v0;
	[tilespmem:s5+$0xC800] =	vst v10;
	v7 =	vld.idx.msk [tilespmem:v6+s17+$0x0], $0xffff  }
0xc5: {  	v10 =	vld.idx.msk [tilespmem:v15+s17+$0x0], $0xffff;
	v15 =	vadd.s32 $0x2180, v1  }
0xc6: {  	[tilespmem:s1+$0xCA00] =	vst v9  }
0xc7: {  	v17 =	vld.idx.msk [tilespmem:v11+s17+$0x0], $0xffff;
	v11 =	vadd.s32 $0x2380, v5  }
0xc8: {  	v18 =	vadd.s32 $0x2100, v3;
	v12 =	vld.idx.msk [tilespmem:v12+s17+$0x0], $0xffff;
	[tilespmem:s0+$0xC980] =	vst v13  }
0xc9: {  	v5 =	vshll.u32 v16, $0x3;
	v6 =	vld.idx.msk [tilespmem:v14+s17+$0x0], $0xffff;
	[tilespmem:s2+$0xC900] =	vst v8;
	v8 =	vadd.s32 $0x2300, v2  }
0xca: {  	s13 =	simm.s32 $0x70;
	v5 =	vand.u32 $0xFFFFFC00, v5;
	v13 =	vand.u32 $0x7F, v16;
	[tilespmem:s6+$0xCB00] =	vst v7;
	v9 =	vld.idx.msk [tilespmem:v15+s17+$0x0], $0xffff;
	v15 =	vadd.s32 $0x2080, v4  }
0xcb: {  	s12 =	simm.s32 $0x280;
	v14 =	vld [tilespmem:s13+$0x0];
	v5 =	vor.u32 v13, v5;
	[tilespmem:s5+$0xC880] =	vst v10;
	v10 =	vadd.s32 $0x2280, v0  }
0xcc: {  	s30 =	sand.u32 $0x70, s24;
	s31 =	sand.u32 $0x3C00, s12;
	v16 =	vadd.s32 $0x2000, v5;
	v7 =	vld.idx.msk [tilespmem:v11+s17+$0x0], $0xffff  }
0xcd: {  	s15 =	simm.s32 $0x70;
	s16 =	simm.s32 $0x80;
	s8 =	sor.u32 s30, s31;
	v11 =	vadd.s32 $0x2200, v1;
	[tilespmem:s1+$0xCA80] =	vst v17;
	v13 =	vld.idx.msk [tilespmem:v18+s17+$0x0], $0xffff  }
.LBB2_4:
0xce: {  	p0 =	sne.s32 s16, $0x7F0;
	[tilespmem:s8+$0xC800] =	vst v12;
	v17 =	vld.idx.msk [tilespmem:v8+s17+$0x0], $0xffff  }
0xcf: {  	v19 =	vadd.s32 $0x2180, v3;
	v18 =	vld.idx.msk [tilespmem:v15+s17+$0x0], $0xffff;
	[tilespmem:s0+$0xCA00] =	vst v6  }
0xd0: {  	v21 =	vadd.s32 $0x2380, v2;
	v2 =	vmovc v0;
	v0 =	vmovc v1;
	v1 =	vmov v3;
	v3 =	vmov v4;
	v20 =	vld.idx.msk [tilespmem:v10+s17+$0x0], $0xffff  }
0xd1: {  	v4 =	vmov v5;
	v22 =	vadd.s32 $0x2100, v3;
	v12 =	vld.idx.msk [tilespmem:v16+s17+$0x0], $0xffff;
	[tilespmem:s2+$0xC980] =	vst v9  }
.Ltmp3:
0xd2: {  	s13 =	sadd.s32 $0x10, s13;
	v5 =	vshll.u32 v14, $0x3;
	v8 =	vadd.s32 $0x2300, v2;
	v6 =	vld.idx.msk [tilespmem:v11+s17+$0x0], $0xffff;
	[tilespmem:s6+$0xCB80] =	vst v7;
	s6 =	smov.u32 s1;
	(pc) =	sbr.rel @p0 .LBB2_4-.Ltmp3, $4  }
0xd3: {  	v15 =	vadd.s32 $0x2080, v4;
	v5 =	vand.u32 $0xFFFFFC00, v5;
	v7 =	vand.u32 $0x7F, v14;
	s1 =	smov.u32 s0;
	s0 =	smov.u32 s2;
	s2 =	smov.u32 s5;
	v14 =	vld [tilespmem:s13+$0x0];
	[tilespmem:s5+$0xC900] =	vst v13  }
0xd4: {  	s12 =	sadd.s32 $0x80, s12;
	v10 =	vadd.s32 $0x2280, v0;
	v5 =	vor.u32 v7, v5;
	s5 =	smov.u32 s8;
	v9 =	vld.idx.msk [tilespmem:v19+s17+$0x0], $0xffff;
	[tilespmem:s6+$0xCB00] =	vst v17  }
0xd5: {  	s3 =	sand.u32 $0x70, s10;
	s10 =	smov.u32 s15;
	s8 =	sand.u32 $0x3C00, s12;
	v16 =	vadd.s32 $0x2000, v5;
	[tilespmem:s5+$0xC880] =	vst v18;
	v7 =	vld.idx.msk [tilespmem:v21+s17+$0x0], $0xffff  }
0xd6: {  	s15 =	smov.u32 s16;
	s16 =	sadd.s32 $0x10, s16;
	v11 =	vadd.s32 $0x2200, v1;
	s8 =	sor.u32 s3, s8;
	v13 =	vld.idx.msk [tilespmem:v22+s17+$0x0], $0xffff;
	[tilespmem:s1+$0xCA80] =	vst v20  }
0xd7: {  	_ = 	snop  }
0xd8: {  	v17 =	vshll.u32 v14, $0x3  }
0xd9: {  	v14 =	vand.u32 $0x7F, v14;
	v17 =	vand.u32 $0xFFFFFC00, v17  }
0xda: {  	v14 =	vor.u32 v14, v17  }
0xdb: {  	v17 =	vadd.s32 $0x2000, v14;
	_ =	sdelay $0x3  }
0xdc: {  	v16 =	vld.idx.msk [tilespmem:v16+s17+$0x0], $0xffff  }
0xdd: {  	v18 =	vadd.s32 $0x2080, v5;
	v17 =	vld.idx.msk [tilespmem:v17+s17+$0x0], $0xffff  }
0xde: {  	s3 =	sadd.s32 $0x80, s12;
	v19 =	vadd.s32 $0x2080, v14  }
0xdf: {  	s10 =	sand.u32 $0x70, s10;
	s12 =	sand.u32 $0x3C00, s3;
	s3 =	sadd.s32 $0x80, s3  }
0xe0: {  	[tilespmem:s8+$0xC800] =	vst v12;
	s15 =	sand.u32 $0x70, s15;
	s10 =	sor.u32 s10, s12;
	s3 =	sand.u32 $0x3C00, s3  }
0xe1: {  	v12 =	vld.idx.msk [tilespmem:v15+s17+$0x0], $0xffff;
	s12 =	sor.u32 s15, s3;
	[tilespmem:s10+$0xC800] =	vst v16  }
0xe2: {  	v15 =	vadd.s32 $0x2100, v4;
	v16 =	vld.idx.msk [tilespmem:v18+s17+$0x0], $0xffff;
	[tilespmem:s12+$0xC800] =	vst v17  }
0xe3: {  	v54 =	vadd.s32 $0x2100, v5;
	v55 =	vld.idx.msk [tilespmem:v19+s17+$0x0], $0xffff  }
0xe4: {  	v56 =	vadd.s32 $0x2100, v14;
	_ =	sdelay $0x1  }
0xe5: {  	[tilespmem:s8+$0xC880] =	vst v12  }
0xe6: {  	v12 =	vadd.s32 $0x2180, v3;
	v15 =	vld.idx.msk [tilespmem:v15+s17+$0x0], $0xffff;
	[tilespmem:s10+$0xC880] =	vst v16  }
0xe7: {  	v57 =	vadd.s32 $0x2180, v4;
	v17 =	vld.idx.msk [tilespmem:v54+s17+$0x0], $0xffff;
	[tilespmem:s12+$0xC880] =	vst v55  }
0xe8: {  	[tilespmem:s0+$0xCA00] =	vst v6;
	v6 =	vadd.s32 $0x2180, v5;
	v18 =	vld.idx.msk [tilespmem:v56+s17+$0x0], $0xffff  }
0xe9: {  	[tilespmem:s2+$0xC980] =	vst v9;
	v9 =	vadd.s32 $0x2180, v14  }
0xea: {  	v8 =	vld.idx.msk [tilespmem:v8+s17+$0x0], $0xffff;
	[tilespmem:s5+$0xC900] =	vst v13  }
0xeb: {  	v12 =	vld.idx.msk [tilespmem:v12+s17+$0x0], $0xffff;
	[tilespmem:s8+$0xC900] =	vst v15  }
0xec: {  	v13 =	vadd.s32 $0x2200, v3;
	v15 =	vld.idx.msk [tilespmem:v57+s17+$0x0], $0xffff;
	[tilespmem:s10+$0xC900] =	vst v17  }
0xed: {  	v58 =	vadd.s32 $0x2200, v4;
	v6 =	vld.idx.msk [tilespmem:v6+s17+$0x0], $0xffff;
	[tilespmem:s12+$0xC900] =	vst v18  }
0xee: {  	[tilespmem:s6+$0xCB80] =	vst v7;
	v7 =	vadd.s32 $0x2200, v5;
	v9 =	vld.idx.msk [tilespmem:v9+s17+$0x0], $0xffff  }
0xef: {  	v10 =	vld.idx.msk [tilespmem:v10+s17+$0x0], $0xffff;
	[tilespmem:s1+$0xCB00] =	vst v8;
	v8 =	vadd.s32 $0x2200, v14  }
0xf0: {  	v2 =	vadd.s32 $0x2380, v2;
	v11 =	vld.idx.msk [tilespmem:v11+s17+$0x0], $0xffff;
	[tilespmem:s5+$0xC980] =	vst v12  }
0xf1: {  	v12 =	vadd.s32 $0x2280, v1;
	v13 =	vld.idx.msk [tilespmem:v13+s17+$0x0], $0xffff;
	[tilespmem:s8+$0xC980] =	vst v15  }
0xf2: {  	v15 =	vadd.s32 $0x2280, v3;
	v16 =	vld.idx.msk [tilespmem:v58+s17+$0x0], $0xffff;
	[tilespmem:s10+$0xC980] =	vst v6  }
0xf3: {  	v6 =	vadd.s32 $0x2280, v4;
	v7 =	vld.idx.msk [tilespmem:v7+s17+$0x0], $0xffff;
	[tilespmem:s12+$0xC980] =	vst v9  }
0xf4: {  	[tilespmem:s0+$0xCA80] =	vst v10;
	v9 =	vadd.s32 $0x2280, v5;
	v8 =	vld.idx.msk [tilespmem:v8+s17+$0x0], $0xffff  }
0xf5: {  	v2 =	vld.idx.msk [tilespmem:v2+s17+$0x0], $0xffff;
	v10 =	vadd.s32 $0x2280, v14;
	[tilespmem:s2+$0xCA00] =	vst v11  }
0xf6: {  	v11 =	vadd.s32 $0x2300, v0;
	v12 =	vld.idx.msk [tilespmem:v12+s17+$0x0], $0xffff;
	[tilespmem:s5+$0xCA00] =	vst v13  }
0xf7: {  	v13 =	vadd.s32 $0x2300, v1;
	v15 =	vld.idx.msk [tilespmem:v15+s17+$0x0], $0xffff;
	[tilespmem:s8+$0xCA00] =	vst v16  }
0xf8: {  	v59 =	vadd.s32 $0x2300, v3;
	v6 =	vld.idx.msk [tilespmem:v6+s17+$0x0], $0xffff;
	[tilespmem:s10+$0xCA00] =	vst v7  }
0xf9: {  	v7 =	vadd.s32 $0x2300, v4;
	v9 =	vld.idx.msk [tilespmem:v9+s17+$0x0], $0xffff;
	[tilespmem:s12+$0xCA00] =	vst v8  }
0xfa: {  	[tilespmem:s1+$0xCB80] =	vst v2;
	v2 =	vadd.s32 $0x2300, v5;
	v8 =	vld.idx.msk [tilespmem:v10+s17+$0x0], $0xffff  }
0xfb: {  	[tilespmem:s2+$0xCA80] =	vst v12;
	v10 =	vld.idx.msk [tilespmem:v11+s17+$0x0], $0xffff;
	v11 =	vadd.s32 $0x2300, v14  }
0xfc: {  	v0 =	vadd.s32 $0x2380, v0;
	v12 =	vld.idx.msk [tilespmem:v13+s17+$0x0], $0xffff;
	[tilespmem:s5+$0xCA80] =	vst v15  }
0xfd: {  	v1 =	vadd.s32 $0x2380, v1;
	v13 =	vld.idx.msk [tilespmem:v59+s17+$0x0], $0xffff;
	[tilespmem:s8+$0xCA80] =	vst v6  }
0xfe: {  	v3 =	vadd.s32 $0x2380, v3;
	v6 =	vld.idx.msk [tilespmem:v7+s17+$0x0], $0xffff;
	[tilespmem:s10+$0xCA80] =	vst v9  }
0xff: {  	v4 =	vadd.s32 $0x2380, v4;
	v2 =	vld.idx.msk [tilespmem:v2+s17+$0x0], $0xffff;
	[tilespmem:s12+$0xCA80] =	vst v8  }
0x100: {  	v5 =	vadd.s32 $0x2380, v5;
	[tilespmem:s0+$0xCB00] =	vst v10;
	v7 =	vld.idx.msk [tilespmem:v11+s17+$0x0], $0xffff  }
0x101: {  	[tilespmem:s2+$0xCB00] =	vst v12;
	v8 =	vadd.s32 $0x2380, v14;
	v0 =	vld.idx.msk [tilespmem:v0+s17+$0x0], $0xffff  }
0x102: {  	v1 =	vld.idx.msk [tilespmem:v1+s17+$0x0], $0xffff;
	[tilespmem:s5+$0xCB00] =	vst v13  }
0x103: {  	v3 =	vld.idx.msk [tilespmem:v3+s17+$0x0], $0xffff;
	[tilespmem:s8+$0xCB00] =	vst v6  }
0x104: {  	v4 =	vld.idx.msk [tilespmem:v4+s17+$0x0], $0xffff;
	[tilespmem:s10+$0xCB00] =	vst v2  }
0x105: {  	v2 =	vld.idx.msk [tilespmem:v5+s17+$0x0], $0xffff;
	[tilespmem:s12+$0xCB00] =	vst v7  }
0x106: {  	[tilespmem:s0+$0xCB80] =	vst v0;
	v0 =	vld.idx.msk [tilespmem:v8+s17+$0x0], $0xffff  }
0x107: {  	[tilespmem:s2+$0xCB80] =	vst v1  }
0x108: {  	[tilespmem:s5+$0xCB80] =	vst v3  }
0x109: {  	[tilespmem:s8+$0xCB80] =	vst v4  }
0x10a: {  	[tilespmem:s10+$0xCB80] =	vst v2  }
0x10b: {  	[tilespmem:s12+$0xCB80] =	vst v0  }
0x10c: {  	s16 =	simm.s32 $0xC800;
	s6 =	simm.s32 $0x0;
	s0 =	rddreg [dreg:$0x8]  }
0x10d: {  	[hbm4b:s0+s6] =	stream.linear.scatter [tilespmem:s16], [sflag:$0x3], $0x4000, $0x38;
	[tilespmem:$0x18800] =	vst v63  }
0x10e: {  	s20 =	rddreg [dreg:$0x9]  }
0x10f: {  	[tilespmem:s17], [sflag:$0x1] =	stream.linear.gather [hbm4b:s20+s6], $0x4000, $0x38;
	[tilespmem:$0x18800] =	vst v63  }
0x110: {  	_ =	swait.ge [sflag:s22], $0x4000  }
0x111: {  	[sflag:s22] =	ssyncset.done $0x0  }
0x112: {  	[sflag:s22] =	ssyncadd.s32 $0xFFFFC000  }
0x113: {  	v0 =	vld [tilespmem:s6+$0x0];
	_ =	sdelay $0x4  }
0x114: {  	v1 =	vshll.u32 v0, $0x3  }
0x115: {  	v0 =	vand.u32 $0x7F, v0;
	v1 =	vand.u32 $0xFFFFFC00, v1  }
0x116: {  	s21 =	simm.s32 $0x10;
	v5 =	vor.u32 v0, v1  }
0x117: {  	v0 =	vld [tilespmem:s21+$0x0];
	_ =	sdelay $0x3  }
0x118: {  	v1 =	vld.idx.msk [tilespmem:v5+s18+$0x0], $0xffff  }
0x119: {  	v3 =	vor.u32 $0x80, v5;
	v2 =	vshll.u32 v0, $0x3  }
0x11a: {  	v0 =	vand.u32 $0x7F, v0;
	v2 =	vand.u32 $0xFFFFFC00, v2  }
0x11b: {  	s23 =	simm.s32 $0x20;
	s24 =	sand.u32 $0x70, s6;
	s28 =	sand.u32 $0x3C00, s6;
	v2 =	vor.u32 v0, v2  }
0x11c: {  	s0 =	sor.u32 s24, s28;
	v0 =	vld [tilespmem:s23+$0x0]  }
0x11d: {  	[tilespmem:s0+$0x10800] =	vst v1  }
0x11e: {  	v1 =	vld.idx.msk [tilespmem:v3+s18+$0x0], $0xffff  }
0x11f: {  	v3 =	vor.u32 $0x100, v5  }
0x120: {  	v4 =	vld.idx.msk [tilespmem:v2+s18+$0x0], $0xffff  }
0x121: {  	v7 =	vor.u32 $0x80, v2;
	v6 =	vshll.u32 v0, $0x3  }
0x122: {  	s31 =	simm.s32 $0x30;
	s7 =	sadd.s32 $0x10800, s0;
	s0 =	simm.s32 $0x80;
	v0 =	vand.u32 $0x7F, v0;
	v6 =	vand.u32 $0xFFFFFC00, v6  }
0x123: {  	s1 =	sand.u32 $0x70, s21;
	v8 =	vld [tilespmem:s31+$0x0];
	s13 =	sand.u32 $0x3C00, s0;
	v0 =	vor.u32 v0, v6;
	[tilespmem:s7+$0x80] =	vst v1  }
0x124: {  	s1 =	sor.u32 s1, s13;
	v1 =	vld.idx.msk [tilespmem:v3+s18+$0x0], $0xffff  }
0x125: {  	[tilespmem:s1+$0x10800] =	vst v4;
	v3 =	vor.u32 $0x180, v5  }
0x126: {  	v4 =	vld.idx.msk [tilespmem:v7+s18+$0x0], $0xffff  }
0x127: {  	v6 =	vor.u32 $0x100, v2  }
0x128: {  	v9 =	vshll.u32 v8, $0x3;
	v7 =	vld.idx.msk [tilespmem:v0+s18+$0x0], $0xffff  }
0x129: {  	v10 =	vor.u32 $0x80, v0;
	[tilespmem:s7+$0x100] =	vst v1;
	v1 =	vand.u32 $0x7F, v8;
	v8 =	vand.u32 $0xFFFFFC00, v9  }
0x12a: {  	s14 =	simm.s32 $0x40;
	s29 =	simm.s32 $0x100;
	s13 =	sadd.s32 $0x10800, s1;
	v3 =	vld.idx.msk [tilespmem:v3+s18+$0x0], $0xffff;
	v1 =	vor.u32 v1, v8  }
0x12b: {  	s16 =	sand.u32 $0x70, s23;
	s20 =	sand.u32 $0x3C00, s29;
	v8 =	vld [tilespmem:s14+$0x0];
	[tilespmem:s13+$0x80] =	vst v4;
	v4 =	vor.u32 $0x200, v5  }
0x12c: {  	s2 =	sor.u32 s16, s20;
	v6 =	vld.idx.msk [tilespmem:v6+s18+$0x0], $0xffff  }
0x12d: {  	[tilespmem:s2+$0x10800] =	vst v7;
	v7 =	vor.u32 $0x180, v2  }
0x12e: {  	v9 =	vld.idx.msk [tilespmem:v10+s18+$0x0], $0xffff  }
0x12f: {  	v11 =	vor.u32 $0x100, v0;
	v10 =	vld.idx.msk [tilespmem:v1+s18+$0x0], $0xffff;
	[tilespmem:s7+$0x180] =	vst v3  }
0x130: {  	v12 =	vor.u32 $0x80, v1;
	v3 =	vshll.u32 v8, $0x3;
	v4 =	vld.idx.msk [tilespmem:v4+s18+$0x0], $0xffff  }
0x131: {  	s3 =	sand.u32 $0x70, s31;
	s1 =	simm.s32 $0x180;
	[tilespmem:s13+$0x100] =	vst v6;
	v6 =	vand.u32 $0x7F, v8;
	v3 =	vand.u32 $0xFFFFFC00, v3;
	v8 =	vor.u32 $0x280, v5  }
0x132: {  	s16 =	simm.s32 $0x50;
	s21 =	sand.u32 $0x3C00, s1;
	s2 =	sadd.s32 $0x10800, s2;
	v7 =	vld.idx.msk [tilespmem:v7+s18+$0x0], $0xffff;
	v3 =	vor.u32 v6, v3  }
0x133: {  	s3 =	sor.u32 s3, s21;
	v6 =	vld [tilespmem:s16+$0x0];
	[tilespmem:s2+$0x80] =	vst v9  }
0x134: {  	v11 =	vld.idx.msk [tilespmem:v11+s18+$0x0], $0xffff;
	[tilespmem:s3+$0x10800] =	vst v10  }
0x135: {  	v9 =	vor.u32 $0x200, v2;
	v10 =	vld.idx.msk [tilespmem:v12+s18+$0x0], $0xffff;
	[tilespmem:s7+$0x200] =	vst v4  }
0x136: {  	v12 =	vor.u32 $0x180, v0;
	v8 =	vld.idx.msk [tilespmem:v8+s18+$0x0], $0xffff  }
0x137: {  	v14 =	vld.idx.msk [tilespmem:v3+s18+$0x0], $0xffff;
	[tilespmem:s13+$0x180] =	vst v7;
	v7 =	vor.u32 $0x300, v5  }
0x138: {  	s5 =	simm.s32 $0x60;
	v15 =	vor.u32 $0x80, v3  }
0x139: {  	s30 =	simm.s32 $0x200;
	v60 =	vld [tilespmem:s5+$0x0];
	v13 =	vor.u32 $0x100, v1  }
0x13a: {  	s24 =	sand.u32 $0x3C00, s30;
	s23 =	sand.u32 $0x70, s14;
	v4 =	vshll.u32 v6, $0x3;
	v9 =	vld.idx.msk [tilespmem:v9+s18+$0x0], $0xffff;
	[tilespmem:s2+$0x100] =	vst v11  }
0x13b: {  	s12 =	sadd.s32 $0x10800, s3;
	s3 =	sor.u32 s23, s24;
	v6 =	vand.u32 $0x7F, v6;
	v4 =	vand.u32 $0xFFFFFC00, v4;
	v11 =	vor.u32 $0x280, v2;
	v12 =	vld.idx.msk [tilespmem:v12+s18+$0x0], $0xffff;
	[tilespmem:s7+$0x280] =	vst v8  }
0x13c: {  	v4 =	vor.u32 v6, v4;
	[tilespmem:s3+$0x10800] =	vst v14;
	v8 =	vld.idx.msk [tilespmem:v7+s18+$0x0], $0xffff  }
0x13d: {  	[tilespmem:s12+$0x80] =	vst v10;
	v10 =	vor.u32 $0x200, v0;
	v14 =	vld.idx.msk [tilespmem:v15+s18+$0x0], $0xffff  }
0x13e: {  	s20 =	simm.s32 $0x70;
	v5 =	vor.u32 $0x380, v5;
	v6 =	vld.idx.msk [tilespmem:v13+s18+$0x0], $0xffff  }
0x13f: {  	v13 =	vld [tilespmem:s20+$0x0];
	v15 =	vor.u32 $0x180, v1;
	[tilespmem:s13+$0x200] =	vst v9  }
0x140: {  	v62 =	vor.u32 $0x100, v3;
	v9 =	vld.idx.msk [tilespmem:v11+s18+$0x0], $0xffff;
	[tilespmem:s2+$0x180] =	vst v12  }
0x141: {  	v63 =	vor.u32 $0x300, v2;
	s8 =	sadd.s32 $0x10800, s3;
	v61 =	vld.idx.msk [tilespmem:v4+s18+$0x0], $0xffff;
	[tilespmem:s7+$0x300] =	vst v8  }
0x142: {  	v7 =	vld.idx.msk [tilespmem:v10+s18+$0x0], $0xffff;
	v8 =	vshll.u32 v60, $0x3;
	[tilespmem:s8+$0x80] =	vst v14;
	v14 =	vor.u32 $0x80, v4  }
0x143: {  	s10 =	simm.s32 $0x280;
	v12 =	vor.u32 $0x280, v0;
	[tilespmem:s12+$0x100] =	vst v6;
	v11 =	vld.idx.msk [tilespmem:v5+s18+$0x0], $0xffff;
	v5 =	vand.u32 $0x7F, v60;
	v8 =	vand.u32 $0xFFFFFC00, v8  }
0x144: {  	s28 =	sand.u32 $0x70, s16;
	s31 =	sand.u32 $0x3C00, s10;
	v6 =	vld.idx.msk [tilespmem:v15+s18+$0x0], $0xffff;
	v5 =	vor.u32 v5, v8  }
0x145: {  	s15 =	simm.s32 $0x80;
	s21 =	sor.u32 s28, s31;
	v10 =	vld.idx.msk [tilespmem:v62+s18+$0x0], $0xffff;
	[tilespmem:s13+$0x280] =	vst v9;
	v9 =	vor.u32 $0x200, v1  }
0x146: {  	s16 =	simm.s32 $0x0;
	s24 =	sand.u32 $0x7, s6;
	s23 =	simm.s32 $0x70;
	[tilespmem:s21+$0x10800] =	vst v61;
	v8 =	vld.idx.msk [tilespmem:v63+s18+$0x0], $0xffff  }
.LBB2_6:
0x147: {  	p0 =	sne.s32 s15, $0x7F0;
	v15 =	vld.idx.msk [tilespmem:v14+s18+$0x0], $0xffff;
	v16 =	vor.u32 $0x180, v3;
	[tilespmem:s2+$0x200] =	vst v7;
	s3 =	sshll.u32 s24, $0x4;
	v17 =	vmov v13;
	s24 =	smov.u32 s5  }
0x148: {  	v19 =	vor.u32 $0x380, v2;
	v2 =	vmovc v0;
	v0 =	vmovc v1;
	v1 =	vmov v3;
	v3 =	vmov v4;
	v18 =	vld.idx.msk [tilespmem:v12+s18+$0x0], $0xffff;
	s3 =	sadd.s32 s3, s6;
	s6 =	smov.u32 s0;
	s0 =	smov.u32 s29  }
0x149: {  	v4 =	vmov v5;
	v21 =	vor.u32 $0x100, v3;
	s29 =	smov.u32 s1;
	s1 =	smov.u32 s30;
	v20 =	vld.idx.msk [tilespmem:v5+s18+$0x0], $0xffff;
	[tilespmem:s12+$0x180] =	vst v6;
	s3 =	sor.u32 $0x380, s3  }
0x14a: {  	s20 =	sadd.s32 $0x10, s20;
	s5 =	smov.u32 s23;
	v22 =	vor.u32 $0x300, v2;
	s30 =	smov.u32 s10;
	v7 =	vld.idx.msk [tilespmem:v9+s18+$0x0], $0xffff;
	[tilespmem:s3+$0x10800] =	vst v11  }
.Ltmp4:
0x14b: {  	s23 =	smov.u32 s15;
	v14 =	vor.u32 $0x80, v4;
	v5 =	vshll.u32 v17, $0x3;
	v13 =	vld [tilespmem:s20+$0x0];
	[tilespmem:s8+$0x100] =	vst v10;
	(pc) =	sbr.rel @p0 .LBB2_6-.Ltmp4, $4  }
0x14c: {  	s10 =	sadd.s32 $0x80, s10;
	v12 =	vor.u32 $0x280, v0;
	v9 =	vand.u32 $0x7F, v17;
	v5 =	vand.u32 $0xFFFFFC00, v5;
	s3 =	sadd.s32 $0x10800, s21;
	v6 =	vld.idx.msk [tilespmem:v16+s18+$0x0], $0xffff;
	[tilespmem:s13+$0x300] =	vst v8;
	s13 =	smov.u32 s2  }
0x14d: {  	s21 =	sand.u32 $0x70, s24;
	s24 =	sand.u32 $0x3C00, s10;
	v5 =	vor.u32 v9, v5;
	s2 =	smov.u32 s12;
	[tilespmem:s3+$0x80] =	vst v15;
	v11 =	vld.idx.msk [tilespmem:v19+s18+$0x0], $0xffff  }
0x14e: {  	s16 =	sadd.s32 $0x1, s16;
	s21 =	sor.u32 s21, s24;
	v9 =	vor.u32 $0x200, v1;
	s12 =	smov.u32 s8;
	v10 =	vld.idx.msk [tilespmem:v21+s18+$0x0], $0xffff;
	[tilespmem:s13+$0x280] =	vst v18  }
0x14f: {  	s15 =	sadd.s32 $0x10, s15;
	s24 =	sand.u32 $0x7, s16;
	s8 =	smov.u32 s3;
	[tilespmem:s21+$0x10800] =	vst v20;
	v8 =	vld.idx.msk [tilespmem:v22+s18+$0x0], $0xffff  }
0x150: {  	v15 =	vshll.u32 v13, $0x3  }
0x151: {  	v13 =	vand.u32 $0x7F, v13;
	v15 =	vand.u32 $0xFFFFFC00, v15  }
0x152: {  	v13 =	vor.u32 v13, v15;
	_ =	sdelay $0x3  }
0x153: {  	v15 =	vld.idx.msk [tilespmem:v5+s18+$0x0], $0xffff  }
0x154: {  	v16 =	vor.u32 $0x80, v5;
	v17 =	vld.idx.msk [tilespmem:v13+s18+$0x0], $0xffff  }
0x155: {  	s15 =	sadd.s32 $0x80, s10;
	v18 =	vor.u32 $0x80, v13  }
0x156: {  	s3 =	sand.u32 $0x70, s5;
	s20 =	sand.u32 $0x3C00, s15;
	s5 =	sadd.s32 $0x80, s15  }
0x157: {  	s7 =	sand.u32 $0x70, s23;
	s3 =	sor.u32 s3, s20;
	s14 =	sand.u32 $0x3C00, s5  }
0x158: {  	v14 =	vld.idx.msk [tilespmem:v14+s18+$0x0], $0xffff;
	s23 =	sor.u32 s7, s14;
	[tilespmem:s3+$0x10800] =	vst v15  }
0x159: {  	v15 =	vor.u32 $0x100, v4;
	v16 =	vld.idx.msk [tilespmem:v16+s18+$0x0], $0xffff;
	[tilespmem:s23+$0x10800] =	vst v17  }
0x15a: {  	v17 =	vor.u32 $0x100, v5;
	v18 =	vld.idx.msk [tilespmem:v18+s18+$0x0], $0xffff  }
0x15b: {  	v19 =	vor.u32 $0x100, v13  }
0x15c: {  	s21 =	sadd.s32 $0x10800, s21  }
0x15d: {  	s24 =	sshll.u32 s24, $0x4;
	s20 =	sadd.s32 $0x10800, s3;
	[tilespmem:s21+$0x80] =	vst v14  }
0x15e: {  	s28 =	sadd.s32 s24, s6;
	s6 =	sadd.s32 $0x10800, s23;
	v14 =	vor.u32 $0x180, v3;
	v15 =	vld.idx.msk [tilespmem:v15+s18+$0x0], $0xffff;
	[tilespmem:s20+$0x80] =	vst v16  }
0x15f: {  	s3 =	sor.u32 $0x380, s28;
	v16 =	vor.u32 $0x180, v4;
	v17 =	vld.idx.msk [tilespmem:v17+s18+$0x0], $0xffff;
	[tilespmem:s6+$0x80] =	vst v18  }
0x160: {  	[tilespmem:s3+$0x10800] =	vst v11;
	v11 =	vor.u32 $0x180, v5;
	v18 =	vld.idx.msk [tilespmem:v19+s18+$0x0], $0xffff  }
0x161: {  	[tilespmem:s2+$0x200] =	vst v7;
	v7 =	vor.u32 $0x180, v13  }
0x162: {  	[tilespmem:s8+$0x100] =	vst v10  }
0x163: {  	v10 =	vld.idx.msk [tilespmem:v14+s18+$0x0], $0xffff;
	[tilespmem:s21+$0x100] =	vst v15  }
0x164: {  	v14 =	vor.u32 $0x200, v3;
	v15 =	vld.idx.msk [tilespmem:v16+s18+$0x0], $0xffff;
	[tilespmem:s20+$0x100] =	vst v17  }
0x165: {  	v16 =	vor.u32 $0x200, v4;
	v11 =	vld.idx.msk [tilespmem:v11+s18+$0x0], $0xffff;
	[tilespmem:s6+$0x100] =	vst v18  }
0x166: {  	[tilespmem:s12+$0x180] =	vst v6;
	v6 =	vor.u32 $0x200, v5;
	v7 =	vld.idx.msk [tilespmem:v7+s18+$0x0], $0xffff  }
0x167: {  	v12 =	vld.idx.msk [tilespmem:v12+s18+$0x0], $0xffff;
	[tilespmem:s13+$0x300] =	vst v8;
	v8 =	vor.u32 $0x200, v13  }
0x168: {  	v2 =	vor.u32 $0x380, v2;
	v9 =	vld.idx.msk [tilespmem:v9+s18+$0x0], $0xffff;
	[tilespmem:s8+$0x180] =	vst v10  }
0x169: {  	v10 =	vor.u32 $0x280, v1;
	v14 =	vld.idx.msk [tilespmem:v14+s18+$0x0], $0xffff;
	[tilespmem:s21+$0x180] =	vst v15  }
0x16a: {  	v15 =	vor.u32 $0x280, v3;
	v16 =	vld.idx.msk [tilespmem:v16+s18+$0x0], $0xffff;
	[tilespmem:s20+$0x180] =	vst v11  }
0x16b: {  	v11 =	vor.u32 $0x280, v4;
	v6 =	vld.idx.msk [tilespmem:v6+s18+$0x0], $0xffff;
	[tilespmem:s6+$0x180] =	vst v7  }
0x16c: {  	[tilespmem:s2+$0x280] =	vst v12;
	v7 =	vor.u32 $0x280, v5;
	v8 =	vld.idx.msk [tilespmem:v8+s18+$0x0], $0xffff  }
0x16d: {  	s31 =	sadd.s32 $0x1, s16;
	v2 =	vld.idx.msk [tilespmem:v2+s18+$0x0], $0xffff;
	[tilespmem:s12+$0x200] =	vst v9;
	v9 =	vor.u32 $0x280, v13  }
0x16e: {  	s7 =	sand.u32 $0x7, s31;
	v12 =	vor.u32 $0x300, v0;
	v10 =	vld.idx.msk [tilespmem:v10+s18+$0x0], $0xffff;
	[tilespmem:s8+$0x200] =	vst v14  }
0x16f: {  	s13 =	sshll.u32 s7, $0x4;
	v14 =	vor.u32 $0x300, v1;
	v15 =	vld.idx.msk [tilespmem:v15+s18+$0x0], $0xffff;
	[tilespmem:s21+$0x200] =	vst v16  }
0x170: {  	s0 =	sadd.s32 s13, s0;
	v16 =	vor.u32 $0x300, v3;
	v11 =	vld.idx.msk [tilespmem:v11+s18+$0x0], $0xffff;
	[tilespmem:s20+$0x200] =	vst v6  }
0x171: {  	s0 =	sor.u32 $0x380, s0;
	v6 =	vor.u32 $0x300, v4;
	v7 =	vld.idx.msk [tilespmem:v7+s18+$0x0], $0xffff;
	[tilespmem:s6+$0x200] =	vst v8  }
0x172: {  	[tilespmem:s0+$0x10800] =	vst v2;
	v2 =	vor.u32 $0x300, v5;
	v8 =	vld.idx.msk [tilespmem:v9+s18+$0x0], $0xffff  }
0x173: {  	[tilespmem:s12+$0x280] =	vst v10;
	v10 =	vor.u32 $0x300, v13;
	v9 =	vld.idx.msk [tilespmem:v12+s18+$0x0], $0xffff  }
0x174: {  	v0 =	vor.u32 $0x380, v0;
	[tilespmem:s8+$0x280] =	vst v15;
	v12 =	vld.idx.msk [tilespmem:v14+s18+$0x0], $0xffff  }
0x175: {  	v1 =	vor.u32 $0x380, v1;
	v14 =	vld.idx.msk [tilespmem:v16+s18+$0x0], $0xffff;
	[tilespmem:s21+$0x280] =	vst v11  }
0x176: {  	s14 =	sadd.s32 $0x1, s31;
	v3 =	vor.u32 $0x380, v3;
	v6 =	vld.idx.msk [tilespmem:v6+s18+$0x0], $0xffff;
	[tilespmem:s20+$0x280] =	vst v7  }
0x177: {  	s0 =	sadd.s32 $0x1, s14;
	v4 =	vor.u32 $0x380, v4;
	v2 =	vld.idx.msk [tilespmem:v2+s18+$0x0], $0xffff;
	[tilespmem:s6+$0x280] =	vst v8  }
0x178: {  	s23 =	sand.u32 $0x7, s0;
	s0 =	sadd.s32 $0x1, s0;
	v5 =	vor.u32 $0x380, v5;
	[tilespmem:s2+$0x300] =	vst v9;
	v7 =	vld.idx.msk [tilespmem:v10+s18+$0x0], $0xffff  }
0x179: {  	s16 =	sand.u32 $0x7, s14;
	s24 =	sand.u32 $0x7, s0;
	[tilespmem:s12+$0x300] =	vst v12;
	v8 =	vor.u32 $0x380, v13;
	v0 =	vld.idx.msk [tilespmem:v0+s18+$0x0], $0xffff  }
0x17a: {  	s3 =	sshll.u32 s23, $0x4;
	s0 =	sadd.s32 $0x1, s0;
	s28 =	sshll.u32 s24, $0x4;
	[tilespmem:s8+$0x300] =	vst v14;
	v1 =	vld.idx.msk [tilespmem:v1+s18+$0x0], $0xffff  }
0x17b: {  	s1 =	sadd.s32 s3, s1;
	s3 =	sadd.s32 s28, s30;
	s2 =	sshll.u32 s16, $0x4;
	v3 =	vld.idx.msk [tilespmem:v3+s18+$0x0], $0xffff;
	[tilespmem:s21+$0x300] =	vst v6  }
0x17c: {  	s1 =	sor.u32 $0x380, s1;
	s3 =	sor.u32 $0x380, s3;
	s2 =	sadd.s32 s2, s29;
	v4 =	vld.idx.msk [tilespmem:v4+s18+$0x0], $0xffff;
	[tilespmem:s20+$0x300] =	vst v2  }
0x17d: {  	s29 =	sand.u32 $0x7, s0;
	s0 =	sadd.s32 $0x1, s0;
	s2 =	sor.u32 $0x380, s2;
	v2 =	vld.idx.msk [tilespmem:v5+s18+$0x0], $0xffff;
	[tilespmem:s6+$0x300] =	vst v7  }
0x17e: {  	s30 =	sshll.u32 s29, $0x4;
	s31 =	sand.u32 $0x7, s0;
	s0 =	sadd.s32 $0x1, s0;
	[tilespmem:s2+$0x10800] =	vst v0;
	v0 =	vld.idx.msk [tilespmem:v8+s18+$0x0], $0xffff  }
0x17f: {  	s7 =	sshll.u32 s31, $0x4;
	s0 =	sand.u32 $0x7, s0;
	[tilespmem:s1+$0x10800] =	vst v1;
	s2 =	sadd.s32 s30, s10  }
0x180: {  	s0 =	sshll.u32 s0, $0x4;
	[tilespmem:s3+$0x10800] =	vst v3;
	s1 =	sor.u32 $0x380, s2;
	s2 =	sadd.s32 s7, s15  }
0x181: {  	s0 =	sadd.s32 s0, s5;
	[tilespmem:s1+$0x10800] =	vst v4;
	s8 =	sor.u32 $0x380, s2  }
0x182: {  	s0 =	sor.u32 $0x380, s0;
	[tilespmem:s8+$0x10800] =	vst v2  }
0x183: {  	[tilespmem:s0+$0x10800] =	vst v0  }
0x184: {  	s12 =	simm.s32 $0x10800;
	s10 =	simm.s32 $0x0;
	s1 =	rddreg [dreg:$0xa]  }
0x185: {  	[hbm4b:s1+s10] =	stream.linear.scatter [tilespmem:s12], [sflag:$0x4], $0x4000, $0x38;
	[tilespmem:$0x18800] =	vst v63  }
0x186: {  	v0 =	vld [tilespmem:s10+$0x0];
	_ =	sdelay $0x4  }
0x187: {  	v1 =	vshll.u32 v0, $0x3  }
0x188: {  	v0 =	vand.u32 $0x7F, v0;
	v1 =	vand.u32 $0xFFFFFC00, v1  }
0x189: {  	s13 =	simm.s32 $0x10;
	v5 =	vor.u32 v0, v1  }
0x18a: {  	v0 =	vld [tilespmem:s13+$0x0];
	v1 =	vadd.s32 $0x2000, v5;
	_ =	sdelay $0x4  }
0x18b: {  	v2 =	vshll.u32 v0, $0x3;
	v1 =	vld.idx.msk [tilespmem:v1+s18+$0x0], $0xffff  }
0x18c: {  	v3 =	vadd.s32 $0x2080, v5;
	v0 =	vand.u32 $0x7F, v0;
	v2 =	vand.u32 $0xFFFFFC00, v2  }
0x18d: {  	s14 =	simm.s32 $0x20;
	v2 =	vor.u32 v0, v2  }
0x18e: {  	s15 =	sand.u32 $0x70, s10;
	s0 =	sand.u32 $0x3C00, s10;
	v0 =	vld [tilespmem:s14+$0x0];
	v4 =	vadd.s32 $0x2000, v2  }
0x18f: {  	s6 =	sor.u32 s15, s0  }
0x190: {  	[tilespmem:s6+$0x14800] =	vst v1  }
0x191: {  	v1 =	vld.idx.msk [tilespmem:v3+s18+$0x0], $0xffff  }
0x192: {  	v3 =	vadd.s32 $0x2100, v5  }
0x193: {  	v6 =	vshll.u32 v0, $0x3;
	v4 =	vld.idx.msk [tilespmem:v4+s18+$0x0], $0xffff  }
0x194: {  	s16 =	simm.s32 $0x30;
	v7 =	vadd.s32 $0x2080, v2;
	v0 =	vand.u32 $0x7F, v0;
	v6 =	vand.u32 $0xFFFFFC00, v6  }
0x195: {  	s20 =	simm.s32 $0x80;
	v8 =	vld [tilespmem:s16+$0x0];
	v0 =	vor.u32 v0, v6  }
0x196: {  	s0 =	sand.u32 $0x3C00, s20;
	s1 =	sand.u32 $0x70, s13;
	v6 =	vadd.s32 $0x2000, v0;
	[tilespmem:s6+$0x14880] =	vst v1  }
0x197: {  	s1 =	sor.u32 s1, s0;
	v1 =	vld.idx.msk [tilespmem:v3+s18+$0x0], $0xffff  }
0x198: {  	[tilespmem:s1+$0x14800] =	vst v4;
	v3 =	vadd.s32 $0x2180, v5  }
0x199: {  	v4 =	vld.idx.msk [tilespmem:v7+s18+$0x0], $0xffff  }
0x19a: {  	v9 =	vshll.u32 v8, $0x3;
	v7 =	vadd.s32 $0x2100, v2  }
0x19b: {  	s21 =	simm.s32 $0x40;
	v8 =	vand.u32 $0x7F, v8;
	v9 =	vand.u32 $0xFFFFFC00, v9;
	v6 =	vld.idx.msk [tilespmem:v6+s18+$0x0], $0xffff  }
0x19c: {  	v10 =	vld [tilespmem:s21+$0x0];
	v11 =	vadd.s32 $0x2080, v0;
	[tilespmem:s6+$0x14900] =	vst v1;
	v1 =	vor.u32 v8, v9  }
0x19d: {  	s23 =	simm.s32 $0x100;
	v3 =	vld.idx.msk [tilespmem:v3+s18+$0x0], $0xffff;
	v8 =	vadd.s32 $0x2000, v1  }
0x19e: {  	s2 =	sand.u32 $0x70, s14;
	s0 =	sand.u32 $0x3C00, s23;
	[tilespmem:s1+$0x14880] =	vst v4;
	v4 =	vadd.s32 $0x2200, v5  }
0x19f: {  	s0 =	sor.u32 s2, s0;
	v7 =	vld.idx.msk [tilespmem:v7+s18+$0x0], $0xffff  }
0x1a0: {  	[tilespmem:s0+$0x14800] =	vst v6;
	v6 =	vadd.s32 $0x2180, v2  }
0x1a1: {  	v9 =	vld.idx.msk [tilespmem:v11+s18+$0x0], $0xffff  }
0x1a2: {  	v11 =	vadd.s32 $0x2100, v0;
	v8 =	vld.idx.msk [tilespmem:v8+s18+$0x0], $0xffff;
	[tilespmem:s6+$0x14980] =	vst v3;
	v3 =	vshll.u32 v10, $0x3  }
0x1a3: {  	v12 =	vadd.s32 $0x2080, v1;
	v10 =	vand.u32 $0x7F, v10;
	v4 =	vld.idx.msk [tilespmem:v4+s18+$0x0], $0xffff;
	v3 =	vand.u32 $0xFFFFFC00, v3  }
0x1a4: {  	s28 =	simm.s32 $0x180;
	[tilespmem:s1+$0x14900] =	vst v7;
	v7 =	vadd.s32 $0x2280, v5;
	v3 =	vor.u32 v10, v3  }
0x1a5: {  	s24 =	simm.s32 $0x50;
	s3 =	sand.u32 $0x70, s16;
	s2 =	sand.u32 $0x3C00, s28;
	v6 =	vld.idx.msk [tilespmem:v6+s18+$0x0], $0xffff;
	v10 =	vadd.s32 $0x2000, v3  }
0x1a6: {  	v13 =	vld [tilespmem:s24+$0x0];
	s2 =	sor.u32 s3, s2;
	[tilespmem:s0+$0x14880] =	vst v9;
	v9 =	vadd.s32 $0x2200, v2  }
0x1a7: {  	v11 =	vld.idx.msk [tilespmem:v11+s18+$0x0], $0xffff;
	[tilespmem:s2+$0x14800] =	vst v8  }
0x1a8: {  	v8 =	vld.idx.msk [tilespmem:v12+s18+$0x0], $0xffff;
	v12 =	vadd.s32 $0x2180, v0;
	[tilespmem:s6+$0x14A00] =	vst v4  }
0x1a9: {  	v14 =	vadd.s32 $0x2100, v1;
	v7 =	vld.idx.msk [tilespmem:v7+s18+$0x0], $0xffff  }
0x1aa: {  	[tilespmem:s1+$0x14980] =	vst v6;
	v6 =	vadd.s32 $0x2300, v5;
	v10 =	vld.idx.msk [tilespmem:v10+s18+$0x0], $0xffff  }
0x1ab: {  	s10 =	simm.s32 $0x60;
	v15 =	vadd.s32 $0x2080, v3;
	v4 =	vshll.u32 v13, $0x3;
	v9 =	vld.idx.msk [tilespmem:v9+s18+$0x0], $0xffff  }
0x1ac: {  	s29 =	simm.s32 $0x200;
	v16 =	vld [tilespmem:s10+$0x0];
	v13 =	vand.u32 $0x7F, v13;
	v4 =	vand.u32 $0xFFFFFC00, v4;
	[tilespmem:s0+$0x14900] =	vst v11;
	v11 =	vadd.s32 $0x2280, v2  }
0x1ad: {  	s5 =	sand.u32 $0x70, s21;
	s3 =	sand.u32 $0x3C00, s29;
	v4 =	vor.u32 v13, v4;
	v12 =	vld.idx.msk [tilespmem:v12+s18+$0x0], $0xffff;
	[tilespmem:s2+$0x14880] =	vst v8  }
0x1ae: {  	s5 =	sor.u32 s5, s3;
	v13 =	vadd.s32 $0x2000, v4;
	v8 =	vld.idx.msk [tilespmem:v14+s18+$0x0], $0xffff;
	[tilespmem:s6+$0x14A80] =	vst v7  }
0x1af: {  	v14 =	vadd.s32 $0x2200, v0;
	[tilespmem:s5+$0x14800] =	vst v10;
	v7 =	vld.idx.msk [tilespmem:v6+s18+$0x0], $0xffff  }
0x1b0: {  	[tilespmem:s1+$0x14A00] =	vst v9;
	v17 =	vld.idx.msk [tilespmem:v15+s18+$0x0], $0xffff;
	v15 =	vadd.s32 $0x2180, v1  }
0x1b1: {  	v18 =	vld.idx.msk [tilespmem:v11+s18+$0x0], $0xffff;
	v11 =	vadd.s32 $0x2380, v5;
	_ =	sdelay $0x1  }
0x1b2: {  	v19 =	vadd.s32 $0x2100, v3;
	v10 =	vld.idx.msk [tilespmem:v13+s18+$0x0], $0xffff;
	[tilespmem:s0+$0x14980] =	vst v12  }
0x1b3: {  	v5 =	vshll.u32 v16, $0x3;
	v6 =	vld.idx.msk [tilespmem:v14+s18+$0x0], $0xffff;
	[tilespmem:s2+$0x14900] =	vst v8;
	v8 =	vadd.s32 $0x2300, v2  }
0x1b4: {  	v5 =	vand.u32 $0xFFFFFC00, v5;
	v12 =	vand.u32 $0x7F, v16;
	[tilespmem:s6+$0x14B00] =	vst v7;
	v9 =	vld.idx.msk [tilespmem:v15+s18+$0x0], $0xffff;
	v15 =	vadd.s32 $0x2080, v4  }
0x1b5: {  	s12 =	simm.s32 $0x280;
	s13 =	simm.s32 $0x70;
	v5 =	vor.u32 v12, v5;
	v7 =	vld.idx.msk [tilespmem:v11+s18+$0x0], $0xffff;
	v11 =	vadd.s32 $0x2280, v0  }
0x1b6: {  	s30 =	sand.u32 $0x70, s24;
	s31 =	sand.u32 $0x3C00, s12;
	v13 =	vld [tilespmem:s13+$0x0];
	v16 =	vadd.s32 $0x2000, v5;
	[tilespmem:s5+$0x14880] =	vst v17  }
0x1b7: {  	s15 =	simm.s32 $0x70;
	s16 =	simm.s32 $0x80;
	s8 =	sor.u32 s30, s31;
	v12 =	vadd.s32 $0x2200, v1;
	[tilespmem:s1+$0x14A80] =	vst v18;
	v14 =	vld.idx.msk [tilespmem:v19+s18+$0x0], $0xffff  }
.LBB2_8:
0x1b8: {  	p0 =	sne.s32 s16, $0x7F0;
	[tilespmem:s8+$0x14800] =	vst v10;
	v17 =	vld.idx.msk [tilespmem:v8+s18+$0x0], $0xffff  }
0x1b9: {  	v19 =	vadd.s32 $0x2180, v3;
	v18 =	vld.idx.msk [tilespmem:v15+s18+$0x0], $0xffff;
	[tilespmem:s0+$0x14A00] =	vst v6  }
0x1ba: {  	v21 =	vadd.s32 $0x2380, v2;
	v2 =	vmovc v0;
	v0 =	vmovc v1;
	v1 =	vmov v3;
	v3 =	vmov v4;
	v20 =	vld.idx.msk [tilespmem:v11+s18+$0x0], $0xffff  }
0x1bb: {  	v4 =	vmov v5;
	v22 =	vadd.s32 $0x2100, v3;
	v10 =	vld.idx.msk [tilespmem:v16+s18+$0x0], $0xffff;
	[tilespmem:s2+$0x14980] =	vst v9  }
.Ltmp5:
0x1bc: {  	s13 =	sadd.s32 $0x10, s13;
	v5 =	vshll.u32 v13, $0x3;
	v8 =	vadd.s32 $0x2300, v2;
	v6 =	vld.idx.msk [tilespmem:v12+s18+$0x0], $0xffff;
	[tilespmem:s6+$0x14B80] =	vst v7;
	s6 =	smov.u32 s1;
	(pc) =	sbr.rel @p0 .LBB2_8-.Ltmp5, $4  }
0x1bd: {  	v15 =	vadd.s32 $0x2080, v4;
	v5 =	vand.u32 $0xFFFFFC00, v5;
	v7 =	vand.u32 $0x7F, v13;
	s1 =	smov.u32 s0;
	s0 =	smov.u32 s2;
	s2 =	smov.u32 s5;
	v13 =	vld [tilespmem:s13+$0x0];
	[tilespmem:s5+$0x14900] =	vst v14  }
0x1be: {  	s12 =	sadd.s32 $0x80, s12;
	v11 =	vadd.s32 $0x2280, v0;
	v5 =	vor.u32 v7, v5;
	s5 =	smov.u32 s8;
	v9 =	vld.idx.msk [tilespmem:v19+s18+$0x0], $0xffff;
	[tilespmem:s6+$0x14B00] =	vst v17  }
0x1bf: {  	s3 =	sand.u32 $0x70, s10;
	s10 =	smov.u32 s15;
	s8 =	sand.u32 $0x3C00, s12;
	v16 =	vadd.s32 $0x2000, v5;
	[tilespmem:s5+$0x14880] =	vst v18;
	v7 =	vld.idx.msk [tilespmem:v21+s18+$0x0], $0xffff  }
0x1c0: {  	s15 =	smov.u32 s16;
	s16 =	sadd.s32 $0x10, s16;
	v12 =	vadd.s32 $0x2200, v1;
	s8 =	sor.u32 s3, s8;
	v14 =	vld.idx.msk [tilespmem:v22+s18+$0x0], $0xffff;
	[tilespmem:s1+$0x14A80] =	vst v20  }
0x1c1: {  	_ = 	snop  }
0x1c2: {  	v17 =	vshll.u32 v13, $0x3  }
0x1c3: {  	v29 =	vand.u32 $0x7F, v13;
	v17 =	vand.u32 $0xFFFFFC00, v17  }
0x1c4: {  	v13 =	vor.u32 v29, v17  }
0x1c5: {  	v17 =	vadd.s32 $0x2000, v13;
	_ =	sdelay $0x3  }
0x1c6: {  	v16 =	vld.idx.msk [tilespmem:v16+s18+$0x0], $0xffff  }
0x1c7: {  	v18 =	vadd.s32 $0x2080, v5;
	v17 =	vld.idx.msk [tilespmem:v17+s18+$0x0], $0xffff  }
0x1c8: {  	s3 =	sadd.s32 $0x80, s12;
	v19 =	vadd.s32 $0x2080, v13  }
0x1c9: {  	s10 =	sand.u32 $0x70, s10;
	s12 =	sand.u32 $0x3C00, s3;
	s3 =	sadd.s32 $0x80, s3  }
0x1ca: {  	[tilespmem:s8+$0x14800] =	vst v10;
	s28 =	sand.u32 $0x70, s15;
	s10 =	sor.u32 s10, s12;
	s3 =	sand.u32 $0x3C00, s3  }
0x1cb: {  	v10 =	vld.idx.msk [tilespmem:v15+s18+$0x0], $0xffff;
	s12 =	sor.u32 s28, s3;
	[tilespmem:s10+$0x14800] =	vst v16  }
0x1cc: {  	v30 =	vadd.s32 $0x2100, v4;
	v16 =	vld.idx.msk [tilespmem:v18+s18+$0x0], $0xffff;
	[tilespmem:s12+$0x14800] =	vst v17  }
0x1cd: {  	v31 =	vadd.s32 $0x2100, v5;
	v32 =	vld.idx.msk [tilespmem:v19+s18+$0x0], $0xffff  }
0x1ce: {  	v33 =	vadd.s32 $0x2100, v13;
	_ =	sdelay $0x1  }
0x1cf: {  	[tilespmem:s8+$0x14880] =	vst v10  }
0x1d0: {  	v34 =	vadd.s32 $0x2180, v3;
	v15 =	vld.idx.msk [tilespmem:v30+s18+$0x0], $0xffff;
	[tilespmem:s10+$0x14880] =	vst v16  }
0x1d1: {  	v35 =	vadd.s32 $0x2180, v4;
	v17 =	vld.idx.msk [tilespmem:v31+s18+$0x0], $0xffff;
	[tilespmem:s12+$0x14880] =	vst v32  }
0x1d2: {  	[tilespmem:s0+$0x14A00] =	vst v6;
	v36 =	vadd.s32 $0x2180, v5;
	v18 =	vld.idx.msk [tilespmem:v33+s18+$0x0], $0xffff  }
0x1d3: {  	[tilespmem:s2+$0x14980] =	vst v9;
	v37 =	vadd.s32 $0x2180, v13  }
0x1d4: {  	v8 =	vld.idx.msk [tilespmem:v8+s18+$0x0], $0xffff;
	[tilespmem:s5+$0x14900] =	vst v14  }
0x1d5: {  	v10 =	vld.idx.msk [tilespmem:v34+s18+$0x0], $0xffff;
	[tilespmem:s8+$0x14900] =	vst v15  }
0x1d6: {  	v38 =	vadd.s32 $0x2200, v3;
	v15 =	vld.idx.msk [tilespmem:v35+s18+$0x0], $0xffff;
	[tilespmem:s10+$0x14900] =	vst v17  }
0x1d7: {  	v39 =	vadd.s32 $0x2200, v4;
	v6 =	vld.idx.msk [tilespmem:v36+s18+$0x0], $0xffff;
	[tilespmem:s12+$0x14900] =	vst v18  }
0x1d8: {  	v40 =	vadd.s32 $0x2200, v5;
	[tilespmem:s6+$0x14B80] =	vst v7;
	v9 =	vld.idx.msk [tilespmem:v37+s18+$0x0], $0xffff  }
0x1d9: {  	v11 =	vld.idx.msk [tilespmem:v11+s18+$0x0], $0xffff;
	v41 =	vadd.s32 $0x2200, v13;
	[tilespmem:s1+$0x14B00] =	vst v8  }
0x1da: {  	v2 =	vadd.s32 $0x2380, v2;
	v12 =	vld.idx.msk [tilespmem:v12+s18+$0x0], $0xffff;
	[tilespmem:s5+$0x14980] =	vst v10  }
0x1db: {  	v42 =	vadd.s32 $0x2280, v1;
	v14 =	vld.idx.msk [tilespmem:v38+s18+$0x0], $0xffff;
	[tilespmem:s8+$0x14980] =	vst v15  }
0x1dc: {  	v43 =	vadd.s32 $0x2280, v3;
	v16 =	vld.idx.msk [tilespmem:v39+s18+$0x0], $0xffff;
	[tilespmem:s10+$0x14980] =	vst v6  }
0x1dd: {  	v44 =	vadd.s32 $0x2280, v4;
	v7 =	vld.idx.msk [tilespmem:v40+s18+$0x0], $0xffff;
	[tilespmem:s12+$0x14980] =	vst v9  }
0x1de: {  	v45 =	vadd.s32 $0x2280, v5;
	[tilespmem:s0+$0x14A80] =	vst v11;
	v8 =	vld.idx.msk [tilespmem:v41+s18+$0x0], $0xffff  }
0x1df: {  	v46 =	vadd.s32 $0x2280, v13;
	v2 =	vld.idx.msk [tilespmem:v2+s18+$0x0], $0xffff;
	[tilespmem:s2+$0x14A00] =	vst v12  }
0x1e0: {  	v47 =	vadd.s32 $0x2300, v0;
	v10 =	vld.idx.msk [tilespmem:v42+s18+$0x0], $0xffff;
	[tilespmem:s5+$0x14A00] =	vst v14  }
0x1e1: {  	v48 =	vadd.s32 $0x2300, v1;
	v15 =	vld.idx.msk [tilespmem:v43+s18+$0x0], $0xffff;
	[tilespmem:s8+$0x14A00] =	vst v16  }
0x1e2: {  	v49 =	vadd.s32 $0x2300, v3;
	v6 =	vld.idx.msk [tilespmem:v44+s18+$0x0], $0xffff;
	[tilespmem:s10+$0x14A00] =	vst v7  }
0x1e3: {  	v50 =	vadd.s32 $0x2300, v4;
	v9 =	vld.idx.msk [tilespmem:v45+s18+$0x0], $0xffff;
	[tilespmem:s12+$0x14A00] =	vst v8  }
0x1e4: {  	v51 =	vadd.s32 $0x2300, v5;
	[tilespmem:s1+$0x14B80] =	vst v2;
	v8 =	vld.idx.msk [tilespmem:v46+s18+$0x0], $0xffff  }
0x1e5: {  	v53 =	vadd.s32 $0x2300, v13;
	v52 =	vld.idx.msk [tilespmem:v47+s18+$0x0], $0xffff;
	[tilespmem:s2+$0x14A80] =	vst v10  }
0x1e6: {  	v54 =	vadd.s32 $0x2380, v0;
	v55 =	vld.idx.msk [tilespmem:v48+s18+$0x0], $0xffff;
	[tilespmem:s5+$0x14A80] =	vst v15  }
0x1e7: {  	v56 =	vadd.s32 $0x2380, v1;
	v57 =	vld.idx.msk [tilespmem:v49+s18+$0x0], $0xffff;
	[tilespmem:s8+$0x14A80] =	vst v6  }
0x1e8: {  	v58 =	vadd.s32 $0x2380, v3;
	v6 =	vld.idx.msk [tilespmem:v50+s18+$0x0], $0xffff;
	[tilespmem:s10+$0x14A80] =	vst v9  }
0x1e9: {  	v59 =	vadd.s32 $0x2380, v4;
	v2 =	vld.idx.msk [tilespmem:v51+s18+$0x0], $0xffff;
	[tilespmem:s12+$0x14A80] =	vst v8  }
0x1ea: {  	v60 =	vadd.s32 $0x2380, v5;
	[tilespmem:s0+$0x14B00] =	vst v52;
	v61 =	vld.idx.msk [tilespmem:v53+s18+$0x0], $0xffff  }
0x1eb: {  	v62 =	vadd.s32 $0x2380, v13;
	v0 =	vld.idx.msk [tilespmem:v54+s18+$0x0], $0xffff;
	[tilespmem:s2+$0x14B00] =	vst v55  }
0x1ec: {  	v1 =	vld.idx.msk [tilespmem:v56+s18+$0x0], $0xffff;
	[tilespmem:s5+$0x14B00] =	vst v57  }
0x1ed: {  	v3 =	vld.idx.msk [tilespmem:v58+s18+$0x0], $0xffff;
	[tilespmem:s8+$0x14B00] =	vst v6  }
0x1ee: {  	v4 =	vld.idx.msk [tilespmem:v59+s18+$0x0], $0xffff;
	[tilespmem:s10+$0x14B00] =	vst v2  }
0x1ef: {  	v2 =	vld.idx.msk [tilespmem:v60+s18+$0x0], $0xffff;
	[tilespmem:s12+$0x14B00] =	vst v61  }
0x1f0: {  	[tilespmem:s0+$0x14B80] =	vst v0;
	v63 =	vld.idx.msk [tilespmem:v62+s18+$0x0], $0xffff  }
0x1f1: {  	[tilespmem:s2+$0x14B80] =	vst v1  }
0x1f2: {  	[tilespmem:s5+$0x14B80] =	vst v3  }
0x1f3: {  	[tilespmem:s8+$0x14B80] =	vst v4  }
0x1f4: {  	[tilespmem:s10+$0x14B80] =	vst v2  }
0x1f5: {  	[tilespmem:s12+$0x14B80] =	vst v63  }
0x1f6: {  	s30 =	simm.s32 $0x14800;
	s0 =	rddreg [dreg:$0xb]  }
0x1f7: {  	[hbm4b:s0+s4] =	stream.linear.scatter [tilespmem:s30], [sflag:$0x4], $0x4000, $0x38;
	[tilespmem:$0x18800] =	vst v63  }
0x1f8: {  	s29 =	simm.s32 $0x1;
	s31 =	rddreg [dreg:$0xc]  }
0x1f9: {  	[tilespmem:s18], [sflag:$0x2] =	stream.linear.gather [hbm4b:s31+s4], $0x4000, $0x38;
	[tilespmem:$0x18800] =	vst v63  }
.LBB2_10:
0x1fa: {  	_ =	swait.ge [sflag:s19], $0x4000  }
0x1fb: {  	[sflag:s19] =	ssyncset.done $0x0  }
0x1fc: {  	[sflag:s19] =	ssyncadd.s32 $0xFFFFC000  }
0x1fd: {  	_ =	swait.ge [sflag:s25], $0x8000  }
0x1fe: {  	[sflag:s25] =	ssyncset.done $0x0  }
0x1ff: {  	s12 =	simm.s32 $0x0;
	[sflag:s25] =	ssyncadd.s32 $0xFFFF8000  }
0x200: {  	v0 =	vld [tilespmem:s12+$0x0];
	_ =	sdelay $0x4  }
0x201: {  	v1 =	vshll.u32 v0, $0x3  }
0x202: {  	v0 =	vand.u32 $0x7F, v0;
	v1 =	vand.u32 $0xFFFFFC00, v1  }
0x203: {  	s0 =	simm.s32 $0x10;
	v5 =	vor.u32 v0, v1  }
0x204: {  	v0 =	vld [tilespmem:s0+$0x0];
	_ =	sdelay $0x3  }
0x205: {  	v1 =	vld.idx.msk [tilespmem:v5+s17+$0x0], $0xffff  }
0x206: {  	v3 =	vor.u32 $0x80, v5;
	v2 =	vshll.u32 v0, $0x3  }
0x207: {  	v0 =	vand.u32 $0x7F, v0;
	v2 =	vand.u32 $0xFFFFFC00, v2  }
0x208: {  	s2 =	simm.s32 $0x20;
	s1 =	sand.u32 $0x70, s12;
	s3 =	sand.u32 $0x3C00, s12;
	v2 =	vor.u32 v0, v2  }
0x209: {  	s5 =	sor.u32 s1, s3;
	v0 =	vld [tilespmem:s2+$0x0]  }
0x20a: {  	[tilespmem:s5+$0x8800] =	vst v1  }
0x20b: {  	v1 =	vld.idx.msk [tilespmem:v3+s17+$0x0], $0xffff  }
0x20c: {  	v3 =	vor.u32 $0x100, v5  }
0x20d: {  	v4 =	vld.idx.msk [tilespmem:v2+s17+$0x0], $0xffff  }
0x20e: {  	v7 =	vor.u32 $0x80, v2;
	v6 =	vshll.u32 v0, $0x3  }
0x20f: {  	s14 =	simm.s32 $0x30;
	s30 =	simm.s32 $0x80;
	v0 =	vand.u32 $0x7F, v0;
	v6 =	vand.u32 $0xFFFFFC00, v6  }
0x210: {  	s15 =	sand.u32 $0x3C00, s30;
	v8 =	vld [tilespmem:s14+$0x0];
	s0 =	sand.u32 $0x70, s0;
	v0 =	vor.u32 v0, v6;
	[tilespmem:s5+$0x8880] =	vst v1  }
0x211: {  	s31 =	sor.u32 s0, s15;
	v1 =	vld.idx.msk [tilespmem:v3+s17+$0x0], $0xffff  }
0x212: {  	[tilespmem:s31+$0x8800] =	vst v4;
	v3 =	vor.u32 $0x180, v5  }
0x213: {  	v4 =	vld.idx.msk [tilespmem:v7+s17+$0x0], $0xffff  }
0x214: {  	v6 =	vor.u32 $0x100, v2  }
0x215: {  	v9 =	vshll.u32 v8, $0x3;
	v7 =	vld.idx.msk [tilespmem:v0+s17+$0x0], $0xffff  }
0x216: {  	v10 =	vor.u32 $0x80, v0;
	[tilespmem:s5+$0x8900] =	vst v1;
	v1 =	vand.u32 $0x7F, v8;
	v8 =	vand.u32 $0xFFFFFC00, v9  }
0x217: {  	s8 =	simm.s32 $0x40;
	s1 =	simm.s32 $0x100;
	v3 =	vld.idx.msk [tilespmem:v3+s17+$0x0], $0xffff;
	v1 =	vor.u32 v1, v8  }
0x218: {  	s16 =	sand.u32 $0x70, s2;
	s20 =	sand.u32 $0x3C00, s1;
	v8 =	vld [tilespmem:s8+$0x0];
	[tilespmem:s31+$0x8880] =	vst v4;
	v4 =	vor.u32 $0x200, v5  }
0x219: {  	s2 =	sor.u32 s16, s20;
	v6 =	vld.idx.msk [tilespmem:v6+s17+$0x0], $0xffff  }
0x21a: {  	[tilespmem:s2+$0x8800] =	vst v7;
	v7 =	vor.u32 $0x180, v2  }
0x21b: {  	v9 =	vld.idx.msk [tilespmem:v10+s17+$0x0], $0xffff  }
0x21c: {  	v11 =	vor.u32 $0x100, v0;
	v10 =	vld.idx.msk [tilespmem:v1+s17+$0x0], $0xffff;
	[tilespmem:s5+$0x8980] =	vst v3  }
0x21d: {  	v12 =	vor.u32 $0x80, v1;
	v3 =	vshll.u32 v8, $0x3;
	v4 =	vld.idx.msk [tilespmem:v4+s17+$0x0], $0xffff  }
0x21e: {  	s0 =	simm.s32 $0x180;
	[tilespmem:s31+$0x8900] =	vst v6;
	v6 =	vand.u32 $0x7F, v8;
	v3 =	vand.u32 $0xFFFFFC00, v3;
	v8 =	vor.u32 $0x280, v5  }
0x21f: {  	s3 =	sand.u32 $0x70, s14;
	s6 =	sand.u32 $0x3C00, s0;
	s16 =	simm.s32 $0x50;
	v7 =	vld.idx.msk [tilespmem:v7+s17+$0x0], $0xffff;
	v3 =	vor.u32 v6, v3  }
0x220: {  	s6 =	sor.u32 s3, s6;
	v6 =	vld [tilespmem:s16+$0x0];
	[tilespmem:s2+$0x8880] =	vst v9  }
0x221: {  	v11 =	vld.idx.msk [tilespmem:v11+s17+$0x0], $0xffff;
	[tilespmem:s6+$0x8800] =	vst v10  }
0x222: {  	v9 =	vor.u32 $0x200, v2;
	v10 =	vld.idx.msk [tilespmem:v12+s17+$0x0], $0xffff;
	[tilespmem:s5+$0x8A00] =	vst v4  }
0x223: {  	v12 =	vor.u32 $0x180, v0;
	v8 =	vld.idx.msk [tilespmem:v8+s17+$0x0], $0xffff  }
0x224: {  	v14 =	vld.idx.msk [tilespmem:v3+s17+$0x0], $0xffff;
	[tilespmem:s31+$0x8980] =	vst v7;
	v7 =	vor.u32 $0x300, v5  }
0x225: {  	s15 =	simm.s32 $0x60;
	v15 =	vor.u32 $0x80, v3  }
0x226: {  	s10 =	simm.s32 $0x200;
	v16 =	vld [tilespmem:s15+$0x0];
	v13 =	vor.u32 $0x100, v1  }
0x227: {  	s21 =	sand.u32 $0x70, s8;
	s23 =	sand.u32 $0x3C00, s10;
	v4 =	vshll.u32 v6, $0x3;
	v9 =	vld.idx.msk [tilespmem:v9+s17+$0x0], $0xffff;
	[tilespmem:s2+$0x8900] =	vst v11  }
0x228: {  	s8 =	sor.u32 s21, s23;
	v6 =	vand.u32 $0x7F, v6;
	v4 =	vand.u32 $0xFFFFFC00, v4;
	v11 =	vor.u32 $0x280, v2;
	v12 =	vld.idx.msk [tilespmem:v12+s17+$0x0], $0xffff;
	[tilespmem:s5+$0x8A80] =	vst v8  }
0x229: {  	v4 =	vor.u32 v6, v4;
	[tilespmem:s8+$0x8800] =	vst v14;
	v8 =	vld.idx.msk [tilespmem:v7+s17+$0x0], $0xffff  }
0x22a: {  	[tilespmem:s6+$0x8880] =	vst v10;
	v10 =	vor.u32 $0x200, v0;
	v14 =	vld.idx.msk [tilespmem:v15+s17+$0x0], $0xffff  }
0x22b: {  	s23 =	simm.s32 $0x70;
	v5 =	vor.u32 $0x380, v5;
	v6 =	vld.idx.msk [tilespmem:v13+s17+$0x0], $0xffff  }
0x22c: {  	v13 =	vld [tilespmem:s23+$0x0];
	v15 =	vor.u32 $0x180, v1;
	[tilespmem:s31+$0x8A00] =	vst v9  }
0x22d: {  	v18 =	vor.u32 $0x100, v3;
	v9 =	vld.idx.msk [tilespmem:v11+s17+$0x0], $0xffff;
	[tilespmem:s2+$0x8980] =	vst v12  }
0x22e: {  	v19 =	vor.u32 $0x300, v2;
	v17 =	vld.idx.msk [tilespmem:v4+s17+$0x0], $0xffff;
	[tilespmem:s5+$0x8B00] =	vst v8  }
0x22f: {  	v7 =	vld.idx.msk [tilespmem:v10+s17+$0x0], $0xffff;
	v8 =	vshll.u32 v16, $0x3;
	[tilespmem:s8+$0x8880] =	vst v14;
	v14 =	vor.u32 $0x80, v4  }
0x230: {  	s13 =	simm.s32 $0x280;
	v12 =	vor.u32 $0x280, v0;
	[tilespmem:s6+$0x8900] =	vst v6;
	v11 =	vld.idx.msk [tilespmem:v5+s17+$0x0], $0xffff;
	v5 =	vand.u32 $0x7F, v16;
	v8 =	vand.u32 $0xFFFFFC00, v8  }
0x231: {  	s28 =	sand.u32 $0x3C00, s13;
	s24 =	sand.u32 $0x70, s16;
	v6 =	vld.idx.msk [tilespmem:v15+s17+$0x0], $0xffff;
	v5 =	vor.u32 v5, v8  }
0x232: {  	s3 =	sand.u32 $0x7, s12;
	s5 =	sor.u32 s24, s28;
	v10 =	vld.idx.msk [tilespmem:v18+s17+$0x0], $0xffff;
	[tilespmem:s31+$0x8A80] =	vst v9;
	v9 =	vor.u32 $0x200, v1  }
0x233: {  	s20 =	simm.s32 $0x0;
	s21 =	simm.s32 $0x70;
	s16 =	simm.s32 $0x80;
	[tilespmem:s5+$0x8800] =	vst v17;
	v8 =	vld.idx.msk [tilespmem:v19+s17+$0x0], $0xffff  }
.LBB2_11:
0x234: {  	p0 =	sne.s32 s16, $0x7F0;
	v15 =	vld.idx.msk [tilespmem:v14+s17+$0x0], $0xffff;
	v16 =	vor.u32 $0x180, v3;
	[tilespmem:s2+$0x8A00] =	vst v7;
	s3 =	sshll.u32 s3, $0x4;
	v17 =	vmov v13;
	s24 =	smov.u32 s23  }
0x235: {  	v19 =	vor.u32 $0x380, v2;
	v2 =	vmovc v0;
	v0 =	vmovc v1;
	v1 =	vmov v3;
	v3 =	vmov v4;
	v18 =	vld.idx.msk [tilespmem:v12+s17+$0x0], $0xffff;
	s3 =	sadd.s32 s3, s12;
	s12 =	smov.u32 s30;
	s30 =	smov.u32 s1  }
0x236: {  	v4 =	vmov v5;
	v21 =	vor.u32 $0x100, v3;
	s1 =	smov.u32 s0;
	s0 =	smov.u32 s10;
	v20 =	vld.idx.msk [tilespmem:v5+s17+$0x0], $0xffff;
	[tilespmem:s6+$0x8980] =	vst v6;
	s3 =	sor.u32 $0x380, s3  }
0x237: {  	s21 =	sadd.s32 $0x10, s21;
	s23 =	smov.u32 s16;
	v22 =	vor.u32 $0x300, v2;
	s10 =	smov.u32 s13;
	v7 =	vld.idx.msk [tilespmem:v9+s17+$0x0], $0xffff;
	[tilespmem:s3+$0x8800] =	vst v11  }
.Ltmp6:
0x238: {  	v14 =	vor.u32 $0x80, v4;
	v5 =	vshll.u32 v17, $0x3;
	v13 =	vld [tilespmem:s21+$0x0];
	[tilespmem:s8+$0x8900] =	vst v10;
	(pc) =	sbr.rel @p0 .LBB2_11-.Ltmp6, $4  }
0x239: {  	s13 =	sadd.s32 $0x80, s13;
	v12 =	vor.u32 $0x280, v0;
	v9 =	vand.u32 $0x7F, v17;
	v5 =	vand.u32 $0xFFFFFC00, v5;
	v6 =	vld.idx.msk [tilespmem:v16+s17+$0x0], $0xffff;
	[tilespmem:s31+$0x8B00] =	vst v8;
	s31 =	smov.u32 s2;
	s2 =	smov.u32 s6  }
0x23a: {  	s3 =	sand.u32 $0x70, s15;
	s15 =	sand.u32 $0x3C00, s13;
	v5 =	vor.u32 v9, v5;
	s6 =	smov.u32 s8;
	[tilespmem:s5+$0x8880] =	vst v15;
	v11 =	vld.idx.msk [tilespmem:v19+s17+$0x0], $0xffff  }
0x23b: {  	s20 =	sadd.s32 $0x1, s20;
	v9 =	vor.u32 $0x200, v1;
	s8 =	smov.u32 s5;
	s5 =	sor.u32 s3, s15;
	v10 =	vld.idx.msk [tilespmem:v21+s17+$0x0], $0xffff;
	[tilespmem:s31+$0x8A80] =	vst v18  }
0x23c: {  	s16 =	sadd.s32 $0x10, s16;
	s3 =	sand.u32 $0x7, s20;
	s15 =	smov.u32 s24;
	[tilespmem:s5+$0x8800] =	vst v20;
	v8 =	vld.idx.msk [tilespmem:v22+s17+$0x0], $0xffff  }
0x23d: {  	v15 =	vshll.u32 v13, $0x3  }
0x23e: {  	v13 =	vand.u32 $0x7F, v13;
	v15 =	vand.u32 $0xFFFFFC00, v15  }
0x23f: {  	v13 =	vor.u32 v13, v15;
	_ =	sdelay $0x3  }
0x240: {  	v15 =	vld.idx.msk [tilespmem:v5+s17+$0x0], $0xffff  }
0x241: {  	v16 =	vor.u32 $0x80, v5;
	v17 =	vld.idx.msk [tilespmem:v13+s17+$0x0], $0xffff  }
0x242: {  	s16 =	sadd.s32 $0x80, s13;
	v18 =	vor.u32 $0x80, v13  }
0x243: {  	s21 =	sand.u32 $0x70, s15;
	s24 =	sand.u32 $0x3C00, s16;
	s15 =	sadd.s32 $0x80, s16  }
0x244: {  	s23 =	sand.u32 $0x70, s23;
	s21 =	sor.u32 s21, s24;
	s14 =	sand.u32 $0x3C00, s15  }
0x245: {  	v14 =	vld.idx.msk [tilespmem:v14+s17+$0x0], $0xffff;
	s28 =	sor.u32 s23, s14;
	[tilespmem:s21+$0x8800] =	vst v15  }
0x246: {  	v15 =	vor.u32 $0x100, v4;
	v16 =	vld.idx.msk [tilespmem:v16+s17+$0x0], $0xffff;
	[tilespmem:s28+$0x8800] =	vst v17  }
0x247: {  	v17 =	vor.u32 $0x100, v5;
	v18 =	vld.idx.msk [tilespmem:v18+s17+$0x0], $0xffff  }
0x248: {  	v19 =	vor.u32 $0x100, v13;
	_ =	sdelay $0x1  }
0x249: {  	s3 =	sshll.u32 s3, $0x4;
	[tilespmem:s5+$0x8880] =	vst v14  }
0x24a: {  	s3 =	sadd.s32 s3, s12;
	v14 =	vor.u32 $0x180, v3;
	v15 =	vld.idx.msk [tilespmem:v15+s17+$0x0], $0xffff;
	[tilespmem:s21+$0x8880] =	vst v16  }
0x24b: {  	s3 =	sor.u32 $0x380, s3;
	v16 =	vor.u32 $0x180, v4;
	v17 =	vld.idx.msk [tilespmem:v17+s17+$0x0], $0xffff;
	[tilespmem:s28+$0x8880] =	vst v18  }
0x24c: {  	[tilespmem:s3+$0x8800] =	vst v11;
	v11 =	vor.u32 $0x180, v5;
	v18 =	vld.idx.msk [tilespmem:v19+s17+$0x0], $0xffff  }
0x24d: {  	[tilespmem:s2+$0x8A00] =	vst v7;
	v7 =	vor.u32 $0x180, v13  }
0x24e: {  	[tilespmem:s8+$0x8900] =	vst v10  }
0x24f: {  	v10 =	vld.idx.msk [tilespmem:v14+s17+$0x0], $0xffff;
	[tilespmem:s5+$0x8900] =	vst v15  }
0x250: {  	v14 =	vor.u32 $0x200, v3;
	v15 =	vld.idx.msk [tilespmem:v16+s17+$0x0], $0xffff;
	[tilespmem:s21+$0x8900] =	vst v17  }
0x251: {  	v16 =	vor.u32 $0x200, v4;
	v11 =	vld.idx.msk [tilespmem:v11+s17+$0x0], $0xffff;
	[tilespmem:s28+$0x8900] =	vst v18  }
0x252: {  	[tilespmem:s6+$0x8980] =	vst v6;
	v6 =	vor.u32 $0x200, v5;
	v7 =	vld.idx.msk [tilespmem:v7+s17+$0x0], $0xffff  }
0x253: {  	v12 =	vld.idx.msk [tilespmem:v12+s17+$0x0], $0xffff;
	[tilespmem:s31+$0x8B00] =	vst v8;
	v8 =	vor.u32 $0x200, v13  }
0x254: {  	v2 =	vor.u32 $0x380, v2;
	v9 =	vld.idx.msk [tilespmem:v9+s17+$0x0], $0xffff;
	[tilespmem:s8+$0x8980] =	vst v10  }
0x255: {  	v10 =	vor.u32 $0x280, v1;
	v14 =	vld.idx.msk [tilespmem:v14+s17+$0x0], $0xffff;
	[tilespmem:s5+$0x8980] =	vst v15  }
0x256: {  	v15 =	vor.u32 $0x280, v3;
	v16 =	vld.idx.msk [tilespmem:v16+s17+$0x0], $0xffff;
	[tilespmem:s21+$0x8980] =	vst v11  }
0x257: {  	v11 =	vor.u32 $0x280, v4;
	v6 =	vld.idx.msk [tilespmem:v6+s17+$0x0], $0xffff;
	[tilespmem:s28+$0x8980] =	vst v7  }
0x258: {  	[tilespmem:s2+$0x8A80] =	vst v12;
	v7 =	vor.u32 $0x280, v5;
	v8 =	vld.idx.msk [tilespmem:v8+s17+$0x0], $0xffff  }
0x259: {  	s20 =	sadd.s32 $0x1, s20;
	v2 =	vld.idx.msk [tilespmem:v2+s17+$0x0], $0xffff;
	[tilespmem:s6+$0x8A00] =	vst v9;
	v9 =	vor.u32 $0x280, v13  }
0x25a: {  	s23 =	sand.u32 $0x7, s20;
	v12 =	vor.u32 $0x300, v0;
	v10 =	vld.idx.msk [tilespmem:v10+s17+$0x0], $0xffff;
	[tilespmem:s8+$0x8A00] =	vst v14  }
0x25b: {  	s12 =	sshll.u32 s23, $0x4;
	v14 =	vor.u32 $0x300, v1;
	v15 =	vld.idx.msk [tilespmem:v15+s17+$0x0], $0xffff;
	[tilespmem:s5+$0x8A00] =	vst v16  }
0x25c: {  	s12 =	sadd.s32 s12, s30;
	v16 =	vor.u32 $0x300, v3;
	v11 =	vld.idx.msk [tilespmem:v11+s17+$0x0], $0xffff;
	[tilespmem:s21+$0x8A00] =	vst v6  }
0x25d: {  	s12 =	sor.u32 $0x380, s12;
	v6 =	vor.u32 $0x300, v4;
	v7 =	vld.idx.msk [tilespmem:v7+s17+$0x0], $0xffff;
	[tilespmem:s28+$0x8A00] =	vst v8  }
0x25e: {  	[tilespmem:s12+$0x8800] =	vst v2;
	v2 =	vor.u32 $0x300, v5;
	v8 =	vld.idx.msk [tilespmem:v9+s17+$0x0], $0xffff  }
0x25f: {  	[tilespmem:s6+$0x8A80] =	vst v10;
	v10 =	vor.u32 $0x300, v13;
	v9 =	vld.idx.msk [tilespmem:v12+s17+$0x0], $0xffff  }
0x260: {  	v0 =	vor.u32 $0x380, v0;
	[tilespmem:s8+$0x8A80] =	vst v15;
	v12 =	vld.idx.msk [tilespmem:v14+s17+$0x0], $0xffff  }
0x261: {  	v1 =	vor.u32 $0x380, v1;
	v14 =	vld.idx.msk [tilespmem:v16+s17+$0x0], $0xffff;
	[tilespmem:s5+$0x8A80] =	vst v11  }
0x262: {  	v3 =	vor.u32 $0x380, v3;
	v6 =	vld.idx.msk [tilespmem:v6+s17+$0x0], $0xffff;
	[tilespmem:s21+$0x8A80] =	vst v7  }
0x263: {  	s3 =	sadd.s32 $0x1, s20;
	v4 =	vor.u32 $0x380, v4;
	v2 =	vld.idx.msk [tilespmem:v2+s17+$0x0], $0xffff;
	[tilespmem:s28+$0x8A80] =	vst v8  }
0x264: {  	s24 =	sand.u32 $0x7, s3;
	s3 =	sadd.s32 $0x1, s3;
	v5 =	vor.u32 $0x380, v5;
	[tilespmem:s2+$0x8B00] =	vst v9;
	v7 =	vld.idx.msk [tilespmem:v10+s17+$0x0], $0xffff  }
0x265: {  	s30 =	sand.u32 $0x7, s3;
	s3 =	sadd.s32 $0x1, s3;
	[tilespmem:s6+$0x8B00] =	vst v12;
	v0 =	vld.idx.msk [tilespmem:v0+s17+$0x0], $0xffff  }
0x266: {  	s7 =	sand.u32 $0x7, s3;
	s3 =	sadd.s32 $0x1, s3;
	[tilespmem:s8+$0x8B00] =	vst v14;
	v1 =	vld.idx.msk [tilespmem:v1+s17+$0x0], $0xffff  }
0x267: {  	s2 =	sshll.u32 s24, $0x4;
	v8 =	vor.u32 $0x380, v13;
	s6 =	sshll.u32 s30, $0x4;
	s8 =	sshll.u32 s7, $0x4;
	v3 =	vld.idx.msk [tilespmem:v3+s17+$0x0], $0xffff;
	[tilespmem:s5+$0x8B00] =	vst v6  }
0x268: {  	s1 =	sadd.s32 s2, s1;
	s0 =	sadd.s32 s6, s0;
	s2 =	sadd.s32 s8, s10;
	v4 =	vld.idx.msk [tilespmem:v4+s17+$0x0], $0xffff;
	[tilespmem:s21+$0x8B00] =	vst v2  }
0x269: {  	s10 =	sand.u32 $0x7, s3;
	s3 =	sadd.s32 $0x1, s3;
	s1 =	sor.u32 $0x380, s1;
	v2 =	vld.idx.msk [tilespmem:v5+s17+$0x0], $0xffff;
	[tilespmem:s28+$0x8B00] =	vst v7  }
0x26a: {  	s0 =	sor.u32 $0x380, s0;
	s12 =	sshll.u32 s10, $0x4;
	s14 =	sand.u32 $0x7, s3;
	[tilespmem:s1+$0x8800] =	vst v0  }
0x26b: {  	s2 =	sor.u32 $0x380, s2;
	s20 =	sadd.s32 s12, s13;
	s21 =	sshll.u32 s14, $0x4;
	[tilespmem:s0+$0x8800] =	vst v1  }
0x26c: {  	s3 =	sadd.s32 $0x1, s3;
	[tilespmem:s2+$0x8800] =	vst v3;
	s0 =	sor.u32 $0x380, s20;
	s1 =	sadd.s32 s21, s16;
	v0 =	vld.idx.msk [tilespmem:v8+s17+$0x0], $0xffff  }
0x26d: {  	s3 =	sand.u32 $0x7, s3;
	s24 =	sor.u32 $0x380, s1;
	[tilespmem:s0+$0x8800] =	vst v4  }
0x26e: {  	s23 =	sshll.u32 s3, $0x4;
	[tilespmem:s24+$0x8800] =	vst v2  }
0x26f: {  	s30 =	sshll.u32 s29, $0xD;
	s28 =	sadd.s32 s23, s15;
	s5 =	rddreg [dreg:$0x6]  }
0x270: {  	s3 =	sor.u32 $0x380, s28;
	s31 =	sor.u32 s5, s30  }
0x271: {  	s7 =	simm.s32 $0x0;
	s8 =	simm.s32 $0x8800;
	[tilespmem:s3+$0x8800] =	vst v0;
	s6 =	sadd.s32 s11, s31  }
0x272: {  	[hbm4b:s6+s7] =	stream.linear.scatter [tilespmem:s8], [sflag:$0x3], $0x4000, $0x38;
	[tilespmem:$0x18800] =	vst v63  }
0x273: {  	v0 =	vld [tilespmem:s7+$0x0];
	_ =	sdelay $0x4  }
0x274: {  	v1 =	vshll.u32 v0, $0x3  }
0x275: {  	v0 =	vand.u32 $0x7F, v0;
	v1 =	vand.u32 $0xFFFFFC00, v1  }
0x276: {  	s10 =	simm.s32 $0x10;
	v5 =	vor.u32 v0, v1  }
0x277: {  	v0 =	vld [tilespmem:s10+$0x0];
	v1 =	vadd.s32 $0x2000, v5;
	_ =	sdelay $0x4  }
0x278: {  	v2 =	vshll.u32 v0, $0x3;
	v1 =	vld.idx.msk [tilespmem:v1+s17+$0x0], $0xffff  }
0x279: {  	v3 =	vadd.s32 $0x2080, v5;
	v0 =	vand.u32 $0x7F, v0;
	v2 =	vand.u32 $0xFFFFFC00, v2  }
0x27a: {  	s12 =	simm.s32 $0x20;
	v2 =	vor.u32 v0, v2  }
0x27b: {  	s13 =	sand.u32 $0x70, s7;
	s1 =	sand.u32 $0x3C00, s7;
	v0 =	vld [tilespmem:s12+$0x0];
	v4 =	vadd.s32 $0x2000, v2  }
0x27c: {  	s6 =	sor.u32 s13, s1  }
0x27d: {  	[tilespmem:s6+$0xC800] =	vst v1  }
0x27e: {  	v1 =	vld.idx.msk [tilespmem:v3+s17+$0x0], $0xffff  }
0x27f: {  	v3 =	vadd.s32 $0x2100, v5  }
0x280: {  	v6 =	vshll.u32 v0, $0x3;
	v4 =	vld.idx.msk [tilespmem:v4+s17+$0x0], $0xffff  }
0x281: {  	s14 =	simm.s32 $0x30;
	v7 =	vadd.s32 $0x2080, v2;
	v0 =	vand.u32 $0x7F, v0;
	v6 =	vand.u32 $0xFFFFFC00, v6  }
0x282: {  	s15 =	simm.s32 $0x80;
	v8 =	vld [tilespmem:s14+$0x0];
	v0 =	vor.u32 v0, v6  }
0x283: {  	s0 =	sand.u32 $0x70, s10;
	s1 =	sand.u32 $0x3C00, s15;
	v6 =	vadd.s32 $0x2000, v0;
	[tilespmem:s6+$0xC880] =	vst v1  }
0x284: {  	s1 =	sor.u32 s0, s1;
	v1 =	vld.idx.msk [tilespmem:v3+s17+$0x0], $0xffff  }
0x285: {  	[tilespmem:s1+$0xC800] =	vst v4;
	v3 =	vadd.s32 $0x2180, v5  }
0x286: {  	v4 =	vld.idx.msk [tilespmem:v7+s17+$0x0], $0xffff  }
0x287: {  	v9 =	vshll.u32 v8, $0x3;
	v7 =	vadd.s32 $0x2100, v2  }
0x288: {  	s16 =	simm.s32 $0x40;
	v8 =	vand.u32 $0x7F, v8;
	v9 =	vand.u32 $0xFFFFFC00, v9;
	v6 =	vld.idx.msk [tilespmem:v6+s17+$0x0], $0xffff  }
0x289: {  	v10 =	vld [tilespmem:s16+$0x0];
	v11 =	vadd.s32 $0x2080, v0;
	[tilespmem:s6+$0xC900] =	vst v1;
	v1 =	vor.u32 v8, v9  }
0x28a: {  	s20 =	simm.s32 $0x100;
	v3 =	vld.idx.msk [tilespmem:v3+s17+$0x0], $0xffff;
	v8 =	vadd.s32 $0x2000, v1  }
0x28b: {  	s2 =	sand.u32 $0x70, s12;
	s0 =	sand.u32 $0x3C00, s20;
	[tilespmem:s1+$0xC880] =	vst v4;
	v4 =	vadd.s32 $0x2200, v5  }
0x28c: {  	s0 =	sor.u32 s2, s0;
	v7 =	vld.idx.msk [tilespmem:v7+s17+$0x0], $0xffff  }
0x28d: {  	[tilespmem:s0+$0xC800] =	vst v6;
	v6 =	vadd.s32 $0x2180, v2  }
0x28e: {  	v9 =	vld.idx.msk [tilespmem:v11+s17+$0x0], $0xffff  }
0x28f: {  	v11 =	vadd.s32 $0x2100, v0;
	v8 =	vld.idx.msk [tilespmem:v8+s17+$0x0], $0xffff;
	[tilespmem:s6+$0xC980] =	vst v3;
	v3 =	vshll.u32 v10, $0x3  }
0x290: {  	v12 =	vadd.s32 $0x2080, v1;
	v10 =	vand.u32 $0x7F, v10;
	v4 =	vld.idx.msk [tilespmem:v4+s17+$0x0], $0xffff;
	v3 =	vand.u32 $0xFFFFFC00, v3  }
0x291: {  	s23 =	simm.s32 $0x180;
	[tilespmem:s1+$0xC900] =	vst v7;
	v7 =	vadd.s32 $0x2280, v5;
	v3 =	vor.u32 v10, v3  }
0x292: {  	s21 =	simm.s32 $0x50;
	s3 =	sand.u32 $0x70, s14;
	s2 =	sand.u32 $0x3C00, s23;
	v6 =	vld.idx.msk [tilespmem:v6+s17+$0x0], $0xffff;
	v10 =	vadd.s32 $0x2000, v3  }
0x293: {  	v13 =	vld [tilespmem:s21+$0x0];
	s2 =	sor.u32 s3, s2;
	[tilespmem:s0+$0xC880] =	vst v9  }
0x294: {  	v9 =	vadd.s32 $0x2200, v2;
	v11 =	vld.idx.msk [tilespmem:v11+s17+$0x0], $0xffff;
	[tilespmem:s2+$0xC800] =	vst v8  }
0x295: {  	v8 =	vld.idx.msk [tilespmem:v12+s17+$0x0], $0xffff;
	v12 =	vadd.s32 $0x2180, v0;
	[tilespmem:s6+$0xCA00] =	vst v4  }
0x296: {  	v14 =	vadd.s32 $0x2100, v1;
	v7 =	vld.idx.msk [tilespmem:v7+s17+$0x0], $0xffff  }
0x297: {  	s10 =	simm.s32 $0x60;
	[tilespmem:s1+$0xC980] =	vst v6;
	v6 =	vadd.s32 $0x2300, v5;
	v10 =	vld.idx.msk [tilespmem:v10+s17+$0x0], $0xffff  }
0x298: {  	v16 =	vld [tilespmem:s10+$0x0];
	v15 =	vadd.s32 $0x2080, v3;
	v4 =	vshll.u32 v13, $0x3  }
0x299: {  	s24 =	simm.s32 $0x200;
	v13 =	vand.u32 $0x7F, v13;
	v4 =	vand.u32 $0xFFFFFC00, v4;
	v9 =	vld.idx.msk [tilespmem:v9+s17+$0x0], $0xffff;
	[tilespmem:s0+$0xC900] =	vst v11  }
0x29a: {  	s5 =	sand.u32 $0x70, s16;
	s3 =	sand.u32 $0x3C00, s24;
	v4 =	vor.u32 v13, v4;
	v11 =	vadd.s32 $0x2280, v2;
	v13 =	vld.idx.msk [tilespmem:v12+s17+$0x0], $0xffff;
	[tilespmem:s2+$0xC880] =	vst v8  }
0x29b: {  	s5 =	sor.u32 s5, s3;
	v12 =	vadd.s32 $0x2000, v4;
	v8 =	vld.idx.msk [tilespmem:v14+s17+$0x0], $0xffff;
	[tilespmem:s6+$0xCA80] =	vst v7  }
0x29c: {  	v14 =	vadd.s32 $0x2200, v0;
	[tilespmem:s5+$0xC800] =	vst v10;
	v7 =	vld.idx.msk [tilespmem:v6+s17+$0x0], $0xffff  }
0x29d: {  	v10 =	vld.idx.msk [tilespmem:v15+s17+$0x0], $0xffff;
	v15 =	vadd.s32 $0x2180, v1  }
0x29e: {  	[tilespmem:s1+$0xCA00] =	vst v9  }
0x29f: {  	v17 =	vld.idx.msk [tilespmem:v11+s17+$0x0], $0xffff;
	v11 =	vadd.s32 $0x2380, v5  }
0x2a0: {  	v18 =	vadd.s32 $0x2100, v3;
	v12 =	vld.idx.msk [tilespmem:v12+s17+$0x0], $0xffff;
	[tilespmem:s0+$0xC980] =	vst v13  }
0x2a1: {  	v5 =	vshll.u32 v16, $0x3;
	v6 =	vld.idx.msk [tilespmem:v14+s17+$0x0], $0xffff;
	[tilespmem:s2+$0xC900] =	vst v8;
	v8 =	vadd.s32 $0x2300, v2  }
0x2a2: {  	s13 =	simm.s32 $0x70;
	v5 =	vand.u32 $0xFFFFFC00, v5;
	v13 =	vand.u32 $0x7F, v16;
	[tilespmem:s6+$0xCB00] =	vst v7;
	v9 =	vld.idx.msk [tilespmem:v15+s17+$0x0], $0xffff;
	v15 =	vadd.s32 $0x2080, v4  }
0x2a3: {  	s12 =	simm.s32 $0x280;
	v14 =	vld [tilespmem:s13+$0x0];
	v5 =	vor.u32 v13, v5;
	[tilespmem:s5+$0xC880] =	vst v10;
	v10 =	vadd.s32 $0x2280, v0  }
0x2a4: {  	s28 =	sand.u32 $0x70, s21;
	s30 =	sand.u32 $0x3C00, s12;
	v16 =	vadd.s32 $0x2000, v5;
	v7 =	vld.idx.msk [tilespmem:v11+s17+$0x0], $0xffff  }
0x2a5: {  	s15 =	simm.s32 $0x70;
	s16 =	simm.s32 $0x80;
	s8 =	sor.u32 s28, s30;
	v11 =	vadd.s32 $0x2200, v1;
	[tilespmem:s1+$0xCA80] =	vst v17;
	v13 =	vld.idx.msk [tilespmem:v18+s17+$0x0], $0xffff  }
.LBB2_13:
0x2a6: {  	p0 =	sne.s32 s16, $0x7F0;
	[tilespmem:s8+$0xC800] =	vst v12;
	v17 =	vld.idx.msk [tilespmem:v8+s17+$0x0], $0xffff  }
0x2a7: {  	v19 =	vadd.s32 $0x2180, v3;
	v18 =	vld.idx.msk [tilespmem:v15+s17+$0x0], $0xffff;
	[tilespmem:s0+$0xCA00] =	vst v6  }
0x2a8: {  	v21 =	vadd.s32 $0x2380, v2;
	v2 =	vmovc v0;
	v0 =	vmovc v1;
	v1 =	vmov v3;
	v3 =	vmov v4;
	v20 =	vld.idx.msk [tilespmem:v10+s17+$0x0], $0xffff  }
0x2a9: {  	v4 =	vmov v5;
	v22 =	vadd.s32 $0x2100, v3;
	v12 =	vld.idx.msk [tilespmem:v16+s17+$0x0], $0xffff;
	[tilespmem:s2+$0xC980] =	vst v9  }
.Ltmp7:
0x2aa: {  	s13 =	sadd.s32 $0x10, s13;
	v5 =	vshll.u32 v14, $0x3;
	v8 =	vadd.s32 $0x2300, v2;
	v6 =	vld.idx.msk [tilespmem:v11+s17+$0x0], $0xffff;
	[tilespmem:s6+$0xCB80] =	vst v7;
	s6 =	smov.u32 s1;
	(pc) =	sbr.rel @p0 .LBB2_13-.Ltmp7, $4  }
0x2ab: {  	v15 =	vadd.s32 $0x2080, v4;
	v5 =	vand.u32 $0xFFFFFC00, v5;
	v7 =	vand.u32 $0x7F, v14;
	s1 =	smov.u32 s0;
	s0 =	smov.u32 s2;
	s2 =	smov.u32 s5;
	v14 =	vld [tilespmem:s13+$0x0];
	[tilespmem:s5+$0xC900] =	vst v13  }
0x2ac: {  	s12 =	sadd.s32 $0x80, s12;
	v10 =	vadd.s32 $0x2280, v0;
	v5 =	vor.u32 v7, v5;
	s5 =	smov.u32 s8;
	v9 =	vld.idx.msk [tilespmem:v19+s17+$0x0], $0xffff;
	[tilespmem:s6+$0xCB00] =	vst v17  }
0x2ad: {  	s3 =	sand.u32 $0x70, s10;
	s10 =	smov.u32 s15;
	s8 =	sand.u32 $0x3C00, s12;
	v16 =	vadd.s32 $0x2000, v5;
	[tilespmem:s5+$0xC880] =	vst v18;
	v7 =	vld.idx.msk [tilespmem:v21+s17+$0x0], $0xffff  }
0x2ae: {  	s15 =	smov.u32 s16;
	s16 =	sadd.s32 $0x10, s16;
	v11 =	vadd.s32 $0x2200, v1;
	s8 =	sor.u32 s3, s8;
	v13 =	vld.idx.msk [tilespmem:v22+s17+$0x0], $0xffff;
	[tilespmem:s1+$0xCA80] =	vst v20  }
0x2af: {  	_ = 	snop  }
0x2b0: {  	v17 =	vshll.u32 v14, $0x3  }
0x2b1: {  	v14 =	vand.u32 $0x7F, v14;
	v17 =	vand.u32 $0xFFFFFC00, v17  }
0x2b2: {  	v14 =	vor.u32 v14, v17  }
0x2b3: {  	v17 =	vadd.s32 $0x2000, v14;
	_ =	sdelay $0x3  }
0x2b4: {  	v16 =	vld.idx.msk [tilespmem:v16+s17+$0x0], $0xffff  }
0x2b5: {  	v18 =	vadd.s32 $0x2080, v5;
	v17 =	vld.idx.msk [tilespmem:v17+s17+$0x0], $0xffff  }
0x2b6: {  	s3 =	sadd.s32 $0x80, s12;
	v19 =	vadd.s32 $0x2080, v14  }
0x2b7: {  	s10 =	sand.u32 $0x70, s10;
	s12 =	sand.u32 $0x3C00, s3;
	s3 =	sadd.s32 $0x80, s3  }
0x2b8: {  	[tilespmem:s8+$0xC800] =	vst v12;
	s7 =	sand.u32 $0x70, s15;
	s10 =	sor.u32 s10, s12;
	s3 =	sand.u32 $0x3C00, s3  }
0x2b9: {  	v12 =	vld.idx.msk [tilespmem:v15+s17+$0x0], $0xffff;
	s12 =	sor.u32 s7, s3;
	[tilespmem:s10+$0xC800] =	vst v16  }
0x2ba: {  	v15 =	vadd.s32 $0x2100, v4;
	v16 =	vld.idx.msk [tilespmem:v18+s17+$0x0], $0xffff;
	[tilespmem:s12+$0xC800] =	vst v17  }
0x2bb: {  	v54 =	vadd.s32 $0x2100, v5;
	v55 =	vld.idx.msk [tilespmem:v19+s17+$0x0], $0xffff  }
0x2bc: {  	v56 =	vadd.s32 $0x2100, v14;
	_ =	sdelay $0x1  }
0x2bd: {  	[tilespmem:s8+$0xC880] =	vst v12  }
0x2be: {  	v12 =	vadd.s32 $0x2180, v3;
	v15 =	vld.idx.msk [tilespmem:v15+s17+$0x0], $0xffff;
	[tilespmem:s10+$0xC880] =	vst v16  }
0x2bf: {  	v57 =	vadd.s32 $0x2180, v4;
	v17 =	vld.idx.msk [tilespmem:v54+s17+$0x0], $0xffff;
	[tilespmem:s12+$0xC880] =	vst v55  }
0x2c0: {  	[tilespmem:s0+$0xCA00] =	vst v6;
	v6 =	vadd.s32 $0x2180, v5;
	v18 =	vld.idx.msk [tilespmem:v56+s17+$0x0], $0xffff  }
0x2c1: {  	[tilespmem:s2+$0xC980] =	vst v9;
	v9 =	vadd.s32 $0x2180, v14  }
0x2c2: {  	v8 =	vld.idx.msk [tilespmem:v8+s17+$0x0], $0xffff;
	[tilespmem:s5+$0xC900] =	vst v13  }
0x2c3: {  	v12 =	vld.idx.msk [tilespmem:v12+s17+$0x0], $0xffff;
	[tilespmem:s8+$0xC900] =	vst v15  }
0x2c4: {  	v13 =	vadd.s32 $0x2200, v3;
	v15 =	vld.idx.msk [tilespmem:v57+s17+$0x0], $0xffff;
	[tilespmem:s10+$0xC900] =	vst v17  }
0x2c5: {  	v58 =	vadd.s32 $0x2200, v4;
	v6 =	vld.idx.msk [tilespmem:v6+s17+$0x0], $0xffff;
	[tilespmem:s12+$0xC900] =	vst v18  }
0x2c6: {  	[tilespmem:s6+$0xCB80] =	vst v7;
	v7 =	vadd.s32 $0x2200, v5;
	v9 =	vld.idx.msk [tilespmem:v9+s17+$0x0], $0xffff  }
0x2c7: {  	v10 =	vld.idx.msk [tilespmem:v10+s17+$0x0], $0xffff;
	[tilespmem:s1+$0xCB00] =	vst v8;
	v8 =	vadd.s32 $0x2200, v14  }
0x2c8: {  	v2 =	vadd.s32 $0x2380, v2;
	v11 =	vld.idx.msk [tilespmem:v11+s17+$0x0], $0xffff;
	[tilespmem:s5+$0xC980] =	vst v12  }
0x2c9: {  	v12 =	vadd.s32 $0x2280, v1;
	v13 =	vld.idx.msk [tilespmem:v13+s17+$0x0], $0xffff;
	[tilespmem:s8+$0xC980] =	vst v15  }
0x2ca: {  	v15 =	vadd.s32 $0x2280, v3;
	v16 =	vld.idx.msk [tilespmem:v58+s17+$0x0], $0xffff;
	[tilespmem:s10+$0xC980] =	vst v6  }
0x2cb: {  	v6 =	vadd.s32 $0x2280, v4;
	v7 =	vld.idx.msk [tilespmem:v7+s17+$0x0], $0xffff;
	[tilespmem:s12+$0xC980] =	vst v9  }
0x2cc: {  	[tilespmem:s0+$0xCA80] =	vst v10;
	v9 =	vadd.s32 $0x2280, v5;
	v8 =	vld.idx.msk [tilespmem:v8+s17+$0x0], $0xffff  }
0x2cd: {  	v2 =	vld.idx.msk [tilespmem:v2+s17+$0x0], $0xffff;
	v10 =	vadd.s32 $0x2280, v14;
	[tilespmem:s2+$0xCA00] =	vst v11  }
0x2ce: {  	v11 =	vadd.s32 $0x2300, v0;
	v12 =	vld.idx.msk [tilespmem:v12+s17+$0x0], $0xffff;
	[tilespmem:s5+$0xCA00] =	vst v13  }
0x2cf: {  	v13 =	vadd.s32 $0x2300, v1;
	v15 =	vld.idx.msk [tilespmem:v15+s17+$0x0], $0xffff;
	[tilespmem:s8+$0xCA00] =	vst v16  }
0x2d0: {  	v59 =	vadd.s32 $0x2300, v3;
	v6 =	vld.idx.msk [tilespmem:v6+s17+$0x0], $0xffff;
	[tilespmem:s10+$0xCA00] =	vst v7  }
0x2d1: {  	v7 =	vadd.s32 $0x2300, v4;
	v9 =	vld.idx.msk [tilespmem:v9+s17+$0x0], $0xffff;
	[tilespmem:s12+$0xCA00] =	vst v8  }
0x2d2: {  	[tilespmem:s1+$0xCB80] =	vst v2;
	v2 =	vadd.s32 $0x2300, v5;
	v8 =	vld.idx.msk [tilespmem:v10+s17+$0x0], $0xffff  }
0x2d3: {  	[tilespmem:s2+$0xCA80] =	vst v12;
	v10 =	vld.idx.msk [tilespmem:v11+s17+$0x0], $0xffff;
	v11 =	vadd.s32 $0x2300, v14  }
0x2d4: {  	v0 =	vadd.s32 $0x2380, v0;
	v12 =	vld.idx.msk [tilespmem:v13+s17+$0x0], $0xffff;
	[tilespmem:s5+$0xCA80] =	vst v15  }
0x2d5: {  	v1 =	vadd.s32 $0x2380, v1;
	v13 =	vld.idx.msk [tilespmem:v59+s17+$0x0], $0xffff;
	[tilespmem:s8+$0xCA80] =	vst v6  }
0x2d6: {  	v3 =	vadd.s32 $0x2380, v3;
	v6 =	vld.idx.msk [tilespmem:v7+s17+$0x0], $0xffff;
	[tilespmem:s10+$0xCA80] =	vst v9  }
0x2d7: {  	v4 =	vadd.s32 $0x2380, v4;
	v2 =	vld.idx.msk [tilespmem:v2+s17+$0x0], $0xffff;
	[tilespmem:s12+$0xCA80] =	vst v8  }
0x2d8: {  	v5 =	vadd.s32 $0x2380, v5;
	[tilespmem:s0+$0xCB00] =	vst v10;
	v7 =	vld.idx.msk [tilespmem:v11+s17+$0x0], $0xffff  }
0x2d9: {  	[tilespmem:s2+$0xCB00] =	vst v12;
	v8 =	vadd.s32 $0x2380, v14;
	v0 =	vld.idx.msk [tilespmem:v0+s17+$0x0], $0xffff  }
0x2da: {  	v1 =	vld.idx.msk [tilespmem:v1+s17+$0x0], $0xffff;
	[tilespmem:s5+$0xCB00] =	vst v13  }
0x2db: {  	v3 =	vld.idx.msk [tilespmem:v3+s17+$0x0], $0xffff;
	[tilespmem:s8+$0xCB00] =	vst v6  }
0x2dc: {  	v4 =	vld.idx.msk [tilespmem:v4+s17+$0x0], $0xffff;
	[tilespmem:s10+$0xCB00] =	vst v2  }
0x2dd: {  	v2 =	vld.idx.msk [tilespmem:v5+s17+$0x0], $0xffff;
	[tilespmem:s12+$0xCB00] =	vst v7  }
0x2de: {  	[tilespmem:s0+$0xCB80] =	vst v0;
	v0 =	vld.idx.msk [tilespmem:v8+s17+$0x0], $0xffff  }
0x2df: {  	[tilespmem:s2+$0xCB80] =	vst v1  }
0x2e0: {  	[tilespmem:s5+$0xCB80] =	vst v3  }
0x2e1: {  	[tilespmem:s8+$0xCB80] =	vst v4  }
0x2e2: {  	[tilespmem:s10+$0xCB80] =	vst v2  }
0x2e3: {  	s13 =	simm.s32 $0xC800;
	[tilespmem:s12+$0xCB80] =	vst v0;
	s12 =	sadd.s32 s31, s9  }
0x2e4: {  	[hbm4b:s12+s4] =	stream.linear.scatter [tilespmem:s13], [sflag:$0x3], $0x4000, $0x38;
	[tilespmem:$0x18800] =	vst v63  }
0x2e5: {  	s30 =	sshll.u32 s29, $0xC;
	p0 =	seq.s32 s29, $0xF;
	s0 =	rddreg [dreg:$0x9]  }
0x2e6: {  	s1 =	simm.s32 @!p0 $0x0;
	s2 =	simm.s32 @!p0 $0x800;
	s0 =	sadd.s32 @!p0 s30, s0  }
0x2e7: {  	[tilespmem:s2], [sflag:$0x1] =	stream.linear.gather @!p0 [hbm4b:s0+s1], $0x4000, $0x38;
	[tilespmem:$0x18800] =	vst v63  }
0x2e8: {  	_ =	swait.ge [sflag:s22], $0x4000  }
0x2e9: {  	[sflag:s22] =	ssyncset.done $0x0  }
0x2ea: {  	[sflag:s22] =	ssyncadd.s32 $0xFFFFC000  }
0x2eb: {  	_ =	swait.ge [sflag:s26], $0x8000  }
0x2ec: {  	[sflag:s26] =	ssyncset.done $0x0  }
0x2ed: {  	s12 =	simm.s32 $0x0;
	[sflag:s26] =	ssyncadd.s32 $0xFFFF8000  }
0x2ee: {  	v0 =	vld [tilespmem:s12+$0x0];
	_ =	sdelay $0x4  }
0x2ef: {  	v1 =	vshll.u32 v0, $0x3  }
0x2f0: {  	v0 =	vand.u32 $0x7F, v0;
	v1 =	vand.u32 $0xFFFFFC00, v1  }
0x2f1: {  	s14 =	simm.s32 $0x10;
	v5 =	vor.u32 v0, v1  }
0x2f2: {  	v0 =	vld [tilespmem:s14+$0x0];
	_ =	sdelay $0x3  }
0x2f3: {  	v1 =	vld.idx.msk [tilespmem:v5+s18+$0x0], $0xffff  }
0x2f4: {  	v3 =	vor.u32 $0x80, v5;
	v2 =	vshll.u32 v0, $0x3  }
0x2f5: {  	v0 =	vand.u32 $0x7F, v0;
	v2 =	vand.u32 $0xFFFFFC00, v2  }
0x2f6: {  	s15 =	simm.s32 $0x20;
	s16 =	sand.u32 $0x70, s12;
	s20 =	sand.u32 $0x3C00, s12;
	v2 =	vor.u32 v0, v2  }
0x2f7: {  	s1 =	sor.u32 s16, s20;
	v0 =	vld [tilespmem:s15+$0x0]  }
0x2f8: {  	[tilespmem:s1+$0x10800] =	vst v1  }
0x2f9: {  	v1 =	vld.idx.msk [tilespmem:v3+s18+$0x0], $0xffff  }
0x2fa: {  	v3 =	vor.u32 $0x100, v5  }
0x2fb: {  	v4 =	vld.idx.msk [tilespmem:v2+s18+$0x0], $0xffff  }
0x2fc: {  	v7 =	vor.u32 $0x80, v2;
	v6 =	vshll.u32 v0, $0x3  }
0x2fd: {  	s21 =	simm.s32 $0x30;
	s2 =	simm.s32 $0x80;
	s20 =	sadd.s32 $0x10800, s1;
	v0 =	vand.u32 $0x7F, v0;
	v6 =	vand.u32 $0xFFFFFC00, v6  }
0x2fe: {  	s0 =	sand.u32 $0x70, s14;
	s24 =	sand.u32 $0x3C00, s2;
	v8 =	vld [tilespmem:s21+$0x0];
	v0 =	vor.u32 v0, v6;
	[tilespmem:s20+$0x80] =	vst v1  }
0x2ff: {  	s0 =	sor.u32 s0, s24;
	v1 =	vld.idx.msk [tilespmem:v3+s18+$0x0], $0xffff  }
0x300: {  	[tilespmem:s0+$0x10800] =	vst v4;
	v3 =	vor.u32 $0x180, v5  }
0x301: {  	v4 =	vld.idx.msk [tilespmem:v7+s18+$0x0], $0xffff  }
0x302: {  	v6 =	vor.u32 $0x100, v2  }
0x303: {  	v9 =	vshll.u32 v8, $0x3;
	v7 =	vld.idx.msk [tilespmem:v0+s18+$0x0], $0xffff  }
0x304: {  	v10 =	vor.u32 $0x80, v0;
	[tilespmem:s20+$0x100] =	vst v1;
	v1 =	vand.u32 $0x7F, v8;
	v8 =	vand.u32 $0xFFFFFC00, v9  }
0x305: {  	s13 =	simm.s32 $0x40;
	s8 =	sadd.s32 $0x10800, s0;
	s1 =	simm.s32 $0x100;
	v3 =	vld.idx.msk [tilespmem:v3+s18+$0x0], $0xffff;
	v1 =	vor.u32 v1, v8  }
0x306: {  	s3 =	sand.u32 $0x70, s15;
	s6 =	sand.u32 $0x3C00, s1;
	v8 =	vld [tilespmem:s13+$0x0];
	[tilespmem:s8+$0x80] =	vst v4;
	v4 =	vor.u32 $0x200, v5  }
0x307: {  	s3 =	sor.u32 s3, s6;
	v6 =	vld.idx.msk [tilespmem:v6+s18+$0x0], $0xffff  }
0x308: {  	[tilespmem:s3+$0x10800] =	vst v7;
	v7 =	vor.u32 $0x180, v2  }
0x309: {  	v9 =	vld.idx.msk [tilespmem:v10+s18+$0x0], $0xffff  }
0x30a: {  	v11 =	vor.u32 $0x100, v0;
	v10 =	vld.idx.msk [tilespmem:v1+s18+$0x0], $0xffff;
	[tilespmem:s20+$0x180] =	vst v3  }
0x30b: {  	v12 =	vor.u32 $0x80, v1;
	v3 =	vshll.u32 v8, $0x3;
	v4 =	vld.idx.msk [tilespmem:v4+s18+$0x0], $0xffff  }
0x30c: {  	s23 =	simm.s32 $0x50;
	s0 =	simm.s32 $0x180;
	[tilespmem:s8+$0x100] =	vst v6;
	v6 =	vand.u32 $0x7F, v8;
	v3 =	vand.u32 $0xFFFFFC00, v3;
	v8 =	vor.u32 $0x280, v5  }
0x30d: {  	s7 =	sand.u32 $0x70, s21;
	s6 =	sadd.s32 $0x10800, s3;
	s10 =	sand.u32 $0x3C00, s0;
	v7 =	vld.idx.msk [tilespmem:v7+s18+$0x0], $0xffff;
	v3 =	vor.u32 v6, v3  }
0x30e: {  	s3 =	sor.u32 s7, s10;
	v6 =	vld [tilespmem:s23+$0x0];
	[tilespmem:s6+$0x80] =	vst v9  }
0x30f: {  	v11 =	vld.idx.msk [tilespmem:v11+s18+$0x0], $0xffff;
	[tilespmem:s3+$0x10800] =	vst v10  }
0x310: {  	v9 =	vor.u32 $0x200, v2;
	v10 =	vld.idx.msk [tilespmem:v12+s18+$0x0], $0xffff;
	[tilespmem:s20+$0x200] =	vst v4  }
0x311: {  	v12 =	vor.u32 $0x180, v0;
	v8 =	vld.idx.msk [tilespmem:v8+s18+$0x0], $0xffff  }
0x312: {  	v14 =	vld.idx.msk [tilespmem:v3+s18+$0x0], $0xffff;
	[tilespmem:s8+$0x180] =	vst v7;
	v7 =	vor.u32 $0x300, v5  }
0x313: {  	s16 =	simm.s32 $0x60;
	v15 =	vor.u32 $0x80, v3  }
0x314: {  	v60 =	vld [tilespmem:s16+$0x0];
	v13 =	vor.u32 $0x100, v1;
	s10 =	simm.s32 $0x200  }
0x315: {  	s14 =	sand.u32 $0x70, s13;
	s21 =	sand.u32 $0x3C00, s10;
	v4 =	vshll.u32 v6, $0x3;
	v9 =	vld.idx.msk [tilespmem:v9+s18+$0x0], $0xffff;
	[tilespmem:s6+$0x100] =	vst v11  }
0x316: {  	s15 =	sadd.s32 $0x10800, s3;
	s3 =	sor.u32 s14, s21;
	v6 =	vand.u32 $0x7F, v6;
	v4 =	vand.u32 $0xFFFFFC00, v4;
	v11 =	vor.u32 $0x280, v2;
	v12 =	vld.idx.msk [tilespmem:v12+s18+$0x0], $0xffff;
	[tilespmem:s20+$0x280] =	vst v8  }
0x317: {  	v4 =	vor.u32 v6, v4;
	[tilespmem:s3+$0x10800] =	vst v14;
	v8 =	vld.idx.msk [tilespmem:v7+s18+$0x0], $0xffff  }
0x318: {  	[tilespmem:s15+$0x80] =	vst v10;
	v10 =	vor.u32 $0x200, v0;
	v14 =	vld.idx.msk [tilespmem:v15+s18+$0x0], $0xffff  }
0x319: {  	s21 =	simm.s32 $0x70;
	v5 =	vor.u32 $0x380, v5;
	v6 =	vld.idx.msk [tilespmem:v13+s18+$0x0], $0xffff  }
0x31a: {  	v13 =	vld [tilespmem:s21+$0x0];
	v15 =	vor.u32 $0x180, v1;
	[tilespmem:s8+$0x200] =	vst v9  }
0x31b: {  	v62 =	vor.u32 $0x100, v3;
	v9 =	vld.idx.msk [tilespmem:v11+s18+$0x0], $0xffff;
	[tilespmem:s6+$0x180] =	vst v12  }
0x31c: {  	v63 =	vor.u32 $0x300, v2;
	s5 =	sadd.s32 $0x10800, s3;
	v61 =	vld.idx.msk [tilespmem:v4+s18+$0x0], $0xffff;
	[tilespmem:s20+$0x300] =	vst v8  }
0x31d: {  	v7 =	vld.idx.msk [tilespmem:v10+s18+$0x0], $0xffff;
	v8 =	vshll.u32 v60, $0x3;
	[tilespmem:s5+$0x80] =	vst v14;
	v14 =	vor.u32 $0x80, v4  }
0x31e: {  	s13 =	simm.s32 $0x280;
	v12 =	vor.u32 $0x280, v0;
	[tilespmem:s15+$0x100] =	vst v6;
	v11 =	vld.idx.msk [tilespmem:v5+s18+$0x0], $0xffff;
	v5 =	vand.u32 $0x7F, v60;
	v8 =	vand.u32 $0xFFFFFC00, v8  }
0x31f: {  	s24 =	sand.u32 $0x3C00, s13;
	s23 =	sand.u32 $0x70, s23;
	v6 =	vld.idx.msk [tilespmem:v15+s18+$0x0], $0xffff;
	v5 =	vor.u32 v5, v8  }
0x320: {  	s28 =	simm.s32 $0x80;
	s23 =	sor.u32 s23, s24;
	v10 =	vld.idx.msk [tilespmem:v62+s18+$0x0], $0xffff;
	[tilespmem:s8+$0x280] =	vst v9;
	v9 =	vor.u32 $0x200, v1  }
0x321: {  	s24 =	simm.s32 $0x70;
	s3 =	sand.u32 $0x7, s12;
	s20 =	simm.s32 $0x0;
	[tilespmem:s23+$0x10800] =	vst v61;
	v8 =	vld.idx.msk [tilespmem:v63+s18+$0x0], $0xffff  }
.LBB2_15:
0x322: {  	p1 =	sne.s32 s28, $0x7F0;
	v15 =	vld.idx.msk [tilespmem:v14+s18+$0x0], $0xffff;
	v16 =	vor.u32 $0x180, v3;
	[tilespmem:s6+$0x200] =	vst v7;
	s3 =	sshll.u32 s3, $0x4;
	v17 =	vmov v13;
	s7 =	smov.u32 s16  }
0x323: {  	v19 =	vor.u32 $0x380, v2;
	v2 =	vmovc v0;
	v0 =	vmovc v1;
	v1 =	vmov v3;
	v3 =	vmov v4;
	v18 =	vld.idx.msk [tilespmem:v12+s18+$0x0], $0xffff;
	s3 =	sadd.s32 s3, s12;
	s12 =	smov.u32 s2;
	s2 =	smov.u32 s1  }
0x324: {  	v4 =	vmov v5;
	v21 =	vor.u32 $0x100, v3;
	s1 =	smov.u32 s0;
	s0 =	smov.u32 s10;
	v20 =	vld.idx.msk [tilespmem:v5+s18+$0x0], $0xffff;
	[tilespmem:s15+$0x180] =	vst v6;
	s3 =	sor.u32 $0x380, s3  }
0x325: {  	s21 =	sadd.s32 $0x10, s21;
	s16 =	smov.u32 s24;
	v22 =	vor.u32 $0x300, v2;
	s10 =	smov.u32 s13;
	v7 =	vld.idx.msk [tilespmem:v9+s18+$0x0], $0xffff;
	[tilespmem:s3+$0x10800] =	vst v11  }
.Ltmp8:
0x326: {  	s24 =	smov.u32 s28;
	v14 =	vor.u32 $0x80, v4;
	v5 =	vshll.u32 v17, $0x3;
	v13 =	vld [tilespmem:s21+$0x0];
	[tilespmem:s5+$0x100] =	vst v10;
	(pc) =	sbr.rel @p1 .LBB2_15-.Ltmp8, $4  }
0x327: {  	s14 =	sadd.s32 $0x10800, s23;
	s13 =	sadd.s32 $0x80, s13;
	v12 =	vor.u32 $0x280, v0;
	v9 =	vand.u32 $0x7F, v17;
	v5 =	vand.u32 $0xFFFFFC00, v5;
	v6 =	vld.idx.msk [tilespmem:v16+s18+$0x0], $0xffff;
	[tilespmem:s8+$0x300] =	vst v8;
	s8 =	smov.u32 s6  }
0x328: {  	s3 =	sand.u32 $0x70, s7;
	s7 =	sand.u32 $0x3C00, s13;
	v5 =	vor.u32 v9, v5;
	s6 =	smov.u32 s15;
	[tilespmem:s14+$0x80] =	vst v15;
	v11 =	vld.idx.msk [tilespmem:v19+s18+$0x0], $0xffff  }
0x329: {  	s20 =	sadd.s32 $0x1, s20;
	s23 =	sor.u32 s3, s7;
	v9 =	vor.u32 $0x200, v1;
	s15 =	smov.u32 s5;
	v10 =	vld.idx.msk [tilespmem:v21+s18+$0x0], $0xffff;
	[tilespmem:s8+$0x280] =	vst v18  }
0x32a: {  	s28 =	sadd.s32 $0x10, s28;
	s3 =	sand.u32 $0x7, s20;
	s5 =	smov.u32 s14;
	[tilespmem:s23+$0x10800] =	vst v20;
	v8 =	vld.idx.msk [tilespmem:v22+s18+$0x0], $0xffff  }
0x32b: {  	v15 =	vshll.u32 v13, $0x3  }
0x32c: {  	v13 =	vand.u32 $0x7F, v13;
	v15 =	vand.u32 $0xFFFFFC00, v15  }
0x32d: {  	v13 =	vor.u32 v13, v15;
	_ =	sdelay $0x3  }
0x32e: {  	v15 =	vld.idx.msk [tilespmem:v5+s18+$0x0], $0xffff  }
0x32f: {  	v16 =	vor.u32 $0x80, v5;
	v17 =	vld.idx.msk [tilespmem:v13+s18+$0x0], $0xffff  }
0x330: {  	s28 =	sadd.s32 $0x80, s13;
	v18 =	vor.u32 $0x80, v13  }
0x331: {  	s7 =	sand.u32 $0x70, s16;
	s14 =	sand.u32 $0x3C00, s28;
	s16 =	sadd.s32 $0x80, s28  }
0x332: {  	s24 =	sand.u32 $0x70, s24;
	s7 =	sor.u32 s7, s14;
	s21 =	sand.u32 $0x3C00, s16  }
0x333: {  	v14 =	vld.idx.msk [tilespmem:v14+s18+$0x0], $0xffff;
	s14 =	sor.u32 s24, s21;
	[tilespmem:s7+$0x10800] =	vst v15  }
0x334: {  	v15 =	vor.u32 $0x100, v4;
	v16 =	vld.idx.msk [tilespmem:v16+s18+$0x0], $0xffff;
	[tilespmem:s14+$0x10800] =	vst v17  }
0x335: {  	v17 =	vor.u32 $0x100, v5;
	v18 =	vld.idx.msk [tilespmem:v18+s18+$0x0], $0xffff  }
0x336: {  	v19 =	vor.u32 $0x100, v13  }
0x337: {  	s23 =	sadd.s32 $0x10800, s23  }
0x338: {  	s3 =	sshll.u32 s3, $0x4;
	s21 =	sadd.s32 $0x10800, s7;
	[tilespmem:s23+$0x80] =	vst v14  }
0x339: {  	s3 =	sadd.s32 s3, s12;
	s12 =	sadd.s32 $0x10800, s14;
	v14 =	vor.u32 $0x180, v3;
	v15 =	vld.idx.msk [tilespmem:v15+s18+$0x0], $0xffff;
	[tilespmem:s21+$0x80] =	vst v16  }
0x33a: {  	s3 =	sor.u32 $0x380, s3;
	v16 =	vor.u32 $0x180, v4;
	v17 =	vld.idx.msk [tilespmem:v17+s18+$0x0], $0xffff;
	[tilespmem:s12+$0x80] =	vst v18  }
0x33b: {  	[tilespmem:s3+$0x10800] =	vst v11;
	v11 =	vor.u32 $0x180, v5;
	v18 =	vld.idx.msk [tilespmem:v19+s18+$0x0], $0xffff  }
0x33c: {  	[tilespmem:s6+$0x200] =	vst v7;
	v7 =	vor.u32 $0x180, v13  }
0x33d: {  	[tilespmem:s5+$0x100] =	vst v10  }
0x33e: {  	v10 =	vld.idx.msk [tilespmem:v14+s18+$0x0], $0xffff;
	[tilespmem:s23+$0x100] =	vst v15  }
0x33f: {  	v14 =	vor.u32 $0x200, v3;
	v15 =	vld.idx.msk [tilespmem:v16+s18+$0x0], $0xffff;
	[tilespmem:s21+$0x100] =	vst v17  }
0x340: {  	v16 =	vor.u32 $0x200, v4;
	v11 =	vld.idx.msk [tilespmem:v11+s18+$0x0], $0xffff;
	[tilespmem:s12+$0x100] =	vst v18  }
0x341: {  	[tilespmem:s15+$0x180] =	vst v6;
	v6 =	vor.u32 $0x200, v5;
	v7 =	vld.idx.msk [tilespmem:v7+s18+$0x0], $0xffff  }
0x342: {  	v12 =	vld.idx.msk [tilespmem:v12+s18+$0x0], $0xffff;
	[tilespmem:s8+$0x300] =	vst v8;
	v8 =	vor.u32 $0x200, v13  }
0x343: {  	v2 =	vor.u32 $0x380, v2;
	v9 =	vld.idx.msk [tilespmem:v9+s18+$0x0], $0xffff;
	[tilespmem:s5+$0x180] =	vst v10  }
0x344: {  	v10 =	vor.u32 $0x280, v1;
	v14 =	vld.idx.msk [tilespmem:v14+s18+$0x0], $0xffff;
	[tilespmem:s23+$0x180] =	vst v15  }
0x345: {  	v15 =	vor.u32 $0x280, v3;
	v16 =	vld.idx.msk [tilespmem:v16+s18+$0x0], $0xffff;
	[tilespmem:s21+$0x180] =	vst v11  }
0x346: {  	v11 =	vor.u32 $0x280, v4;
	v6 =	vld.idx.msk [tilespmem:v6+s18+$0x0], $0xffff;
	[tilespmem:s12+$0x180] =	vst v7  }
0x347: {  	[tilespmem:s6+$0x280] =	vst v12;
	v7 =	vor.u32 $0x280, v5;
	v8 =	vld.idx.msk [tilespmem:v8+s18+$0x0], $0xffff  }
0x348: {  	s8 =	sadd.s32 $0x1, s20;
	v2 =	vld.idx.msk [tilespmem:v2+s18+$0x0], $0xffff;
	[tilespmem:s15+$0x200] =	vst v9;
	v9 =	vor.u32 $0x280, v13  }
0x349: {  	v12 =	vor.u32 $0x300, v0;
	s14 =	sand.u32 $0x7, s8;
	v10 =	vld.idx.msk [tilespmem:v10+s18+$0x0], $0xffff;
	[tilespmem:s5+$0x200] =	vst v14  }
0x34a: {  	s7 =	sshll.u32 s14, $0x4;
	v14 =	vor.u32 $0x300, v1;
	v15 =	vld.idx.msk [tilespmem:v15+s18+$0x0], $0xffff;
	[tilespmem:s23+$0x200] =	vst v16  }
0x34b: {  	s2 =	sadd.s32 s7, s2;
	v16 =	vor.u32 $0x300, v3;
	v11 =	vld.idx.msk [tilespmem:v11+s18+$0x0], $0xffff;
	[tilespmem:s21+$0x200] =	vst v6  }
0x34c: {  	s2 =	sor.u32 $0x380, s2;
	v6 =	vor.u32 $0x300, v4;
	v7 =	vld.idx.msk [tilespmem:v7+s18+$0x0], $0xffff;
	[tilespmem:s12+$0x200] =	vst v8  }
0x34d: {  	[tilespmem:s2+$0x10800] =	vst v2;
	v2 =	vor.u32 $0x300, v5;
	v8 =	vld.idx.msk [tilespmem:v9+s18+$0x0], $0xffff  }
0x34e: {  	[tilespmem:s15+$0x280] =	vst v10;
	v10 =	vor.u32 $0x300, v13;
	v9 =	vld.idx.msk [tilespmem:v12+s18+$0x0], $0xffff  }
0x34f: {  	v0 =	vor.u32 $0x380, v0;
	[tilespmem:s5+$0x280] =	vst v15;
	v12 =	vld.idx.msk [tilespmem:v14+s18+$0x0], $0xffff  }
0x350: {  	v1 =	vor.u32 $0x380, v1;
	v14 =	vld.idx.msk [tilespmem:v16+s18+$0x0], $0xffff;
	[tilespmem:s23+$0x280] =	vst v11  }
0x351: {  	v3 =	vor.u32 $0x380, v3;
	v6 =	vld.idx.msk [tilespmem:v6+s18+$0x0], $0xffff;
	[tilespmem:s21+$0x280] =	vst v7  }
0x352: {  	s20 =	sadd.s32 $0x1, s8;
	v4 =	vor.u32 $0x380, v4;
	v2 =	vld.idx.msk [tilespmem:v2+s18+$0x0], $0xffff;
	[tilespmem:s12+$0x280] =	vst v8  }
0x353: {  	s3 =	sand.u32 $0x7, s20;
	s2 =	sadd.s32 $0x1, s20;
	v5 =	vor.u32 $0x380, v5;
	[tilespmem:s6+$0x300] =	vst v9;
	v7 =	vld.idx.msk [tilespmem:v10+s18+$0x0], $0xffff  }
0x354: {  	s3 =	sshll.u32 s3, $0x4;
	s24 =	sand.u32 $0x7, s2;
	s2 =	sadd.s32 $0x1, s2;
	[tilespmem:s15+$0x300] =	vst v12;
	v8 =	vor.u32 $0x380, v13;
	v0 =	vld.idx.msk [tilespmem:v0+s18+$0x0], $0xffff  }
0x355: {  	s1 =	sadd.s32 s3, s1;
	s7 =	sshll.u32 s24, $0x4;
	s8 =	sand.u32 $0x7, s2;
	[tilespmem:s5+$0x300] =	vst v14;
	v1 =	vld.idx.msk [tilespmem:v1+s18+$0x0], $0xffff  }
0x356: {  	s1 =	sor.u32 $0x380, s1;
	s0 =	sadd.s32 s7, s0;
	s14 =	sshll.u32 s8, $0x4;
	v3 =	vld.idx.msk [tilespmem:v3+s18+$0x0], $0xffff;
	[tilespmem:s23+$0x300] =	vst v6  }
0x357: {  	s2 =	sadd.s32 $0x1, s2;
	s0 =	sor.u32 $0x380, s0;
	s3 =	sadd.s32 s14, s10;
	v4 =	vld.idx.msk [tilespmem:v4+s18+$0x0], $0xffff;
	[tilespmem:s21+$0x300] =	vst v2  }
0x358: {  	s3 =	sor.u32 $0x380, s3;
	s15 =	sand.u32 $0x7, s2;
	s2 =	sadd.s32 $0x1, s2;
	v2 =	vld.idx.msk [tilespmem:v5+s18+$0x0], $0xffff;
	[tilespmem:s12+$0x300] =	vst v7  }
0x359: {  	s20 =	sshll.u32 s15, $0x4;
	s21 =	sand.u32 $0x7, s2;
	s2 =	sadd.s32 $0x1, s2;
	[tilespmem:s1+$0x10800] =	vst v0;
	v0 =	vld.idx.msk [tilespmem:v8+s18+$0x0], $0xffff  }
0x35a: {  	s23 =	sadd.s32 s20, s13;
	s24 =	sshll.u32 s21, $0x4;
	s2 =	sand.u32 $0x7, s2;
	[tilespmem:s0+$0x10800] =	vst v1  }
0x35b: {  	[tilespmem:s3+$0x10800] =	vst v3;
	s0 =	sor.u32 $0x380, s23;
	s1 =	sadd.s32 s24, s28;
	s2 =	sshll.u32 s2, $0x4  }
0x35c: {  	s1 =	sor.u32 $0x380, s1;
	s2 =	sadd.s32 s2, s16;
	[tilespmem:s0+$0x10800] =	vst v4  }
0x35d: {  	s31 =	sor.u32 $0x1000, s31;
	s3 =	sor.u32 $0x380, s2;
	[tilespmem:s1+$0x10800] =	vst v2  }
0x35e: {  	s7 =	simm.s32 $0x10800;
	s5 =	sadd.s32 s11, s31;
	s6 =	simm.s32 $0x0;
	[tilespmem:s3+$0x10800] =	vst v0  }
0x35f: {  	[hbm4b:s5+s6] =	stream.linear.scatter [tilespmem:s7], [sflag:$0x4], $0x4000, $0x38;
	[tilespmem:$0x18800] =	vst v63  }
0x360: {  	v0 =	vld [tilespmem:s6+$0x0];
	_ =	sdelay $0x4  }
0x361: {  	v1 =	vshll.u32 v0, $0x3  }
0x362: {  	v0 =	vand.u32 $0x7F, v0;
	v1 =	vand.u32 $0xFFFFFC00, v1  }
0x363: {  	s8 =	simm.s32 $0x10;
	v5 =	vor.u32 v0, v1  }
0x364: {  	v0 =	vld [tilespmem:s8+$0x0];
	v1 =	vadd.s32 $0x2000, v5;
	_ =	sdelay $0x4  }
0x365: {  	v2 =	vshll.u32 v0, $0x3;
	v1 =	vld.idx.msk [tilespmem:v1+s18+$0x0], $0xffff  }
0x366: {  	v3 =	vadd.s32 $0x2080, v5;
	v0 =	vand.u32 $0x7F, v0;
	v2 =	vand.u32 $0xFFFFFC00, v2  }
0x367: {  	s10 =	simm.s32 $0x20;
	v2 =	vor.u32 v0, v2  }
0x368: {  	s12 =	sand.u32 $0x70, s6;
	s1 =	sand.u32 $0x3C00, s6;
	v0 =	vld [tilespmem:s10+$0x0];
	v4 =	vadd.s32 $0x2000, v2  }
0x369: {  	s6 =	sor.u32 s12, s1  }
0x36a: {  	[tilespmem:s6+$0x14800] =	vst v1  }
0x36b: {  	v1 =	vld.idx.msk [tilespmem:v3+s18+$0x0], $0xffff  }
0x36c: {  	v3 =	vadd.s32 $0x2100, v5  }
0x36d: {  	v6 =	vshll.u32 v0, $0x3;
	v4 =	vld.idx.msk [tilespmem:v4+s18+$0x0], $0xffff  }
0x36e: {  	s13 =	simm.s32 $0x30;
	v7 =	vadd.s32 $0x2080, v2;
	v0 =	vand.u32 $0x7F, v0;
	v6 =	vand.u32 $0xFFFFFC00, v6  }
0x36f: {  	s14 =	simm.s32 $0x80;
	v8 =	vld [tilespmem:s13+$0x0];
	v0 =	vor.u32 v0, v6  }
0x370: {  	s0 =	sand.u32 $0x70, s8;
	s1 =	sand.u32 $0x3C00, s14;
	v6 =	vadd.s32 $0x2000, v0;
	[tilespmem:s6+$0x14880] =	vst v1  }
0x371: {  	s1 =	sor.u32 s0, s1;
	v1 =	vld.idx.msk [tilespmem:v3+s18+$0x0], $0xffff  }
0x372: {  	[tilespmem:s1+$0x14800] =	vst v4;
	v3 =	vadd.s32 $0x2180, v5  }
0x373: {  	v4 =	vld.idx.msk [tilespmem:v7+s18+$0x0], $0xffff  }
0x374: {  	v9 =	vshll.u32 v8, $0x3;
	v7 =	vadd.s32 $0x2100, v2  }
0x375: {  	s15 =	simm.s32 $0x40;
	v8 =	vand.u32 $0x7F, v8;
	v9 =	vand.u32 $0xFFFFFC00, v9;
	v6 =	vld.idx.msk [tilespmem:v6+s18+$0x0], $0xffff  }
0x376: {  	v10 =	vld [tilespmem:s15+$0x0];
	v11 =	vadd.s32 $0x2080, v0;
	[tilespmem:s6+$0x14900] =	vst v1;
	v1 =	vor.u32 v8, v9  }
0x377: {  	s16 =	simm.s32 $0x100;
	v3 =	vld.idx.msk [tilespmem:v3+s18+$0x0], $0xffff;
	v8 =	vadd.s32 $0x2000, v1  }
0x378: {  	s2 =	sand.u32 $0x70, s10;
	s0 =	sand.u32 $0x3C00, s16;
	[tilespmem:s1+$0x14880] =	vst v4;
	v4 =	vadd.s32 $0x2200, v5  }
0x379: {  	s0 =	sor.u32 s2, s0;
	v7 =	vld.idx.msk [tilespmem:v7+s18+$0x0], $0xffff  }
0x37a: {  	[tilespmem:s0+$0x14800] =	vst v6;
	v6 =	vadd.s32 $0x2180, v2  }
0x37b: {  	v9 =	vld.idx.msk [tilespmem:v11+s18+$0x0], $0xffff  }
0x37c: {  	v11 =	vadd.s32 $0x2100, v0;
	v8 =	vld.idx.msk [tilespmem:v8+s18+$0x0], $0xffff;
	[tilespmem:s6+$0x14980] =	vst v3;
	v3 =	vshll.u32 v10, $0x3  }
0x37d: {  	v12 =	vadd.s32 $0x2080, v1;
	v10 =	vand.u32 $0x7F, v10;
	v4 =	vld.idx.msk [tilespmem:v4+s18+$0x0], $0xffff;
	v3 =	vand.u32 $0xFFFFFC00, v3  }
0x37e: {  	s21 =	simm.s32 $0x180;
	[tilespmem:s1+$0x14900] =	vst v7;
	v7 =	vadd.s32 $0x2280, v5;
	v3 =	vor.u32 v10, v3  }
0x37f: {  	s20 =	simm.s32 $0x50;
	s3 =	sand.u32 $0x70, s13;
	s2 =	sand.u32 $0x3C00, s21;
	v6 =	vld.idx.msk [tilespmem:v6+s18+$0x0], $0xffff;
	v10 =	vadd.s32 $0x2000, v3  }
0x380: {  	v13 =	vld [tilespmem:s20+$0x0];
	s2 =	sor.u32 s3, s2;
	[tilespmem:s0+$0x14880] =	vst v9;
	v9 =	vadd.s32 $0x2200, v2  }
0x381: {  	v11 =	vld.idx.msk [tilespmem:v11+s18+$0x0], $0xffff;
	[tilespmem:s2+$0x14800] =	vst v8  }
0x382: {  	v8 =	vld.idx.msk [tilespmem:v12+s18+$0x0], $0xffff;
	v12 =	vadd.s32 $0x2180, v0;
	[tilespmem:s6+$0x14A00] =	vst v4  }
0x383: {  	v14 =	vadd.s32 $0x2100, v1;
	v7 =	vld.idx.msk [tilespmem:v7+s18+$0x0], $0xffff  }
0x384: {  	[tilespmem:s1+$0x14980] =	vst v6;
	v6 =	vadd.s32 $0x2300, v5;
	v10 =	vld.idx.msk [tilespmem:v10+s18+$0x0], $0xffff  }
0x385: {  	s10 =	simm.s32 $0x60;
	v15 =	vadd.s32 $0x2080, v3;
	v4 =	vshll.u32 v13, $0x3;
	v9 =	vld.idx.msk [tilespmem:v9+s18+$0x0], $0xffff  }
0x386: {  	s23 =	simm.s32 $0x200;
	v16 =	vld [tilespmem:s10+$0x0];
	v13 =	vand.u32 $0x7F, v13;
	v4 =	vand.u32 $0xFFFFFC00, v4;
	[tilespmem:s0+$0x14900] =	vst v11;
	v11 =	vadd.s32 $0x2280, v2  }
0x387: {  	s5 =	sand.u32 $0x70, s15;
	s3 =	sand.u32 $0x3C00, s23;
	v4 =	vor.u32 v13, v4;
	v12 =	vld.idx.msk [tilespmem:v12+s18+$0x0], $0xffff;
	[tilespmem:s2+$0x14880] =	vst v8  }
0x388: {  	s5 =	sor.u32 s5, s3;
	v13 =	vadd.s32 $0x2000, v4;
	v8 =	vld.idx.msk [tilespmem:v14+s18+$0x0], $0xffff;
	[tilespmem:s6+$0x14A80] =	vst v7  }
0x389: {  	v14 =	vadd.s32 $0x2200, v0;
	[tilespmem:s5+$0x14800] =	vst v10;
	v7 =	vld.idx.msk [tilespmem:v6+s18+$0x0], $0xffff  }
0x38a: {  	[tilespmem:s1+$0x14A00] =	vst v9;
	v17 =	vld.idx.msk [tilespmem:v15+s18+$0x0], $0xffff;
	v15 =	vadd.s32 $0x2180, v1  }
0x38b: {  	v18 =	vld.idx.msk [tilespmem:v11+s18+$0x0], $0xffff;
	v11 =	vadd.s32 $0x2380, v5;
	_ =	sdelay $0x1  }
0x38c: {  	v19 =	vadd.s32 $0x2100, v3;
	v10 =	vld.idx.msk [tilespmem:v13+s18+$0x0], $0xffff;
	[tilespmem:s0+$0x14980] =	vst v12  }
0x38d: {  	v5 =	vshll.u32 v16, $0x3;
	v6 =	vld.idx.msk [tilespmem:v14+s18+$0x0], $0xffff;
	[tilespmem:s2+$0x14900] =	vst v8;
	v8 =	vadd.s32 $0x2300, v2  }
0x38e: {  	v5 =	vand.u32 $0xFFFFFC00, v5;
	v12 =	vand.u32 $0x7F, v16;
	[tilespmem:s6+$0x14B00] =	vst v7;
	v9 =	vld.idx.msk [tilespmem:v15+s18+$0x0], $0xffff;
	v15 =	vadd.s32 $0x2080, v4  }
0x38f: {  	s13 =	simm.s32 $0x70;
	s12 =	simm.s32 $0x280;
	v5 =	vor.u32 v12, v5;
	v7 =	vld.idx.msk [tilespmem:v11+s18+$0x0], $0xffff;
	v11 =	vadd.s32 $0x2280, v0  }
0x390: {  	s24 =	sand.u32 $0x70, s20;
	s28 =	sand.u32 $0x3C00, s12;
	v13 =	vld [tilespmem:s13+$0x0];
	v16 =	vadd.s32 $0x2000, v5;
	[tilespmem:s5+$0x14880] =	vst v17  }
0x391: {  	s15 =	simm.s32 $0x70;
	s16 =	simm.s32 $0x80;
	s8 =	sor.u32 s24, s28;
	v12 =	vadd.s32 $0x2200, v1;
	[tilespmem:s1+$0x14A80] =	vst v18;
	v14 =	vld.idx.msk [tilespmem:v19+s18+$0x0], $0xffff  }
.LBB2_17:
0x392: {  	p1 =	sne.s32 s16, $0x7F0;
	[tilespmem:s8+$0x14800] =	vst v10;
	v17 =	vld.idx.msk [tilespmem:v8+s18+$0x0], $0xffff  }
0x393: {  	v19 =	vadd.s32 $0x2180, v3;
	v18 =	vld.idx.msk [tilespmem:v15+s18+$0x0], $0xffff;
	[tilespmem:s0+$0x14A00] =	vst v6  }
0x394: {  	v21 =	vadd.s32 $0x2380, v2;
	v2 =	vmovc v0;
	v0 =	vmovc v1;
	v1 =	vmov v3;
	v3 =	vmov v4;
	v20 =	vld.idx.msk [tilespmem:v11+s18+$0x0], $0xffff  }
0x395: {  	v4 =	vmov v5;
	v22 =	vadd.s32 $0x2100, v3;
	v10 =	vld.idx.msk [tilespmem:v16+s18+$0x0], $0xffff;
	[tilespmem:s2+$0x14980] =	vst v9  }
.Ltmp9:
0x396: {  	s13 =	sadd.s32 $0x10, s13;
	v5 =	vshll.u32 v13, $0x3;
	v8 =	vadd.s32 $0x2300, v2;
	v6 =	vld.idx.msk [tilespmem:v12+s18+$0x0], $0xffff;
	[tilespmem:s6+$0x14B80] =	vst v7;
	s6 =	smov.u32 s1;
	(pc) =	sbr.rel @p1 .LBB2_17-.Ltmp9, $4  }
0x397: {  	v15 =	vadd.s32 $0x2080, v4;
	v5 =	vand.u32 $0xFFFFFC00, v5;
	v7 =	vand.u32 $0x7F, v13;
	s1 =	smov.u32 s0;
	s0 =	smov.u32 s2;
	s2 =	smov.u32 s5;
	v13 =	vld [tilespmem:s13+$0x0];
	[tilespmem:s5+$0x14900] =	vst v14  }
0x398: {  	s12 =	sadd.s32 $0x80, s12;
	v11 =	vadd.s32 $0x2280, v0;
	v5 =	vor.u32 v7, v5;
	s5 =	smov.u32 s8;
	v9 =	vld.idx.msk [tilespmem:v19+s18+$0x0], $0xffff;
	[tilespmem:s6+$0x14B00] =	vst v17  }
0x399: {  	s3 =	sand.u32 $0x70, s10;
	s10 =	smov.u32 s15;
	s7 =	sand.u32 $0x3C00, s12;
	v16 =	vadd.s32 $0x2000, v5;
	[tilespmem:s5+$0x14880] =	vst v18;
	v7 =	vld.idx.msk [tilespmem:v21+s18+$0x0], $0xffff  }
0x39a: {  	s15 =	smov.u32 s16;
	s16 =	sadd.s32 $0x10, s16;
	v12 =	vadd.s32 $0x2200, v1;
	s8 =	sor.u32 s3, s7;
	v14 =	vld.idx.msk [tilespmem:v22+s18+$0x0], $0xffff;
	[tilespmem:s1+$0x14A80] =	vst v20  }
0x39b: {  	_ = 	snop  }
0x39c: {  	v17 =	vshll.u32 v13, $0x3  }
0x39d: {  	v29 =	vand.u32 $0x7F, v13;
	v17 =	vand.u32 $0xFFFFFC00, v17  }
0x39e: {  	v13 =	vor.u32 v29, v17  }
0x39f: {  	v17 =	vadd.s32 $0x2000, v13;
	_ =	sdelay $0x3  }
0x3a0: {  	v16 =	vld.idx.msk [tilespmem:v16+s18+$0x0], $0xffff  }
0x3a1: {  	v18 =	vadd.s32 $0x2080, v5;
	v17 =	vld.idx.msk [tilespmem:v17+s18+$0x0], $0xffff  }
0x3a2: {  	s3 =	sadd.s32 $0x80, s12;
	v19 =	vadd.s32 $0x2080, v13  }
0x3a3: {  	s7 =	sand.u32 $0x70, s10;
	s21 =	sand.u32 $0x3C00, s3;
	s3 =	sadd.s32 $0x80, s3  }
0x3a4: {  	[tilespmem:s8+$0x14800] =	vst v10;
	s23 =	sand.u32 $0x70, s15;
	s10 =	sor.u32 s7, s21;
	s3 =	sand.u32 $0x3C00, s3  }
0x3a5: {  	v10 =	vld.idx.msk [tilespmem:v15+s18+$0x0], $0xffff;
	s24 =	sor.u32 s23, s3;
	[tilespmem:s10+$0x14800] =	vst v16  }
0x3a6: {  	v30 =	vadd.s32 $0x2100, v4;
	v16 =	vld.idx.msk [tilespmem:v18+s18+$0x0], $0xffff;
	[tilespmem:s24+$0x14800] =	vst v17  }
0x3a7: {  	v31 =	vadd.s32 $0x2100, v5;
	v32 =	vld.idx.msk [tilespmem:v19+s18+$0x0], $0xffff  }
0x3a8: {  	v33 =	vadd.s32 $0x2100, v13;
	_ =	sdelay $0x1  }
0x3a9: {  	[tilespmem:s8+$0x14880] =	vst v10  }
0x3aa: {  	v34 =	vadd.s32 $0x2180, v3;
	v15 =	vld.idx.msk [tilespmem:v30+s18+$0x0], $0xffff;
	[tilespmem:s10+$0x14880] =	vst v16  }
0x3ab: {  	v35 =	vadd.s32 $0x2180, v4;
	v17 =	vld.idx.msk [tilespmem:v31+s18+$0x0], $0xffff;
	[tilespmem:s24+$0x14880] =	vst v32  }
0x3ac: {  	[tilespmem:s0+$0x14A00] =	vst v6;
	v36 =	vadd.s32 $0x2180, v5;
	v18 =	vld.idx.msk [tilespmem:v33+s18+$0x0], $0xffff  }
0x3ad: {  	[tilespmem:s2+$0x14980] =	vst v9;
	v37 =	vadd.s32 $0x2180, v13  }
0x3ae: {  	v8 =	vld.idx.msk [tilespmem:v8+s18+$0x0], $0xffff;
	[tilespmem:s5+$0x14900] =	vst v14  }
0x3af: {  	v10 =	vld.idx.msk [tilespmem:v34+s18+$0x0], $0xffff;
	[tilespmem:s8+$0x14900] =	vst v15  }
0x3b0: {  	v38 =	vadd.s32 $0x2200, v3;
	v15 =	vld.idx.msk [tilespmem:v35+s18+$0x0], $0xffff;
	[tilespmem:s10+$0x14900] =	vst v17  }
0x3b1: {  	v39 =	vadd.s32 $0x2200, v4;
	v6 =	vld.idx.msk [tilespmem:v36+s18+$0x0], $0xffff;
	[tilespmem:s24+$0x14900] =	vst v18  }
0x3b2: {  	v40 =	vadd.s32 $0x2200, v5;
	[tilespmem:s6+$0x14B80] =	vst v7;
	v9 =	vld.idx.msk [tilespmem:v37+s18+$0x0], $0xffff  }
0x3b3: {  	v11 =	vld.idx.msk [tilespmem:v11+s18+$0x0], $0xffff;
	v41 =	vadd.s32 $0x2200, v13;
	[tilespmem:s1+$0x14B00] =	vst v8  }
0x3b4: {  	v2 =	vadd.s32 $0x2380, v2;
	v12 =	vld.idx.msk [tilespmem:v12+s18+$0x0], $0xffff;
	[tilespmem:s5+$0x14980] =	vst v10  }
0x3b5: {  	v42 =	vadd.s32 $0x2280, v1;
	v14 =	vld.idx.msk [tilespmem:v38+s18+$0x0], $0xffff;
	[tilespmem:s8+$0x14980] =	vst v15  }
0x3b6: {  	v43 =	vadd.s32 $0x2280, v3;
	v16 =	vld.idx.msk [tilespmem:v39+s18+$0x0], $0xffff;
	[tilespmem:s10+$0x14980] =	vst v6  }
0x3b7: {  	v44 =	vadd.s32 $0x2280, v4;
	v7 =	vld.idx.msk [tilespmem:v40+s18+$0x0], $0xffff;
	[tilespmem:s24+$0x14980] =	vst v9  }
0x3b8: {  	v45 =	vadd.s32 $0x2280, v5;
	[tilespmem:s0+$0x14A80] =	vst v11;
	v8 =	vld.idx.msk [tilespmem:v41+s18+$0x0], $0xffff  }
0x3b9: {  	v46 =	vadd.s32 $0x2280, v13;
	v2 =	vld.idx.msk [tilespmem:v2+s18+$0x0], $0xffff;
	[tilespmem:s2+$0x14A00] =	vst v12  }
0x3ba: {  	v47 =	vadd.s32 $0x2300, v0;
	v10 =	vld.idx.msk [tilespmem:v42+s18+$0x0], $0xffff;
	[tilespmem:s5+$0x14A00] =	vst v14  }
0x3bb: {  	v48 =	vadd.s32 $0x2300, v1;
	v15 =	vld.idx.msk [tilespmem:v43+s18+$0x0], $0xffff;
	[tilespmem:s8+$0x14A00] =	vst v16  }
0x3bc: {  	v49 =	vadd.s32 $0x2300, v3;
	v6 =	vld.idx.msk [tilespmem:v44+s18+$0x0], $0xffff;
	[tilespmem:s10+$0x14A00] =	vst v7  }
0x3bd: {  	v50 =	vadd.s32 $0x2300, v4;
	v9 =	vld.idx.msk [tilespmem:v45+s18+$0x0], $0xffff;
	[tilespmem:s24+$0x14A00] =	vst v8  }
0x3be: {  	v51 =	vadd.s32 $0x2300, v5;
	[tilespmem:s1+$0x14B80] =	vst v2;
	v8 =	vld.idx.msk [tilespmem:v46+s18+$0x0], $0xffff  }
0x3bf: {  	v53 =	vadd.s32 $0x2300, v13;
	v52 =	vld.idx.msk [tilespmem:v47+s18+$0x0], $0xffff;
	[tilespmem:s2+$0x14A80] =	vst v10  }
0x3c0: {  	v54 =	vadd.s32 $0x2380, v0;
	v55 =	vld.idx.msk [tilespmem:v48+s18+$0x0], $0xffff;
	[tilespmem:s5+$0x14A80] =	vst v15  }
0x3c1: {  	v56 =	vadd.s32 $0x2380, v1;
	v57 =	vld.idx.msk [tilespmem:v49+s18+$0x0], $0xffff;
	[tilespmem:s8+$0x14A80] =	vst v6  }
0x3c2: {  	v58 =	vadd.s32 $0x2380, v3;
	v6 =	vld.idx.msk [tilespmem:v50+s18+$0x0], $0xffff;
	[tilespmem:s10+$0x14A80] =	vst v9  }
0x3c3: {  	v59 =	vadd.s32 $0x2380, v4;
	v2 =	vld.idx.msk [tilespmem:v51+s18+$0x0], $0xffff;
	[tilespmem:s24+$0x14A80] =	vst v8  }
0x3c4: {  	v60 =	vadd.s32 $0x2380, v5;
	[tilespmem:s0+$0x14B00] =	vst v52;
	v61 =	vld.idx.msk [tilespmem:v53+s18+$0x0], $0xffff  }
0x3c5: {  	v62 =	vadd.s32 $0x2380, v13;
	v0 =	vld.idx.msk [tilespmem:v54+s18+$0x0], $0xffff;
	[tilespmem:s2+$0x14B00] =	vst v55  }
0x3c6: {  	v1 =	vld.idx.msk [tilespmem:v56+s18+$0x0], $0xffff;
	[tilespmem:s5+$0x14B00] =	vst v57  }
0x3c7: {  	v3 =	vld.idx.msk [tilespmem:v58+s18+$0x0], $0xffff;
	[tilespmem:s8+$0x14B00] =	vst v6  }
0x3c8: {  	v4 =	vld.idx.msk [tilespmem:v59+s18+$0x0], $0xffff;
	[tilespmem:s10+$0x14B00] =	vst v2  }
0x3c9: {  	v2 =	vld.idx.msk [tilespmem:v60+s18+$0x0], $0xffff;
	[tilespmem:s24+$0x14B00] =	vst v61  }
0x3ca: {  	[tilespmem:s0+$0x14B80] =	vst v0;
	v63 =	vld.idx.msk [tilespmem:v62+s18+$0x0], $0xffff  }
0x3cb: {  	[tilespmem:s2+$0x14B80] =	vst v1  }
.Ltmp10:
0x3cc: {  	[tilespmem:s5+$0x14B80] =	vst v3;
	(pc) =	sbr.rel @p0 .LBB2_20-.Ltmp10, $4  }
0x3cd: {  	[tilespmem:s8+$0x14B80] =	vst v4  }
0x3ce: {  	[tilespmem:s10+$0x14B80] =	vst v2  }
0x3cf: {  	s28 =	sadd.s32 s31, s9;
	s31 =	simm.s32 $0x14800;
	[tilespmem:s24+$0x14B80] =	vst v63  }
0x3d0: {  	[hbm4b:s28+s4] =	stream.linear.scatter [tilespmem:s31], [sflag:$0x4], $0x4000, $0x38;
	[tilespmem:$0x18800] =	vst v63  }
.Ltmp11:
0x3d1: {  	(pc) =	sbr.rel .LBB2_10-.Ltmp11, $4  }
0x3d2: {  	_ = 	snop  }
0x3d3: {  	s0 =	rddreg [dreg:$0xc]  }
0x3d4: {  	s29 =	sadd.s32 $0x1, s29;
	s0 =	sadd.s32 s30, s0  }
0x3d5: {  	[tilespmem:s18], [sflag:$0x2] =	stream.linear.gather [hbm4b:s0+s4], $0x4000, $0x38;
	[tilespmem:$0x18800] =	vst v63  }
.LBB2_21:
0x3d6: {  	_ =	sfence.sel $0x180000  }
0x3d7: {  	[bflag:$0x0] =	sbarrier.arrive $0xFFFF  }
0x3d8: {  	_ =	strace $0x90000047  }
0x3d9: {  	s0 =	stileid.u32;
	[bflag:$0x2] =	sbarrier.arrive $0xFFFF  }
0x3da: {  	p0 =	sne.s32 s0, $0x0;
	s0 =	rddreg [dreg:$0x3]  }
0x3db: {  	s0 =	sadd.s32 @!p0 $0x100000, s0  }
0x3dc: {  	[sflag:s0] =	ssyncadd.tile.s32 @!p0 $0x1;
	_ =	shalt  }
.Lfunc_end2:
_tile_overlayer_lowered:
.L_overlay_start_2:
0x3dd: {  	(tag) =	ssettag $0x2  }
0x3de: {  	s0 =	rddreg [dreg:$0x0];
	s2 =	stileid.u32  }
0x3df: {  	s1 =	rddreg [dreg:$0x1];
	p0 =	sne.s32 s2, $0x0  }
0x3e0: {  	s3 =	rddreg [dreg:$0x2];
	[bflag:$0x3] =	sbarrier.arrive $0xFFFF;
	s2 =	simm.s32 @!p0 $0x1C05  }
0x3e1: {  	[timem:s3], [sflag:s2] =	dma.local @!p0 [hbm:s0], s1  }
0x3e2: {  	s0 =	simm.s32 @!p0 $0x5  }
0x3e3: {  	_ =	swait.ge @!p0 [sflag:s0], s1  }
0x3e4: {  	s1 =	ssub.s32 @!p0 $0x0, s1;
	[sflag:s0] =	ssyncset.done @!p0 $0x0  }
0x3e5: {  	[sflag:s0] =	ssyncadd.s32 @!p0 s1  }
0x3e6: {  	[bflag:$0x3] =	sbarrier.arrive $0xFFFF  }
0x3e7: {  	_ =	shalt  }

</sc_bundles>
